<compile_context>
chip_gen: v7x
topology: tpu7x:2x2x1
jax: 0.10.2.dev20260603
libtpu: 0.0.44.dev20260713+nightly
codegen_flags: <defaults>
</compile_context>

<pallas_src>
import functools

import jax
import jax.numpy as jnp
import numpy as np
from jax import lax
from jax.experimental import pallas as pl
from jax.experimental.pallas import tpu as pltpu
from jax.experimental.pallas import tpu_sc as plsc

N = 10000
E = 320000
D = 128
S = 16
H = 32
NUM_NEIGHBORS = 32.0
_SILU_CST = 1.679177

_C_S = float(np.sin(np.pi / 8.0))
_C_X = float(np.cos(np.pi / 8.0))


_BE = 3200


def _edge_mlp_body(es_ref, attr_ref, wfc1_ref, wfc2_ref, out_ref):
    est = es_ref[...]
    ht = lax.dot_general(wfc1_ref[...], est, (((0,), (0,)), ((), ())),
                         preferred_element_type=jnp.float32)
    ht = ht * (1.0 / np.sqrt(float(S)))
    ht = (ht * jax.nn.sigmoid(ht)) * _SILU_CST
    ht = ht * (attr_ref[...] * (1.0 / np.sqrt(float(H))))
    out_ref[...] = lax.dot_general(ht, wfc2_ref[...], (((0,), (0,)), ((), ())),
                                   preferred_element_type=jnp.float32)


def _edge_mlp(edge_scalars, edge_attr, W_fc1, W_fc2):
    es_t = edge_scalars.T
    attr_t = edge_attr.reshape(1, E)
    grid = (E // _BE,)
    return pl.pallas_call(
        _edge_mlp_body,
        grid=grid,
        in_specs=[
            pl.BlockSpec((S, _BE), lambda i: (0, i)),
            pl.BlockSpec((1, _BE), lambda i: (0, i)),
            pl.BlockSpec((S, H), lambda i: (0, 0)),
            pl.BlockSpec((H, D), lambda i: (0, 0)),
        ],
        out_specs=pl.BlockSpec((_BE, D), lambda i: (i, 0)),
        out_shape=jax.ShapeDtypeStruct((E, D), jnp.float32),
    )(es_t, attr_t, W_fc1, W_fc2)



_BN = 2000


def _node_pre_body(x_ref, attr_ref, wsc_ref, wlin1_ref, s_ref, xl_ref):
    xa = x_ref[...] * attr_ref[...]
    s_ref[...] = jnp.dot(xa, wsc_ref[...], preferred_element_type=jnp.float32) * (
        _C_S / np.sqrt(float(D))
    )
    xl_ref[...] = jnp.dot(xa, wlin1_ref[...], preferred_element_type=jnp.float32) * (
        1.0 / np.sqrt(float(D))
    )


def _node_pre(node_input, node_attr, W_sc, W_lin1):
    grid = (N // _BN,)
    return pl.pallas_call(
        _node_pre_body,
        grid=grid,
        in_specs=[
            pl.BlockSpec((_BN, D), lambda i: (i, 0)),
            pl.BlockSpec((_BN, 1), lambda i: (i, 0)),
            pl.BlockSpec((D, D), lambda i: (0, 0)),
            pl.BlockSpec((D, D), lambda i: (0, 0)),
        ],
        out_specs=[
            pl.BlockSpec((_BN, D), lambda i: (i, 0)),
            pl.BlockSpec((_BN, D), lambda i: (i, 0)),
        ],
        out_shape=[
            jax.ShapeDtypeStruct((N, D), jnp.float32),
            jax.ShapeDtypeStruct((N, D), jnp.float32),
        ],
    )(node_input, node_attr, W_sc, W_lin1)



_NC = 2
_NS = 16
_C = 80
_EALIGN = _NS * _C
_MAXEPT = E // _NS
_NH = N // 2
_AP = 5120
_TRASH = 5040
_RPT = _AP // _NS


def _sc_scatter_body(xl_hbm, wa_hbm, src_hbm, dst_hbm, es_hbm, out_hbm,
                     src_v, dst_v, es_v, idxd0, idxd1, sidx, rows0, rows1,
                     wab0, wab1, acc, sg0, sg1, sw0, sw1):
    cid = lax.axis_index("c")
    sid = lax.axis_index("s")

    zero16 = jnp.zeros((16,), jnp.float32)

    def zrow(i, carry):
        for v in range(D // 16):
            rows0[i, pl.ds(v * 16, 16)] = zero16
        return carry

    lax.fori_loop(0, _C, zrow, 0)

    def zcopy(j, carry):
        off = pl.multiple_of(sid * _RPT + j * _C, _C)
        pltpu.sync_copy(rows0, acc.at[pl.ds(off, _C)])
        return carry

    lax.fori_loop(0, _RPT // _C, zcopy, 0)

    pltpu.sync_copy(es_hbm, es_v)
    es = es_v[...][0]
    ept = jnp.where(cid == 0, es, E - es) // _NS
    iters = ept // _C
    ebase = pl.multiple_of(jnp.where(cid == 0, 0, es) + sid * ept, _C)

    pbase = pl.multiple_of(jnp.minimum(ebase, E - _MAXEPT), _C)
    delta = pl.multiple_of(ebase - pbase, _C)
    pltpu.sync_copy(src_hbm.at[pl.ds(pbase, _MAXEPT)], src_v)
    pltpu.sync_copy(dst_hbm.at[pl.ds(pbase, _MAXEPT)], dst_v)

    plsc.subcore_barrier()

    rows = (rows0, rows1)
    wabs = (wab0, wab1)
    idxds = (idxd0, idxd1)
    sgs = (sg0, sg1)
    sws = (sw0, sw1)

    def issue(k, b):
        koff = pl.multiple_of(delta + k * _C, _C)
        eoff = pl.multiple_of(ebase + k * _C, _C)
        pltpu.async_copy(xl_hbm.at[src_v.at[pl.ds(koff, _C)]], rows[b], sgs[b])
        pltpu.async_copy(wa_hbm.at[pl.ds(eoff, _C)], wabs[b], sws[b])

    def process(k, b):
        koff = pl.multiple_of(delta + k * _C, _C)
        eoff = pl.multiple_of(ebase + k * _C, _C)
        pltpu.make_async_copy(
            xl_hbm.at[src_v.at[pl.ds(koff, _C)]], rows[b], sgs[b]
        ).wait()
        pltpu.make_async_copy(
            wa_hbm.at[pl.ds(eoff, _C)], wabs[b], sws[b]
        ).wait()

        def erow(e, c2):
            for v in range(D // 16):
                sl = pl.ds(v * 16, 16)
                rows[b][e, sl] = rows[b][e, sl] * wabs[b][e, sl]
            return c2

        lax.fori_loop(0, _C, erow, 0)
        koff16 = pl.multiple_of(delta + k * _C, 16)

        @pl.when(cid == 0)
        def _():
            for j in range(_C // 16):
                idxds[b][pl.ds(j * 16, 16)] = dst_v[pl.ds(koff16 + j * 16, 16)]

        @pl.when(cid == 1)
        def _():
            for j in range(_C // 16):
                d16 = dst_v[pl.ds(koff16 + j * 16, 16)]
                idxds[b][pl.ds(j * 16, 16)] = jnp.where(
                    d16 < _NH, _TRASH, d16 - _NH
                )

        pltpu.sync_copy(rows[b], acc.at[idxds[b]], add=True)

    @pl.when(iters > 0)
    def _():
        issue(0, 0)

    def outer(o, carry):
        k0 = 2 * o
        k1 = 2 * o + 1

        @pl.when(k1 < iters)
        def _():
            issue(k1, 1)

        process(k0, 0)

        @pl.when(k0 + 2 < iters)
        def _():
            issue(k0 + 2, 0)

        @pl.when(k1 < iters)
        def _():
            process(k1, 1)

        return carry

    lax.fori_loop(0, (iters + 1) // 2, outer, 0)

    @pl.when(cid == 0)
    def _():
        sb = es + sid * _C
        sbc = pl.multiple_of(jnp.minimum(sb, E - _C), _C)
        pltpu.sync_copy(src_hbm.at[pl.ds(sbc, _C)], sidx)
        pltpu.async_copy(xl_hbm.at[sidx], rows0, sg0)
        pltpu.sync_copy(wa_hbm.at[pl.ds(sbc, _C)], wab0)
        pltpu.make_async_copy(xl_hbm.at[sidx], rows0, sg0).wait()

        def srow(e, c2):
            for v in range(D // 16):
                sl = pl.ds(v * 16, 16)
                rows0[e, sl] = rows0[e, sl] * wab0[e, sl]
            return c2

        lax.fori_loop(0, _C, srow, 0)
        pltpu.sync_copy(dst_hbm.at[pl.ds(sbc, _C)], sidx)
        lane = lax.iota(jnp.int32, 16)
        for j in range(_C // 16):
            d16 = sidx[pl.ds(j * 16, 16)]
            keep = (sbc + j * 16 + lane >= sb) & (d16 < _NH)
            idxd0[pl.ds(j * 16, 16)] = jnp.where(keep, d16, _TRASH)
        pltpu.sync_copy(rows0, acc.at[idxd0], add=True)

    plsc.subcore_barrier()
    ooff = pl.multiple_of(sid * _RPT, _RPT)
    pltpu.sync_copy(
        acc.at[pl.ds(ooff, _RPT)], out_hbm.at[cid, pl.ds(ooff, _RPT)]
    )


def _split_body(dst_ref, out_ref):
    cnt = jnp.sum((dst_ref[...] < _NH).astype(jnp.int32))
    es = (cnt // _EALIGN) * _EALIGN
    out_ref[...] = jnp.full((8, 128), es, dtype=jnp.int32)


def _split_point(edge_dst):
    dst2 = edge_dst.reshape(E // 128, 128)
    out = pl.pallas_call(
        _split_body,
        grid=(1,),
        in_specs=[pl.BlockSpec((E // 128, 128), lambda i: (0, 0))],
        out_specs=pl.BlockSpec((8, 128), lambda i: (0, 0)),
        out_shape=jax.ShapeDtypeStruct((8, 128), jnp.int32),
    )(dst2)
    return out[0, :16]


def _sc_scatter(xl, wa, edge_src, edge_dst):
    es_arr = _split_point(edge_dst)

    mesh = plsc.VectorSubcoreMesh(core_axis_name="c", subcore_axis_name="s")
    kern = functools.partial(
        pl.kernel,
        out_type=jax.ShapeDtypeStruct((_NC, _AP, D), jnp.float32),
        mesh=mesh,
        scratch_types=[
            pltpu.VMEM((_MAXEPT,), jnp.int32),
            pltpu.VMEM((_MAXEPT,), jnp.int32),
            pltpu.VMEM((16,), jnp.int32),
            pltpu.VMEM((_C,), jnp.int32),
            pltpu.VMEM((_C,), jnp.int32),
            pltpu.VMEM((_C,), jnp.int32),
            pltpu.VMEM((_C, D), jnp.float32),
            pltpu.VMEM((_C, D), jnp.float32),
            pltpu.VMEM((_C, D), jnp.float32),
            pltpu.VMEM((_C, D), jnp.float32),
            pltpu.VMEM_SHARED((_AP, D), jnp.float32),
            pltpu.SemaphoreType.DMA,
            pltpu.SemaphoreType.DMA,
            pltpu.SemaphoreType.DMA,
            pltpu.SemaphoreType.DMA,
        ],
    )(_sc_scatter_body)
    return kern(xl, wa, edge_src, edge_dst, es_arr)




def _post_body(s_ref, parts_ref, attr_ref, wlin2_ref, out_ref):
    agg = parts_ref[0] * attr_ref[...]
    x2 = jnp.dot(agg, wlin2_ref[...], preferred_element_type=jnp.float32)
    out_ref[...] = s_ref[...] + x2 * (_C_X / (np.sqrt(NUM_NEIGHBORS) * np.sqrt(float(D))))


def _post(s_pre, parts, node_attr, W_lin2):
    grid = (N // _NH,)
    return pl.pallas_call(
        _post_body,
        grid=grid,
        in_specs=[
            pl.BlockSpec((_NH, D), lambda i: (i, 0)),
            pl.BlockSpec((1, _NH, D), lambda i: (i, 0, 0)),
            pl.BlockSpec((_NH, 1), lambda i: (i, 0)),
            pl.BlockSpec((D, D), lambda i: (0, 0)),
        ],
        out_specs=pl.BlockSpec((_NH, D), lambda i: (i, 0)),
        out_shape=jax.ShapeDtypeStruct((N, D), jnp.float32),
    )(s_pre, parts, node_attr, W_lin2)




def kernel(node_input, node_attr, edge_src, edge_dst, edge_attr, edge_scalars,
           W_sc, W_lin1, W_fc1, W_fc2, W_lin2):
    wa = _edge_mlp(edge_scalars, edge_attr, W_fc1, W_fc2)
    s_pre, xl = _node_pre(node_input, node_attr, W_sc, W_lin1)
    parts = _sc_scatter(xl, wa, edge_src, edge_dst)
    return _post(s_pre, parts, node_attr, W_lin2)

# --- scband reference (transcript-rebuilt; emitter-appended) ---
"""Pipeline reference for scband-convolution-37976100831828 (READ-ONLY COPY).

The authoritative reference and input builder live on the scoring server;
editing this copy changes nothing except your own understanding.
"""

import jax, jax.numpy as jnp
import numpy as np

N = 10000
E = 320000
D = 128
S = 16
H = 32
NUM_NEIGHBORS = 32.0
_SILU_CST = 1.679177  # e3nn normalize2mom constant for silu


def _silu_n(x):
    return jax.nn.silu(x) * _SILU_CST


def _fctp_scalar(x, y, W):
    # FullyConnectedTensorProduct for 128x0e (x) 1x0e -> 128x0e, 'uvw' path
    # out[n,w] = sum_u W[u,w] * x[n,u] * y[n,0] / sqrt(mul1*mul2)
    return ((x * y) @ W) / jnp.sqrt(float(D))


def setup_inputs(seed: int = 0) -> dict:
    key = jax.random.key(seed)
    ks = jax.random.split(key, 12)
    node_input = jax.random.normal(ks[0], (N, D), dtype=jnp.float32)
    node_attr = jnp.ones((N, 1), dtype=jnp.float32)
    edge_src = jax.random.randint(ks[1], (E,), 0, N, dtype=jnp.int32)
    edge_dst = jnp.sort(jax.random.randint(ks[2], (E,), 0, N, dtype=jnp.int32))
    edge_attr = jax.random.normal(ks[3], (E, 1), dtype=jnp.float32)
    edge_scalars = jax.random.normal(ks[4], (E, S), dtype=jnp.float32)
    # learned parameters
    W_sc = jax.random.normal(ks[5], (D, D), dtype=jnp.float32)
    W_lin1 = jax.random.normal(ks[6], (D, D), dtype=jnp.float32)
    W_fc1 = jax.random.normal(ks[7], (S, H), dtype=jnp.float32)
    W_fc2 = jax.random.normal(ks[8], (H, D), dtype=jnp.float32)  # tp.weight_numel = 128 (single uvu path)
    W_lin2 = jax.random.normal(ks[9], (D, D), dtype=jnp.float32)
    return {"node_input": node_input, "node_attr": node_attr, "edge_src": edge_src,
            "edge_dst": edge_dst, "edge_attr": edge_attr, "edge_scalars": edge_scalars,
            "W_sc": W_sc, "W_lin1": W_lin1, "W_fc1": W_fc1, "W_fc2": W_fc2, "W_lin2": W_lin2}


def reference(node_input, node_attr, edge_src, edge_dst, edge_attr, edge_scalars,
              W_sc, W_lin1, W_fc1, W_fc2, W_lin2):
    # FullyConnectedNet([16, 32, 128], silu): hidden layer with normalized silu, last layer linear
    h = _silu_n((edge_scalars @ W_fc1) / jnp.sqrt(float(S)))
    weight = (h @ W_fc2) / jnp.sqrt(float(H))  # [E, D] per-edge tp weights

    x = node_input
    s = _fctp_scalar(x, node_attr, W_sc)          # self-connection
    x = _fctp_scalar(x, node_attr, W_lin1)        # lin1

    # TensorProduct 128x0e (x) 1x0e -> 128x0e, 'uvu', external per-edge weights
    msg = weight * jnp.take(x, edge_src, axis=0) * edge_attr  # [E, D]

    # scatter-add over destination nodes
    agg = jnp.zeros((N, D), dtype=msg.dtype).at[edge_dst].add(msg)
    agg = agg / (NUM_NEIGHBORS ** 0.5)

    x2 = _fctp_scalar(agg, node_attr, W_lin2)     # lin2

    c_s = np.sin(np.pi / 8.0)
    c_x = np.cos(np.pi / 8.0)  # sc.output_mask is all ones (every 0e output reachable)
    return c_s * s + c_x * x2

if __name__ == "__main__":
    import jax
    _d = setup_inputs()
    print(jax.jit(kernel)(*tuple(_d.values())))

</pallas_src>

<mosaic_0001>
#map = affine_map<(d0, d1) -> (0, 0)>
#map1 = affine_map<(d0, d1) -> (0)>
#map2 = affine_map<(d0, d1) -> (0, 0, 0)>
module attributes {stable_mosaic.version = 14 : i64} {
  func.func @_sc_scatter_body(%arg0: i32, %arg1: i32, %arg2: memref<10000x128xf32, #tpu.memory_space<hbm>>, %arg3: memref<320000x128xf32, #tpu.memory_space<hbm>>, %arg4: memref<320000xi32, #tpu.memory_space<hbm>>, %arg5: memref<320000xi32, #tpu.memory_space<hbm>>, %arg6: memref<16xi32, #tpu.memory_space<hbm>>, %arg7: memref<2x5120x128xf32, #tpu.memory_space<hbm>>, %arg8: memref<20000xi32, #tpu.memory_space<vmem>>, %arg9: memref<20000xi32, #tpu.memory_space<vmem>>, %arg10: memref<16xi32, #tpu.memory_space<vmem>>, %arg11: memref<80xi32, #tpu.memory_space<vmem>>, %arg12: memref<80xi32, #tpu.memory_space<vmem>>, %arg13: memref<80xi32, #tpu.memory_space<vmem>>, %arg14: memref<80x128xf32, #tpu.memory_space<vmem>>, %arg15: memref<80x128xf32, #tpu.memory_space<vmem>>, %arg16: memref<80x128xf32, #tpu.memory_space<vmem>>, %arg17: memref<80x128xf32, #tpu.memory_space<vmem>>, %arg18: memref<5120x128xf32, #tpu.memory_space<vmem_shared>>, %arg19: memref<!tpu.dma_semaphore, #tpu.memory_space<semaphore_mem>>, %arg20: memref<!tpu.dma_semaphore, #tpu.memory_space<semaphore_mem>>, %arg21: memref<!tpu.dma_semaphore, #tpu.memory_space<semaphore_mem>>, %arg22: memref<!tpu.dma_semaphore, #tpu.memory_space<semaphore_mem>>) attributes {dimension_semantics = [#tpu.dimension_semantics<core_parallel>, #tpu.dimension_semantics<subcore_parallel>], iteration_bounds = array<i64: 2, 16>, scalar_prefetch = 0 : i64, scratch_operands = 15 : i64, tpu.core_type = #tpu.core_type<sc_vector_subcore>, window_params = [{transform_indices = #map}, {transform_indices = #map}, {transform_indices = #map1}, {transform_indices = #map1}, {transform_indices = #map1}, {transform_indices = #map2}]} {
    %broadcast_in_dim3A = arith.constant 0.000000e+00 : f32
    %broadcast_in_dim3A_0 = vector.broadcast %broadcast_in_dim3A : f32 to vector<16xf32>
    %scan3A = arith.constant 0 : i32
    %scan3A_1 = arith.constant 0 : i32
    %scan3A_2 = arith.constant 80 : i32
    %scan3A_3 = arith.addi %scan3A_1, %scan3A_2 : i32
    %scan3A_4 = arith.constant 1 : i32
    scf.for %scan3A_112 = %scan3A_1 to %scan3A_3 step %scan3A_4  : i32 {
      %swap3A = arith.index_cast %scan3A_112 : i32 to index
      %swap3A_113 = arith.constant 0 : index
      %swap3A_114 = tpu.vector_load %arg14[%swap3A, %swap3A_113] {strides = array<i32>} : memref<80x128xf32, #tpu.memory_space<vmem>>, vector<1x16xf32>,
      %swap3A_115 = vector.shape_cast %swap3A_114 : vector<1x16xf32> to vector<16xf32>
      %swap3A_116 = vector.shape_cast %broadcast_in_dim3A_0 : vector<16xf32> to vector<1x16xf32>
      tpu.vector_store %arg14[%swap3A, %swap3A_113], %swap3A_116 {strides = array<i32>} : memref<80x128xf32, #tpu.memory_space<vmem>>, vector<1x16xf32>,
      %swap3A_117 = arith.index_cast %scan3A_112 : i32 to index
      %swap3A_118 = arith.constant 16 : index
      %swap3A_119 = tpu.vector_load %arg14[%swap3A_117, %swap3A_118] {strides = array<i32>} : memref<80x128xf32, #tpu.memory_space<vmem>>, vector<1x16xf32>,
      %swap3A_120 = vector.shape_cast %swap3A_119 : vector<1x16xf32> to vector<16xf32>
      %swap3A_121 = vector.shape_cast %broadcast_in_dim3A_0 : vector<16xf32> to vector<1x16xf32>
      tpu.vector_store %arg14[%swap3A_117, %swap3A_118], %swap3A_121 {strides = array<i32>} : memref<80x128xf32, #tpu.memory_space<vmem>>, vector<1x16xf32>,
      %swap3A_122 = arith.index_cast %scan3A_112 : i32 to index
      %swap3A_123 = arith.constant 32 : index
      %swap3A_124 = tpu.vector_load %arg14[%swap3A_122, %swap3A_123] {strides = array<i32>} : memref<80x128xf32, #tpu.memory_space<vmem>>, vector<1x16xf32>,
      %swap3A_125 = vector.shape_cast %swap3A_124 : vector<1x16xf32> to vector<16xf32>
      %swap3A_126 = vector.shape_cast %broadcast_in_dim3A_0 : vector<16xf32> to vector<1x16xf32>
      tpu.vector_store %arg14[%swap3A_122, %swap3A_123], %swap3A_126 {strides = array<i32>} : memref<80x128xf32, #tpu.memory_space<vmem>>, vector<1x16xf32>,
      %swap3A_127 = arith.index_cast %scan3A_112 : i32 to index
      %swap3A_128 = arith.constant 48 : index
      %swap3A_129 = tpu.vector_load %arg14[%swap3A_127, %swap3A_128] {strides = array<i32>} : memref<80x128xf32, #tpu.memory_space<vmem>>, vector<1x16xf32>,
      %swap3A_130 = vector.shape_cast %swap3A_129 : vector<1x16xf32> to vector<16xf32>
      %swap3A_131 = vector.shape_cast %broadcast_in_dim3A_0 : vector<16xf32> to vector<1x16xf32>
      tpu.vector_store %arg14[%swap3A_127, %swap3A_128], %swap3A_131 {strides = array<i32>} : memref<80x128xf32, #tpu.memory_space<vmem>>, vector<1x16xf32>,
      %swap3A_132 = arith.index_cast %scan3A_112 : i32 to index
      %swap3A_133 = arith.constant 64 : index
      %swap3A_134 = tpu.vector_load %arg14[%swap3A_132, %swap3A_133] {strides = array<i32>} : memref<80x128xf32, #tpu.memory_space<vmem>>, vector<1x16xf32>,
      %swap3A_135 = vector.shape_cast %swap3A_134 : vector<1x16xf32> to vector<16xf32>
      %swap3A_136 = vector.shape_cast %broadcast_in_dim3A_0 : vector<16xf32> to vector<1x16xf32>
      tpu.vector_store %arg14[%swap3A_132, %swap3A_133], %swap3A_136 {strides = array<i32>} : memref<80x128xf32, #tpu.memory_space<vmem>>, vector<1x16xf32>,
      %swap3A_137 = arith.index_cast %scan3A_112 : i32 to index
      %swap3A_138 = arith.constant 80 : index
      %swap3A_139 = tpu.vector_load %arg14[%swap3A_137, %swap3A_138] {strides = array<i32>} : memref<80x128xf32, #tpu.memory_space<vmem>>, vector<1x16xf32>,
      %swap3A_140 = vector.shape_cast %swap3A_139 : vector<1x16xf32> to vector<16xf32>
      %swap3A_141 = vector.shape_cast %broadcast_in_dim3A_0 : vector<16xf32> to vector<1x16xf32>
      tpu.vector_store %arg14[%swap3A_137, %swap3A_138], %swap3A_141 {strides = array<i32>} : memref<80x128xf32, #tpu.memory_space<vmem>>, vector<1x16xf32>,
      %swap3A_142 = arith.index_cast %scan3A_112 : i32 to index
      %swap3A_143 = arith.constant 96 : index
      %swap3A_144 = tpu.vector_load %arg14[%swap3A_142, %swap3A_143] {strides = array<i32>} : memref<80x128xf32, #tpu.memory_space<vmem>>, vector<1x16xf32>,
      %swap3A_145 = vector.shape_cast %swap3A_144 : vector<1x16xf32> to vector<16xf32>
      %swap3A_146 = vector.shape_cast %broadcast_in_dim3A_0 : vector<16xf32> to vector<1x16xf32>
      tpu.vector_store %arg14[%swap3A_142, %swap3A_143], %swap3A_146 {strides = array<i32>} : memref<80x128xf32, #tpu.memory_space<vmem>>, vector<1x16xf32>,
      %swap3A_147 = arith.index_cast %scan3A_112 : i32 to index
      %swap3A_148 = arith.constant 112 : index
      %swap3A_149 = tpu.vector_load %arg14[%swap3A_147, %swap3A_148] {strides = array<i32>} : memref<80x128xf32, #tpu.memory_space<vmem>>, vector<1x16xf32>,
      %swap3A_150 = vector.shape_cast %swap3A_149 : vector<1x16xf32> to vector<16xf32>
      %swap3A_151 = vector.shape_cast %broadcast_in_dim3A_0 : vector<16xf32> to vector<1x16xf32>
      tpu.vector_store %arg14[%swap3A_147, %swap3A_148], %swap3A_151 {strides = array<i32>} : memref<80x128xf32, #tpu.memory_space<vmem>>, vector<1x16xf32>,
    }
    %scan3A_5 = arith.constant 80 : i32
    %scan3A_6 = arith.constant 0 : i32
    %scan3A_7 = arith.constant 0 : i32
    %scan3A_8 = arith.constant 4 : i32
    %scan3A_9 = arith.addi %scan3A_7, %scan3A_8 : i32
    %scan3A_10 = arith.constant 1 : i32
    scf.for %scan3A_112 = %scan3A_7 to %scan3A_9 step %scan3A_10  : i32 {
      %mul3A_113 = arith.constant 320 : i32
      %mul3A_114 = arith.muli %arg1, %mul3A_113 : i32
      %mul3A_115 = arith.constant 80 : i32
      %mul3A_116 = arith.muli %scan3A_112, %mul3A_115 : i32
      %add3A_117 = arith.addi %mul3A_114, %mul3A_116 : i32
      %multiple_of3A_118 = tpu.assume_multiple %add3A_117, 80 : i32
      "tpu.region"() ({
        %run_scoped3A = tpu.sem_alloc : memref<!tpu.dma_semaphore, #tpu.memory_space<semaphore_mem>>
        %dma_start3A = arith.constant 0 : i32
        %dma_start3A_119 = tpu.memref_slice %arg18[%multiple_of3A_118, %dma_start3A] : memref<5120x128xf32, #tpu.memory_space<vmem_shared>> -> memref<80x128xf32, #tpu.memory_space<vmem_shared>>
        %dma_start3A_120 = arith.constant 0 : i32
        %dma_start3A_121 = tpu.memref_slice %arg18[%multiple_of3A_118, %dma_start3A_120] : memref<5120x128xf32, #tpu.memory_space<vmem_shared>> -> memref<80x128xf32, #tpu.memory_space<vmem_shared>>
        tpu.enqueue_dma source(%arg14 : memref<80x128xf32, #tpu.memory_space<vmem>>) target(%dma_start3A_121 : memref<80x128xf32, #tpu.memory_space<vmem_shared>>) target_semaphore(%run_scoped3A : memref<!tpu.dma_semaphore, #tpu.memory_space<semaphore_mem>>)
        %dma_wait3A = arith.constant 0 : i32
        %dma_wait3A_122 = tpu.memref_slice %arg18[%multiple_of3A_118, %dma_wait3A] : memref<5120x128xf32, #tpu.memory_space<vmem_shared>> -> memref<80x128xf32, #tpu.memory_space<vmem_shared>>
        %dma_wait3A_123 = arith.constant 0 : i32
        %dma_wait3A_124 = tpu.memref_slice %arg18[%multiple_of3A_118, %dma_wait3A_123] : memref<5120x128xf32, #tpu.memory_space<vmem_shared>> -> memref<80x128xf32, #tpu.memory_space<vmem_shared>>
        tpu.wait_dma2 semaphore(%run_scoped3A : memref<!tpu.dma_semaphore, #tpu.memory_space<semaphore_mem>>) src(%arg14 : memref<80x128xf32, #tpu.memory_space<vmem>>) dst(%dma_wait3A_124 : memref<80x128xf32, #tpu.memory_space<vmem_shared>>)
        tpu.yield
      }) : () -> ()
    }
    %scan3A_11 = arith.constant 4 : i32
    "tpu.region"() ({
      %run_scoped3A = tpu.sem_alloc : memref<!tpu.dma_semaphore, #tpu.memory_space<semaphore_mem>>
      tpu.enqueue_dma source(%arg6 : memref<16xi32, #tpu.memory_space<hbm>>) target(%arg10 : memref<16xi32, #tpu.memory_space<vmem>>) target_semaphore(%run_scoped3A : memref<!tpu.dma_semaphore, #tpu.memory_space<semaphore_mem>>)
      tpu.wait_dma2 semaphore(%run_scoped3A : memref<!tpu.dma_semaphore, #tpu.memory_space<semaphore_mem>>) src(%arg6 : memref<16xi32, #tpu.memory_space<hbm>>) dst(%arg10 : memref<16xi32, #tpu.memory_space<vmem>>)
      tpu.yield
    }) : () -> ()
    %get3A = arith.constant 0 : index
    %get3A_12 = tpu.vector_load %arg10[%get3A] {strides = array<i32>} : memref<16xi32, #tpu.memory_space<vmem>>, vector<16xi32>,
    %get3A_13 = vector.shape_cast %get3A_12 : vector<16xi32> to vector<16xi32>
    %slice3A = vector.extract_strided_slice %get3A_13 {offsets = [0], sizes = [1], strides = [1]} : vector<16xi32> to vector<1xi32>
    %squeeze3A = vector.extract %slice3A[0] : i32 from vector<1xi32>
    %eq3A = arith.constant 0 : i32
    %eq3A_14 = arith.cmpi eq, %arg0, %eq3A : i32
    %sub3A = arith.constant 320000 : i32
    %sub3A_15 = arith.subi %sub3A, %squeeze3A : i32
    %select_n3A = arith.select %eq3A_14, %squeeze3A, %sub3A_15 : i32
    %jit3A = arith.constant 16 : i32
    %div3A = arith.divsi %select_n3A, %jit3A : i32
    %sign3A = arith.constant 0 : i32
    %sign3A_16 = arith.cmpi sgt, %select_n3A, %sign3A : i32
    %sign3A_17 = arith.extui %sign3A_16 : i1 to i32
    %sign3A_18 = arith.constant 0 : i32
    %sign3A_19 = arith.cmpi slt, %select_n3A, %sign3A_18 : i32
    %sign3A_20 = arith.extui %sign3A_19 : i1 to i32
    %sign3A_21 = arith.subi %sign3A_17, %sign3A_20 : i32
    %sign3A_22 = arith.constant 0 : i32
    %sign3A_23 = arith.cmpi sgt, %jit3A, %sign3A_22 : i32
    %sign3A_24 = arith.extui %sign3A_23 : i1 to i32
    %sign3A_25 = arith.constant 0 : i32
    %sign3A_26 = arith.cmpi slt, %jit3A, %sign3A_25 : i32
    %sign3A_27 = arith.extui %sign3A_26 : i1 to i32
    %sign3A_28 = arith.subi %sign3A_24, %sign3A_27 : i32
    %ne3A = arith.cmpi ne, %sign3A_21, %sign3A_28 : i32
    %rem3A = arith.remsi %select_n3A, %jit3A : i32
    %ne3A_29 = arith.constant 0 : i32
    %ne3A_30 = arith.cmpi ne, %rem3A, %ne3A_29 : i32
    %and3A = arith.andi %ne3A, %ne3A_30 : i1
    %sub3A_31 = arith.constant 1 : i32
    %sub3A_32 = arith.subi %div3A, %sub3A_31 : i32
    %select_n3A_33 = arith.select %and3A, %sub3A_32, %div3A : i32
    %jit3A_34 = arith.constant 80 : i32
    %div3A_35 = arith.divsi %select_n3A_33, %jit3A_34 : i32
    %sign3A_36 = arith.constant 0 : i32
    %sign3A_37 = arith.cmpi sgt, %select_n3A_33, %sign3A_36 : i32
    %sign3A_38 = arith.extui %sign3A_37 : i1 to i32
    %sign3A_39 = arith.constant 0 : i32
    %sign3A_40 = arith.cmpi slt, %select_n3A_33, %sign3A_39 : i32
    %sign3A_41 = arith.extui %sign3A_40 : i1 to i32
    %sign3A_42 = arith.subi %sign3A_38, %sign3A_41 : i32
    %sign3A_43 = arith.constant 0 : i32
    %sign3A_44 = arith.cmpi sgt, %jit3A_34, %sign3A_43 : i32
    %sign3A_45 = arith.extui %sign3A_44 : i1 to i32
    %sign3A_46 = arith.constant 0 : i32
    %sign3A_47 = arith.cmpi slt, %jit3A_34, %sign3A_46 : i32
    %sign3A_48 = arith.extui %sign3A_47 : i1 to i32
    %sign3A_49 = arith.subi %sign3A_45, %sign3A_48 : i32
    %ne3A_50 = arith.cmpi ne, %sign3A_42, %sign3A_49 : i32
    %rem3A_51 = arith.remsi %select_n3A_33, %jit3A_34 : i32
    %ne3A_52 = arith.constant 0 : i32
    %ne3A_53 = arith.cmpi ne, %rem3A_51, %ne3A_52 : i32
    %and3A_54 = arith.andi %ne3A_50, %ne3A_53 : i1
    %sub3A_55 = arith.constant 1 : i32
    %sub3A_56 = arith.subi %div3A_35, %sub3A_55 : i32
    %select_n3A_57 = arith.select %and3A_54, %sub3A_56, %div3A_35 : i32
    %eq3A_58 = arith.constant 0 : i32
    %eq3A_59 = arith.cmpi eq, %arg0, %eq3A_58 : i32
    %jit3A_60 = arith.constant 0 : i32
    %select_n3A_61 = arith.select %eq3A_59, %jit3A_60, %squeeze3A : i32
    %mul3A = arith.muli %arg1, %select_n3A_33 : i32
    %add3A = arith.addi %select_n3A_61, %mul3A : i32
    %multiple_of3A = tpu.assume_multiple %add3A, 80 : i32
    %min3A = arith.constant 300000 : i32
    %min3A_62 = arith.minsi %multiple_of3A, %min3A : i32
    %multiple_of3A_63 = tpu.assume_multiple %min3A_62, 80 : i32
    %sub3A_64 = arith.subi %multiple_of3A, %multiple_of3A_63 : i32
    %multiple_of3A_65 = tpu.assume_multiple %sub3A_64, 80 : i32
    "tpu.region"() ({
      %run_scoped3A = tpu.sem_alloc : memref<!tpu.dma_semaphore, #tpu.memory_space<semaphore_mem>>
      %dma_start3A = tpu.memref_slice %arg4[%multiple_of3A_63] : memref<320000xi32, #tpu.memory_space<hbm>> -> memref<20000xi32, #tpu.memory_space<hbm>>
      %dma_start3A_112 = tpu.memref_slice %arg4[%multiple_of3A_63] : memref<320000xi32, #tpu.memory_space<hbm>> -> memref<20000xi32, #tpu.memory_space<hbm>>
      tpu.enqueue_dma source(%dma_start3A_112 : memref<20000xi32, #tpu.memory_space<hbm>>) target(%arg8 : memref<20000xi32, #tpu.memory_space<vmem>>) target_semaphore(%run_scoped3A : memref<!tpu.dma_semaphore, #tpu.memory_space<semaphore_mem>>)
      %dma_wait3A = tpu.memref_slice %arg4[%multiple_of3A_63] : memref<320000xi32, #tpu.memory_space<hbm>> -> memref<20000xi32, #tpu.memory_space<hbm>>
      %dma_wait3A_113 = tpu.memref_slice %arg4[%multiple_of3A_63] : memref<320000xi32, #tpu.memory_space<hbm>> -> memref<20000xi32, #tpu.memory_space<hbm>>
      tpu.wait_dma2 semaphore(%run_scoped3A : memref<!tpu.dma_semaphore, #tpu.memory_space<semaphore_mem>>) src(%dma_wait3A_113 : memref<20000xi32, #tpu.memory_space<hbm>>) dst(%arg8 : memref<20000xi32, #tpu.memory_space<vmem>>)
      tpu.yield
    }) : () -> ()
    "tpu.region"() ({
      %run_scoped3A = tpu.sem_alloc : memref<!tpu.dma_semaphore, #tpu.memory_space<semaphore_mem>>
      %dma_start3A = tpu.memref_slice %arg5[%multiple_of3A_63] : memref<320000xi32, #tpu.memory_space<hbm>> -> memref<20000xi32, #tpu.memory_space<hbm>>
      %dma_start3A_112 = tpu.memref_slice %arg5[%multiple_of3A_63] : memref<320000xi32, #tpu.memory_space<hbm>> -> memref<20000xi32, #tpu.memory_space<hbm>>
      tpu.enqueue_dma source(%dma_start3A_112 : memref<20000xi32, #tpu.memory_space<hbm>>) target(%arg9 : memref<20000xi32, #tpu.memory_space<vmem>>) target_semaphore(%run_scoped3A : memref<!tpu.dma_semaphore, #tpu.memory_space<semaphore_mem>>)
      %dma_wait3A = tpu.memref_slice %arg5[%multiple_of3A_63] : memref<320000xi32, #tpu.memory_space<hbm>> -> memref<20000xi32, #tpu.memory_space<hbm>>
      %dma_wait3A_113 = tpu.memref_slice %arg5[%multiple_of3A_63] : memref<320000xi32, #tpu.memory_space<hbm>> -> memref<20000xi32, #tpu.memory_space<hbm>>
      tpu.wait_dma2 semaphore(%run_scoped3A : memref<!tpu.dma_semaphore, #tpu.memory_space<semaphore_mem>>) src(%dma_wait3A_113 : memref<20000xi32, #tpu.memory_space<hbm>>) dst(%arg9 : memref<20000xi32, #tpu.memory_space<vmem>>)
      tpu.yield
    }) : () -> ()
    %barrier3A = arith.constant 0 : index
    tpu.barrier barrier_id(%barrier3A)
    %gt3A = arith.constant 0 : i32
    %gt3A_66 = arith.cmpi sgt, %select_n3A_57, %gt3A : i32
    %convert_element_type3A = arith.extui %gt3A_66 : i1 to i32
    %cond3A = arith.constant 0 : i32
    %cond3A_67 = arith.cmpi ne, %convert_element_type3A, %cond3A : i32
    scf.if %cond3A_67 {
      %add3A_112 = arith.constant 0 : i32
      %add3A_113 = arith.addi %multiple_of3A_65, %add3A_112 : i32
      %multiple_of3A_114 = tpu.assume_multiple %add3A_113, 80 : i32
      %add3A_115 = arith.constant 0 : i32
      %add3A_116 = arith.addi %multiple_of3A, %add3A_115 : i32
      %multiple_of3A_117 = tpu.assume_multiple %add3A_116, 80 : i32
      %dma_start3A = tpu.memref_slice %arg8[%multiple_of3A_114] : memref<20000xi32, #tpu.memory_space<vmem>> -> memref<80xi32, #tpu.memory_space<vmem>>
      %dma_start3A_118 = arith.constant 0 : i32
      %dma_start3A_119 = arith.constant 0 : i32
      %dma_start3A_120 = tpu.memref_slice %arg2[%dma_start3A_118, %dma_start3A_119] : memref<10000x128xf32, #tpu.memory_space<hbm>> -> memref<10000x128xf32, #tpu.memory_space<hbm>>
      tpu.enqueue_indirect_dma source(%dma_start3A_120 : memref<10000x128xf32, #tpu.memory_space<hbm>>) target(%arg14 : memref<80x128xf32, #tpu.memory_space<vmem>>) offsets(%dma_start3A : memref<80xi32, #tpu.memory_space<vmem>>) semaphore(%arg19 : memref<!tpu.dma_semaphore, #tpu.memory_space<semaphore_mem>>)
      %dma_start3A_121 = arith.constant 0 : i32
      %dma_start3A_122 = tpu.memref_slice %arg3[%multiple_of3A_117, %dma_start3A_121] : memref<320000x128xf32, #tpu.memory_space<hbm>> -> memref<80x128xf32, #tpu.memory_space<hbm>>
      %dma_start3A_123 = arith.constant 0 : i32
      %dma_start3A_124 = tpu.memref_slice %arg3[%multiple_of3A_117, %dma_start3A_123] : memref<320000x128xf32, #tpu.memory_space<hbm>> -> memref<80x128xf32, #tpu.memory_space<hbm>>
      tpu.enqueue_dma source(%dma_start3A_124 : memref<80x128xf32, #tpu.memory_space<hbm>>) target(%arg16 : memref<80x128xf32, #tpu.memory_space<vmem>>) target_semaphore(%arg21 : memref<!tpu.dma_semaphore, #tpu.memory_space<semaphore_mem>>)
    } else {
    }
    %add3A_68 = arith.constant 1 : i32
    %add3A_69 = arith.addi %select_n3A_57, %add3A_68 : i32
    %jit3A_70 = arith.constant 2 : i32
    %div3A_71 = arith.divsi %add3A_69, %jit3A_70 : i32
    %sign3A_72 = arith.constant 0 : i32
    %sign3A_73 = arith.cmpi sgt, %add3A_69, %sign3A_72 : i32
    %sign3A_74 = arith.extui %sign3A_73 : i1 to i32
    %sign3A_75 = arith.constant 0 : i32
    %sign3A_76 = arith.cmpi slt, %add3A_69, %sign3A_75 : i32
    %sign3A_77 = arith.extui %sign3A_76 : i1 to i32
    %sign3A_78 = arith.subi %sign3A_74, %sign3A_77 : i32
    %sign3A_79 = arith.constant 0 : i32
    %sign3A_80 = arith.cmpi sgt, %jit3A_70, %sign3A_79 : i32
    %sign3A_81 = arith.extui %sign3A_80 : i1 to i32
    %sign3A_82 = arith.constant 0 : i32
    %sign3A_83 = arith.cmpi slt, %jit3A_70, %sign3A_82 : i32
    %sign3A_84 = arith.extui %sign3A_83 : i1 to i32
    %sign3A_85 = arith.subi %sign3A_81, %sign3A_84 : i32
    %ne3A_86 = arith.cmpi ne, %sign3A_78, %sign3A_85 : i32
    %rem3A_87 = arith.remsi %add3A_69, %jit3A_70 : i32
    %ne3A_88 = arith.constant 0 : i32
    %ne3A_89 = arith.cmpi ne, %rem3A_87, %ne3A_88 : i32
    %and3A_90 = arith.andi %ne3A_86, %ne3A_89 : i1
    %sub3A_91 = arith.constant 1 : i32
    %sub3A_92 = arith.subi %div3A_71, %sub3A_91 : i32
    %select_n3A_93 = arith.select %and3A_90, %sub3A_92, %div3A_71 : i32
    %while3A = arith.constant 0 : i32
    %while3A_94 = arith.constant 0 : i32
    %while3A_95 = arith.subi %select_n3A_93, %while3A_94 : i32
    %while3A_96 = arith.addi %while3A_94, %while3A_95 : i32
    %while3A_97 = arith.constant 1 : i32
    %while3A_98 = arith.divsi %while3A_95, %while3A_97 : i32
    %while3A_99 = arith.muli %while3A_98, %while3A_97 : i32
    %while3A_100 = arith.addi %while3A_94, %while3A_99 : i32
    %while3A_101 = arith.constant 1 : i32
    scf.for %while3A_112 = %while3A_94 to %while3A_100 step %while3A_101  : i32 {
      %mul3A_113 = arith.constant 2 : i32
      %mul3A_114 = arith.muli %mul3A_113, %while3A_112 : i32
      %mul3A_115 = arith.constant 2 : i32
      %mul3A_116 = arith.muli %mul3A_115, %while3A_112 : i32
      %add3A_117 = arith.constant 1 : i32
      %add3A_118 = arith.addi %mul3A_116, %add3A_117 : i32
      %lt3A = arith.cmpi slt, %add3A_118, %select_n3A_57 : i32
      %convert_element_type3A_119 = arith.extui %lt3A : i1 to i32
      %cond3A_120 = arith.constant 0 : i32
      %cond3A_121 = arith.cmpi ne, %convert_element_type3A_119, %cond3A_120 : i32
      scf.if %cond3A_121 {
        %mul3A_167 = arith.constant 80 : i32
        %mul3A_168 = arith.muli %add3A_118, %mul3A_167 : i32
        %add3A_169 = arith.addi %multiple_of3A_65, %mul3A_168 : i32
        %multiple_of3A_170 = tpu.assume_multiple %add3A_169, 80 : i32
        %mul3A_171 = arith.constant 80 : i32
        %mul3A_172 = arith.muli %add3A_118, %mul3A_171 : i32
        %add3A_173 = arith.addi %multiple_of3A, %mul3A_172 : i32
        %multiple_of3A_174 = tpu.assume_multiple %add3A_173, 80 : i32
        %dma_start3A = tpu.memref_slice %arg8[%multiple_of3A_170] : memref<20000xi32, #tpu.memory_space<vmem>> -> memref<80xi32, #tpu.memory_space<vmem>>
        %dma_start3A_175 = arith.constant 0 : i32
        %dma_start3A_176 = arith.constant 0 : i32
        %dma_start3A_177 = tpu.memref_slice %arg2[%dma_start3A_175, %dma_start3A_176] : memref<10000x128xf32, #tpu.memory_space<hbm>> -> memref<10000x128xf32, #tpu.memory_space<hbm>>
        tpu.enqueue_indirect_dma source(%dma_start3A_177 : memref<10000x128xf32, #tpu.memory_space<hbm>>) target(%arg15 : memref<80x128xf32, #tpu.memory_space<vmem>>) offsets(%dma_start3A : memref<80xi32, #tpu.memory_space<vmem>>) semaphore(%arg20 : memref<!tpu.dma_semaphore, #tpu.memory_space<semaphore_mem>>)
        %dma_start3A_178 = arith.constant 0 : i32
        %dma_start3A_179 = tpu.memref_slice %arg3[%multiple_of3A_174, %dma_start3A_178] : memref<320000x128xf32, #tpu.memory_space<hbm>> -> memref<80x128xf32, #tpu.memory_space<hbm>>
        %dma_start3A_180 = arith.constant 0 : i32
        %dma_start3A_181 = tpu.memref_slice %arg3[%multiple_of3A_174, %dma_start3A_180] : memref<320000x128xf32, #tpu.memory_space<hbm>> -> memref<80x128xf32, #tpu.memory_space<hbm>>
        tpu.enqueue_dma source(%dma_start3A_181 : memref<80x128xf32, #tpu.memory_space<hbm>>) target(%arg17 : memref<80x128xf32, #tpu.memory_space<vmem>>) target_semaphore(%arg22 : memref<!tpu.dma_semaphore, #tpu.memory_space<semaphore_mem>>)
      } else {
      }
      %mul3A_122 = arith.constant 80 : i32
      %mul3A_123 = arith.muli %mul3A_114, %mul3A_122 : i32
      %add3A_124 = arith.addi %multiple_of3A_65, %mul3A_123 : i32
      %multiple_of3A_125 = tpu.assume_multiple %add3A_124, 80 : i32
      %mul3A_126 = arith.constant 80 : i32
      %mul3A_127 = arith.muli %mul3A_114, %mul3A_126 : i32
      %add3A_128 = arith.addi %multiple_of3A, %mul3A_127 : i32
      %multiple_of3A_129 = tpu.assume_multiple %add3A_128, 80 : i32
      %dma_wait3A = tpu.memref_slice %arg8[%multiple_of3A_125] : memref<20000xi32, #tpu.memory_space<vmem>> -> memref<80xi32, #tpu.memory_space<vmem>>
      %dma_wait3A_130 = arith.constant 0 : i32
      %dma_wait3A_131 = arith.constant 0 : i32
      %dma_wait3A_132 = tpu.memref_slice %arg2[%dma_wait3A_130, %dma_wait3A_131] : memref<10000x128xf32, #tpu.memory_space<hbm>> -> memref<10000x128xf32, #tpu.memory_space<hbm>>
      tpu.wait_indirect_dma semaphore(%arg19 : memref<!tpu.dma_semaphore, #tpu.memory_space<semaphore_mem>>) src(%dma_wait3A_132 : memref<10000x128xf32, #tpu.memory_space<hbm>>) dst(%arg14 : memref<80x128xf32, #tpu.memory_space<vmem>>)
      %dma_wait3A_133 = arith.constant 0 : i32
      %dma_wait3A_134 = tpu.memref_slice %arg3[%multiple_of3A_129, %dma_wait3A_133] : memref<320000x128xf32, #tpu.memory_space<hbm>> -> memref<80x128xf32, #tpu.memory_space<hbm>>
      %dma_wait3A_135 = arith.constant 0 : i32
      %dma_wait3A_136 = tpu.memref_slice %arg3[%multiple_of3A_129, %dma_wait3A_135] : memref<320000x128xf32, #tpu.memory_space<hbm>> -> memref<80x128xf32, #tpu.memory_space<hbm>>
      tpu.wait_dma2 semaphore(%arg21 : memref<!tpu.dma_semaphore, #tpu.memory_space<semaphore_mem>>) src(%dma_wait3A_136 : memref<80x128xf32, #tpu.memory_space<hbm>>) dst(%arg16 : memref<80x128xf32, #tpu.memory_space<vmem>>)
      %scan3A_137 = arith.constant 0 : i32
      %scan3A_138 = arith.constant 0 : i32
      %scan3A_139 = arith.constant 80 : i32
      %scan3A_140 = arith.addi %scan3A_138, %scan3A_139 : i32
      %scan3A_141 = arith.constant 1 : i32
      scf.for %scan3A_167 = %scan3A_138 to %scan3A_140 step %scan3A_141  : i32 {
        %get3A_168 = arith.index_cast %scan3A_167 : i32 to index
        %get3A_169 = arith.constant 0 : index
        %get3A_170 = tpu.vector_load %arg14[%get3A_168, %get3A_169] {strides = array<i32>} : memref<80x128xf32, #tpu.memory_space<vmem>>, vector<1x16xf32>,
        %get3A_171 = vector.shape_cast %get3A_170 : vector<1x16xf32> to vector<16xf32>
        %get3A_172 = arith.index_cast %scan3A_167 : i32 to index
        %get3A_173 = arith.constant 0 : index
        %get3A_174 = tpu.vector_load %arg16[%get3A_172, %get3A_173] {strides = array<i32>} : memref<80x128xf32, #tpu.memory_space<vmem>>, vector<1x16xf32>,
        %get3A_175 = vector.shape_cast %get3A_174 : vector<1x16xf32> to vector<16xf32>
        %mul3A_176 = arith.mulf %get3A_171, %get3A_175 : vector<16xf32>
        %swap3A = arith.index_cast %scan3A_167 : i32 to index
        %swap3A_177 = arith.constant 0 : index
        %swap3A_178 = tpu.vector_load %arg14[%swap3A, %swap3A_177] {strides = array<i32>} : memref<80x128xf32, #tpu.memory_space<vmem>>, vector<1x16xf32>,
        %swap3A_179 = vector.shape_cast %swap3A_178 : vector<1x16xf32> to vector<16xf32>
        %swap3A_180 = vector.shape_cast %mul3A_176 : vector<16xf32> to vector<1x16xf32>
        tpu.vector_store %arg14[%swap3A, %swap3A_177], %swap3A_180 {strides = array<i32>} : memref<80x128xf32, #tpu.memory_space<vmem>>, vector<1x16xf32>,
        %get3A_181 = arith.index_cast %scan3A_167 : i32 to index
        %get3A_182 = arith.constant 16 : index
        %get3A_183 = tpu.vector_load %arg14[%get3A_181, %get3A_182] {strides = array<i32>} : memref<80x128xf32, #tpu.memory_space<vmem>>, vector<1x16xf32>,
        %get3A_184 = vector.shape_cast %get3A_183 : vector<1x16xf32> to vector<16xf32>
        %get3A_185 = arith.index_cast %scan3A_167 : i32 to index
        %get3A_186 = arith.constant 16 : index
        %get3A_187 = tpu.vector_load %arg16[%get3A_185, %get3A_186] {strides = array<i32>} : memref<80x128xf32, #tpu.memory_space<vmem>>, vector<1x16xf32>,
        %get3A_188 = vector.shape_cast %get3A_187 : vector<1x16xf32> to vector<16xf32>
        %mul3A_189 = arith.mulf %get3A_184, %get3A_188 : vector<16xf32>
        %swap3A_190 = arith.index_cast %scan3A_167 : i32 to index
        %swap3A_191 = arith.constant 16 : index
        %swap3A_192 = tpu.vector_load %arg14[%swap3A_190, %swap3A_191] {strides = array<i32>} : memref<80x128xf32, #tpu.memory_space<vmem>>, vector<1x16xf32>,
        %swap3A_193 = vector.shape_cast %swap3A_192 : vector<1x16xf32> to vector<16xf32>
        %swap3A_194 = vector.shape_cast %mul3A_189 : vector<16xf32> to vector<1x16xf32>
        tpu.vector_store %arg14[%swap3A_190, %swap3A_191], %swap3A_194 {strides = array<i32>} : memref<80x128xf32, #tpu.memory_space<vmem>>, vector<1x16xf32>,
        %get3A_195 = arith.index_cast %scan3A_167 : i32 to index
        %get3A_196 = arith.constant 32 : index
        %get3A_197 = tpu.vector_load %arg14[%get3A_195, %get3A_196] {strides = array<i32>} : memref<80x128xf32, #tpu.memory_space<vmem>>, vector<1x16xf32>,
        %get3A_198 = vector.shape_cast %get3A_197 : vector<1x16xf32> to vector<16xf32>
        %get3A_199 = arith.index_cast %scan3A_167 : i32 to index
        %get3A_200 = arith.constant 32 : index
        %get3A_201 = tpu.vector_load %arg16[%get3A_199, %get3A_200] {strides = array<i32>} : memref<80x128xf32, #tpu.memory_space<vmem>>, vector<1x16xf32>,
        %get3A_202 = vector.shape_cast %get3A_201 : vector<1x16xf32> to vector<16xf32>
        %mul3A_203 = arith.mulf %get3A_198, %get3A_202 : vector<16xf32>
        %swap3A_204 = arith.index_cast %scan3A_167 : i32 to index
        %swap3A_205 = arith.constant 32 : index
        %swap3A_206 = tpu.vector_load %arg14[%swap3A_204, %swap3A_205] {strides = array<i32>} : memref<80x128xf32, #tpu.memory_space<vmem>>, vector<1x16xf32>,
        %swap3A_207 = vector.shape_cast %swap3A_206 : vector<1x16xf32> to vector<16xf32>
        %swap3A_208 = vector.shape_cast %mul3A_203 : vector<16xf32> to vector<1x16xf32>
        tpu.vector_store %arg14[%swap3A_204, %swap3A_205], %swap3A_208 {strides = array<i32>} : memref<80x128xf32, #tpu.memory_space<vmem>>, vector<1x16xf32>,
        %get3A_209 = arith.index_cast %scan3A_167 : i32 to index
        %get3A_210 = arith.constant 48 : index
        %get3A_211 = tpu.vector_load %arg14[%get3A_209, %get3A_210] {strides = array<i32>} : memref<80x128xf32, #tpu.memory_space<vmem>>, vector<1x16xf32>,
        %get3A_212 = vector.shape_cast %get3A_211 : vector<1x16xf32> to vector<16xf32>
        %get3A_213 = arith.index_cast %scan3A_167 : i32 to index
        %get3A_214 = arith.constant 48 : index
        %get3A_215 = tpu.vector_load %arg16[%get3A_213, %get3A_214] {strides = array<i32>} : memref<80x128xf32, #tpu.memory_space<vmem>>, vector<1x16xf32>,
        %get3A_216 = vector.shape_cast %get3A_215 : vector<1x16xf32> to vector<16xf32>
        %mul3A_217 = arith.mulf %get3A_212, %get3A_216 : vector<16xf32>
        %swap3A_218 = arith.index_cast %scan3A_167 : i32 to index
        %swap3A_219 = arith.constant 48 : index
        %swap3A_220 = tpu.vector_load %arg14[%swap3A_218, %swap3A_219] {strides = array<i32>} : memref<80x128xf32, #tpu.memory_space<vmem>>, vector<1x16xf32>,
        %swap3A_221 = vector.shape_cast %swap3A_220 : vector<1x16xf32> to vector<16xf32>
        %swap3A_222 = vector.shape_cast %mul3A_217 : vector<16xf32> to vector<1x16xf32>
        tpu.vector_store %arg14[%swap3A_218, %swap3A_219], %swap3A_222 {strides = array<i32>} : memref<80x128xf32, #tpu.memory_space<vmem>>, vector<1x16xf32>,
        %get3A_223 = arith.index_cast %scan3A_167 : i32 to index
        %get3A_224 = arith.constant 64 : index
        %get3A_225 = tpu.vector_load %arg14[%get3A_223, %get3A_224] {strides = array<i32>} : memref<80x128xf32, #tpu.memory_space<vmem>>, vector<1x16xf32>,
        %get3A_226 = vector.shape_cast %get3A_225 : vector<1x16xf32> to vector<16xf32>
        %get3A_227 = arith.index_cast %scan3A_167 : i32 to index
        %get3A_228 = arith.constant 64 : index
        %get3A_229 = tpu.vector_load %arg16[%get3A_227, %get3A_228] {strides = array<i32>} : memref<80x128xf32, #tpu.memory_space<vmem>>, vector<1x16xf32>,
        %get3A_230 = vector.shape_cast %get3A_229 : vector<1x16xf32> to vector<16xf32>
        %mul3A_231 = arith.mulf %get3A_226, %get3A_230 : vector<16xf32>
        %swap3A_232 = arith.index_cast %scan3A_167 : i32 to index
        %swap3A_233 = arith.constant 64 : index
        %swap3A_234 = tpu.vector_load %arg14[%swap3A_232, %swap3A_233] {strides = array<i32>} : memref<80x128xf32, #tpu.memory_space<vmem>>, vector<1x16xf32>,
        %swap3A_235 = vector.shape_cast %swap3A_234 : vector<1x16xf32> to vector<16xf32>
        %swap3A_236 = vector.shape_cast %mul3A_231 : vector<16xf32> to vector<1x16xf32>
        tpu.vector_store %arg14[%swap3A_232, %swap3A_233], %swap3A_236 {strides = array<i32>} : memref<80x128xf32, #tpu.memory_space<vmem>>, vector<1x16xf32>,
        %get3A_237 = arith.index_cast %scan3A_167 : i32 to index
        %get3A_238 = arith.constant 80 : index
        %get3A_239 = tpu.vector_load %arg14[%get3A_237, %get3A_238] {strides = array<i32>} : memref<80x128xf32, #tpu.memory_space<vmem>>, vector<1x16xf32>,
        %get3A_240 = vector.shape_cast %get3A_239 : vector<1x16xf32> to vector<16xf32>
        %get3A_241 = arith.index_cast %scan3A_167 : i32 to index
        %get3A_242 = arith.constant 80 : index
        %get3A_243 = tpu.vector_load %arg16[%get3A_241, %get3A_242] {strides = array<i32>} : memref<80x128xf32, #tpu.memory_space<vmem>>, vector<1x16xf32>,
        %get3A_244 = vector.shape_cast %get3A_243 : vector<1x16xf32> to vector<16xf32>
        %mul3A_245 = arith.mulf %get3A_240, %get3A_244 : vector<16xf32>
        %swap3A_246 = arith.index_cast %scan3A_167 : i32 to index
        %swap3A_247 = arith.constant 80 : index
        %swap3A_248 = tpu.vector_load %arg14[%swap3A_246, %swap3A_247] {strides = array<i32>} : memref<80x128xf32, #tpu.memory_space<vmem>>, vector<1x16xf32>,
        %swap3A_249 = vector.shape_cast %swap3A_248 : vector<1x16xf32> to vector<16xf32>
        %swap3A_250 = vector.shape_cast %mul3A_245 : vector<16xf32> to vector<1x16xf32>
        tpu.vector_store %arg14[%swap3A_246, %swap3A_247], %swap3A_250 {strides = array<i32>} : memref<80x128xf32, #tpu.memory_space<vmem>>, vector<1x16xf32>,
        %get3A_251 = arith.index_cast %scan3A_167 : i32 to index
        %get3A_252 = arith.constant 96 : index
        %get3A_253 = tpu.vector_load %arg14[%get3A_251, %get3A_252] {strides = array<i32>} : memref<80x128xf32, #tpu.memory_space<vmem>>, vector<1x16xf32>,
        %get3A_254 = vector.shape_cast %get3A_253 : vector<1x16xf32> to vector<16xf32>
        %get3A_255 = arith.index_cast %scan3A_167 : i32 to index
        %get3A_256 = arith.constant 96 : index
        %get3A_257 = tpu.vector_load %arg16[%get3A_255, %get3A_256] {strides = array<i32>} : memref<80x128xf32, #tpu.memory_space<vmem>>, vector<1x16xf32>,
        %get3A_258 = vector.shape_cast %get3A_257 : vector<1x16xf32> to vector<16xf32>
        %mul3A_259 = arith.mulf %get3A_254, %get3A_258 : vector<16xf32>
        %swap3A_260 = arith.index_cast %scan3A_167 : i32 to index
        %swap3A_261 = arith.constant 96 : index
        %swap3A_262 = tpu.vector_load %arg14[%swap3A_260, %swap3A_261] {strides = array<i32>} : memref<80x128xf32, #tpu.memory_space<vmem>>, vector<1x16xf32>,
        %swap3A_263 = vector.shape_cast %swap3A_262 : vector<1x16xf32> to vector<16xf32>
        %swap3A_264 = vector.shape_cast %mul3A_259 : vector<16xf32> to vector<1x16xf32>
        tpu.vector_store %arg14[%swap3A_260, %swap3A_261], %swap3A_264 {strides = array<i32>} : memref<80x128xf32, #tpu.memory_space<vmem>>, vector<1x16xf32>,
        %get3A_265 = arith.index_cast %scan3A_167 : i32 to index
        %get3A_266 = arith.constant 112 : index
        %get3A_267 = tpu.vector_load %arg14[%get3A_265, %get3A_266] {strides = array<i32>} : memref<80x128xf32, #tpu.memory_space<vmem>>, vector<1x16xf32>,
        %get3A_268 = vector.shape_cast %get3A_267 : vector<1x16xf32> to vector<16xf32>
        %get3A_269 = arith.index_cast %scan3A_167 : i32 to index
        %get3A_270 = arith.constant 112 : index
        %get3A_271 = tpu.vector_load %arg16[%get3A_269, %get3A_270] {strides = array<i32>} : memref<80x128xf32, #tpu.memory_space<vmem>>, vector<1x16xf32>,
        %get3A_272 = vector.shape_cast %get3A_271 : vector<1x16xf32> to vector<16xf32>
        %mul3A_273 = arith.mulf %get3A_268, %get3A_272 : vector<16xf32>
        %swap3A_274 = arith.index_cast %scan3A_167 : i32 to index
        %swap3A_275 = arith.constant 112 : index
        %swap3A_276 = tpu.vector_load %arg14[%swap3A_274, %swap3A_275] {strides = array<i32>} : memref<80x128xf32, #tpu.memory_space<vmem>>, vector<1x16xf32>,
        %swap3A_277 = vector.shape_cast %swap3A_276 : vector<1x16xf32> to vector<16xf32>
        %swap3A_278 = vector.shape_cast %mul3A_273 : vector<16xf32> to vector<1x16xf32>
        tpu.vector_store %arg14[%swap3A_274, %swap3A_275], %swap3A_278 {strides = array<i32>} : memref<80x128xf32, #tpu.memory_space<vmem>>, vector<1x16xf32>,
      }
      %scan3A_142 = arith.constant 80 : i32
      %mul3A_143 = arith.constant 80 : i32
      %mul3A_144 = arith.muli %mul3A_114, %mul3A_143 : i32
      %add3A_145 = arith.addi %multiple_of3A_65, %mul3A_144 : i32
      %multiple_of3A_146 = tpu.assume_multiple %add3A_145, 16 : i32
      %eq3A_147 = arith.constant 0 : i32
      %eq3A_148 = arith.cmpi eq, %arg0, %eq3A_147 : i32
      %convert_element_type3A_149 = arith.extui %eq3A_148 : i1 to i32
      %cond3A_150 = arith.constant 0 : i32
      %cond3A_151 = arith.cmpi ne, %convert_element_type3A_149, %cond3A_150 : i32
      scf.if %cond3A_151 {
        %add3A_167 = arith.constant 0 : i32
        %add3A_168 = arith.addi %multiple_of3A_146, %add3A_167 : i32
        %get3A_169 = arith.index_cast %add3A_168 : i32 to index
        %get3A_170 = tpu.vector_load %arg9[%get3A_169] {strides = array<i32>} : memref<20000xi32, #tpu.memory_space<vmem>>, vector<16xi32>,
        %get3A_171 = vector.shape_cast %get3A_170 : vector<16xi32> to vector<16xi32>
        %swap3A = arith.constant 0 : index
        %swap3A_172 = tpu.vector_load %arg11[%swap3A] {strides = array<i32>} : memref<80xi32, #tpu.memory_space<vmem>>, vector<16xi32>,
        %swap3A_173 = vector.shape_cast %swap3A_172 : vector<16xi32> to vector<16xi32>
        %swap3A_174 = vector.shape_cast %get3A_171 : vector<16xi32> to vector<16xi32>
        tpu.vector_store %arg11[%swap3A], %swap3A_174 {strides = array<i32>} : memref<80xi32, #tpu.memory_space<vmem>>, vector<16xi32>,
        %add3A_175 = arith.constant 16 : i32
        %add3A_176 = arith.addi %multiple_of3A_146, %add3A_175 : i32
        %get3A_177 = arith.index_cast %add3A_176 : i32 to index
        %get3A_178 = tpu.vector_load %arg9[%get3A_177] {strides = array<i32>} : memref<20000xi32, #tpu.memory_space<vmem>>, vector<16xi32>,
        %get3A_179 = vector.shape_cast %get3A_178 : vector<16xi32> to vector<16xi32>
        %swap3A_180 = arith.constant 16 : index
        %swap3A_181 = tpu.vector_load %arg11[%swap3A_180] {strides = array<i32>} : memref<80xi32, #tpu.memory_space<vmem>>, vector<16xi32>,
        %swap3A_182 = vector.shape_cast %swap3A_181 : vector<16xi32> to vector<16xi32>
        %swap3A_183 = vector.shape_cast %get3A_179 : vector<16xi32> to vector<16xi32>
        tpu.vector_store %arg11[%swap3A_180], %swap3A_183 {strides = array<i32>} : memref<80xi32, #tpu.memory_space<vmem>>, vector<16xi32>,
        %add3A_184 = arith.constant 32 : i32
        %add3A_185 = arith.addi %multiple_of3A_146, %add3A_184 : i32
        %get3A_186 = arith.index_cast %add3A_185 : i32 to index
        %get3A_187 = tpu.vector_load %arg9[%get3A_186] {strides = array<i32>} : memref<20000xi32, #tpu.memory_space<vmem>>, vector<16xi32>,
        %get3A_188 = vector.shape_cast %get3A_187 : vector<16xi32> to vector<16xi32>
        %swap3A_189 = arith.constant 32 : index
        %swap3A_190 = tpu.vector_load %arg11[%swap3A_189] {strides = array<i32>} : memref<80xi32, #tpu.memory_space<vmem>>, vector<16xi32>,
        %swap3A_191 = vector.shape_cast %swap3A_190 : vector<16xi32> to vector<16xi32>
        %swap3A_192 = vector.shape_cast %get3A_188 : vector<16xi32> to vector<16xi32>
        tpu.vector_store %arg11[%swap3A_189], %swap3A_192 {strides = array<i32>} : memref<80xi32, #tpu.memory_space<vmem>>, vector<16xi32>,
        %add3A_193 = arith.constant 48 : i32
        %add3A_194 = arith.addi %multiple_of3A_146, %add3A_193 : i32
        %get3A_195 = arith.index_cast %add3A_194 : i32 to index
        %get3A_196 = tpu.vector_load %arg9[%get3A_195] {strides = array<i32>} : memref<20000xi32, #tpu.memory_space<vmem>>, vector<16xi32>,
        %get3A_197 = vector.shape_cast %get3A_196 : vector<16xi32> to vector<16xi32>
        %swap3A_198 = arith.constant 48 : index
        %swap3A_199 = tpu.vector_load %arg11[%swap3A_198] {strides = array<i32>} : memref<80xi32, #tpu.memory_space<vmem>>, vector<16xi32>,
        %swap3A_200 = vector.shape_cast %swap3A_199 : vector<16xi32> to vector<16xi32>
        %swap3A_201 = vector.shape_cast %get3A_197 : vector<16xi32> to vector<16xi32>
        tpu.vector_store %arg11[%swap3A_198], %swap3A_201 {strides = array<i32>} : memref<80xi32, #tpu.memory_space<vmem>>, vector<16xi32>,
        %add3A_202 = arith.constant 64 : i32
        %add3A_203 = arith.addi %multiple_of3A_146, %add3A_202 : i32
        %get3A_204 = arith.index_cast %add3A_203 : i32 to index
        %get3A_205 = tpu.vector_load %arg9[%get3A_204] {strides = array<i32>} : memref<20000xi32, #tpu.memory_space<vmem>>, vector<16xi32>,
        %get3A_206 = vector.shape_cast %get3A_205 : vector<16xi32> to vector<16xi32>
        %swap3A_207 = arith.constant 64 : index
        %swap3A_208 = tpu.vector_load %arg11[%swap3A_207] {strides = array<i32>} : memref<80xi32, #tpu.memory_space<vmem>>, vector<16xi32>,
        %swap3A_209 = vector.shape_cast %swap3A_208 : vector<16xi32> to vector<16xi32>
        %swap3A_210 = vector.shape_cast %get3A_206 : vector<16xi32> to vector<16xi32>
        tpu.vector_store %arg11[%swap3A_207], %swap3A_210 {strides = array<i32>} : memref<80xi32, #tpu.memory_space<vmem>>, vector<16xi32>,
      } else {
      }
      %eq3A_152 = arith.constant 1 : i32
      %eq3A_153 = arith.cmpi eq, %arg0, %eq3A_152 : i32
      %convert_element_type3A_154 = arith.extui %eq3A_153 : i1 to i32
      %cond3A_155 = arith.constant 0 : i32
      %cond3A_156 = arith.cmpi ne, %convert_element_type3A_154, %cond3A_155 : i32
      scf.if %cond3A_156 {
        %add3A_167 = arith.constant 0 : i32
        %add3A_168 = arith.addi %multiple_of3A_146, %add3A_167 : i32
        %get3A_169 = arith.index_cast %add3A_168 : i32 to index
        %get3A_170 = tpu.vector_load %arg9[%get3A_169] {strides = array<i32>} : memref<20000xi32, #tpu.memory_space<vmem>>, vector<16xi32>,
        %get3A_171 = vector.shape_cast %get3A_170 : vector<16xi32> to vector<16xi32>
        %lt3A_172 = arith.constant 5000 : i32
        %lt3A_173 = vector.broadcast %lt3A_172 : i32 to vector<16xi32>
        %lt3A_174 = arith.cmpi slt, %get3A_171, %lt3A_173 : vector<16xi32>
        %sub3A_175 = arith.constant 5000 : i32
        %sub3A_176 = vector.broadcast %sub3A_175 : i32 to vector<16xi32>
        %sub3A_177 = arith.subi %get3A_171, %sub3A_176 : vector<16xi32>
        %jit3A_178 = arith.constant 5040 : i32
        %broadcast_in_dim3A_179 = vector.broadcast %jit3A_178 : i32 to vector<16xi32>
        %select_n3A_180 = arith.select %lt3A_174, %broadcast_in_dim3A_179, %sub3A_177 : vector<16xi1>, vector<16xi32>
        %swap3A = arith.constant 0 : index
        %swap3A_181 = tpu.vector_load %arg11[%swap3A] {strides = array<i32>} : memref<80xi32, #tpu.memory_space<vmem>>, vector<16xi32>,
        %swap3A_182 = vector.shape_cast %swap3A_181 : vector<16xi32> to vector<16xi32>
        %swap3A_183 = vector.shape_cast %select_n3A_180 : vector<16xi32> to vector<16xi32>
        tpu.vector_store %arg11[%swap3A], %swap3A_183 {strides = array<i32>} : memref<80xi32, #tpu.memory_space<vmem>>, vector<16xi32>,
        %add3A_184 = arith.constant 16 : i32
        %add3A_185 = arith.addi %multiple_of3A_146, %add3A_184 : i32
        %get3A_186 = arith.index_cast %add3A_185 : i32 to index
        %get3A_187 = tpu.vector_load %arg9[%get3A_186] {strides = array<i32>} : memref<20000xi32, #tpu.memory_space<vmem>>, vector<16xi32>,
        %get3A_188 = vector.shape_cast %get3A_187 : vector<16xi32> to vector<16xi32>
        %lt3A_189 = arith.constant 5000 : i32
        %lt3A_190 = vector.broadcast %lt3A_189 : i32 to vector<16xi32>
        %lt3A_191 = arith.cmpi slt, %get3A_188, %lt3A_190 : vector<16xi32>
        %sub3A_192 = arith.constant 5000 : i32
        %sub3A_193 = vector.broadcast %sub3A_192 : i32 to vector<16xi32>
        %sub3A_194 = arith.subi %get3A_188, %sub3A_193 : vector<16xi32>
        %jit3A_195 = arith.constant 5040 : i32
        %broadcast_in_dim3A_196 = vector.broadcast %jit3A_195 : i32 to vector<16xi32>
        %select_n3A_197 = arith.select %lt3A_191, %broadcast_in_dim3A_196, %sub3A_194 : vector<16xi1>, vector<16xi32>
        %swap3A_198 = arith.constant 16 : index
        %swap3A_199 = tpu.vector_load %arg11[%swap3A_198] {strides = array<i32>} : memref<80xi32, #tpu.memory_space<vmem>>, vector<16xi32>,
        %swap3A_200 = vector.shape_cast %swap3A_199 : vector<16xi32> to vector<16xi32>
        %swap3A_201 = vector.shape_cast %select_n3A_197 : vector<16xi32> to vector<16xi32>
        tpu.vector_store %arg11[%swap3A_198], %swap3A_201 {strides = array<i32>} : memref<80xi32, #tpu.memory_space<vmem>>, vector<16xi32>,
        %add3A_202 = arith.constant 32 : i32
        %add3A_203 = arith.addi %multiple_of3A_146, %add3A_202 : i32
        %get3A_204 = arith.index_cast %add3A_203 : i32 to index
        %get3A_205 = tpu.vector_load %arg9[%get3A_204] {strides = array<i32>} : memref<20000xi32, #tpu.memory_space<vmem>>, vector<16xi32>,
        %get3A_206 = vector.shape_cast %get3A_205 : vector<16xi32> to vector<16xi32>
        %lt3A_207 = arith.constant 5000 : i32
        %lt3A_208 = vector.broadcast %lt3A_207 : i32 to vector<16xi32>
        %lt3A_209 = arith.cmpi slt, %get3A_206, %lt3A_208 : vector<16xi32>
        %sub3A_210 = arith.constant 5000 : i32
        %sub3A_211 = vector.broadcast %sub3A_210 : i32 to vector<16xi32>
        %sub3A_212 = arith.subi %get3A_206, %sub3A_211 : vector<16xi32>
        %jit3A_213 = arith.constant 5040 : i32
        %broadcast_in_dim3A_214 = vector.broadcast %jit3A_213 : i32 to vector<16xi32>
        %select_n3A_215 = arith.select %lt3A_209, %broadcast_in_dim3A_214, %sub3A_212 : vector<16xi1>, vector<16xi32>
        %swap3A_216 = arith.constant 32 : index
        %swap3A_217 = tpu.vector_load %arg11[%swap3A_216] {strides = array<i32>} : memref<80xi32, #tpu.memory_space<vmem>>, vector<16xi32>,
        %swap3A_218 = vector.shape_cast %swap3A_217 : vector<16xi32> to vector<16xi32>
        %swap3A_219 = vector.shape_cast %select_n3A_215 : vector<16xi32> to vector<16xi32>
        tpu.vector_store %arg11[%swap3A_216], %swap3A_219 {strides = array<i32>} : memref<80xi32, #tpu.memory_space<vmem>>, vector<16xi32>,
        %add3A_220 = arith.constant 48 : i32
        %add3A_221 = arith.addi %multiple_of3A_146, %add3A_220 : i32
        %get3A_222 = arith.index_cast %add3A_221 : i32 to index
        %get3A_223 = tpu.vector_load %arg9[%get3A_222] {strides = array<i32>} : memref<20000xi32, #tpu.memory_space<vmem>>, vector<16xi32>,
        %get3A_224 = vector.shape_cast %get3A_223 : vector<16xi32> to vector<16xi32>
        %lt3A_225 = arith.constant 5000 : i32
        %lt3A_226 = vector.broadcast %lt3A_225 : i32 to vector<16xi32>
        %lt3A_227 = arith.cmpi slt, %get3A_224, %lt3A_226 : vector<16xi32>
        %sub3A_228 = arith.constant 5000 : i32
        %sub3A_229 = vector.broadcast %sub3A_228 : i32 to vector<16xi32>
        %sub3A_230 = arith.subi %get3A_224, %sub3A_229 : vector<16xi32>
        %jit3A_231 = arith.constant 5040 : i32
        %broadcast_in_dim3A_232 = vector.broadcast %jit3A_231 : i32 to vector<16xi32>
        %select_n3A_233 = arith.select %lt3A_227, %broadcast_in_dim3A_232, %sub3A_230 : vector<16xi1>, vector<16xi32>
        %swap3A_234 = arith.constant 48 : index
        %swap3A_235 = tpu.vector_load %arg11[%swap3A_234] {strides = array<i32>} : memref<80xi32, #tpu.memory_space<vmem>>, vector<16xi32>,
        %swap3A_236 = vector.shape_cast %swap3A_235 : vector<16xi32> to vector<16xi32>
        %swap3A_237 = vector.shape_cast %select_n3A_233 : vector<16xi32> to vector<16xi32>
        tpu.vector_store %arg11[%swap3A_234], %swap3A_237 {strides = array<i32>} : memref<80xi32, #tpu.memory_space<vmem>>, vector<16xi32>,
        %add3A_238 = arith.constant 64 : i32
        %add3A_239 = arith.addi %multiple_of3A_146, %add3A_238 : i32
        %get3A_240 = arith.index_cast %add3A_239 : i32 to index
        %get3A_241 = tpu.vector_load %arg9[%get3A_240] {strides = array<i32>} : memref<20000xi32, #tpu.memory_space<vmem>>, vector<16xi32>,
        %get3A_242 = vector.shape_cast %get3A_241 : vector<16xi32> to vector<16xi32>
        %lt3A_243 = arith.constant 5000 : i32
        %lt3A_244 = vector.broadcast %lt3A_243 : i32 to vector<16xi32>
        %lt3A_245 = arith.cmpi slt, %get3A_242, %lt3A_244 : vector<16xi32>
        %sub3A_246 = arith.constant 5000 : i32
        %sub3A_247 = vector.broadcast %sub3A_246 : i32 to vector<16xi32>
        %sub3A_248 = arith.subi %get3A_242, %sub3A_247 : vector<16xi32>
        %jit3A_249 = arith.constant 5040 : i32
        %broadcast_in_dim3A_250 = vector.broadcast %jit3A_249 : i32 to vector<16xi32>
        %select_n3A_251 = arith.select %lt3A_245, %broadcast_in_dim3A_250, %sub3A_248 : vector<16xi1>, vector<16xi32>
        %swap3A_252 = arith.constant 64 : index
        %swap3A_253 = tpu.vector_load %arg11[%swap3A_252] {strides = array<i32>} : memref<80xi32, #tpu.memory_space<vmem>>, vector<16xi32>,
        %swap3A_254 = vector.shape_cast %swap3A_253 : vector<16xi32> to vector<16xi32>
        %swap3A_255 = vector.shape_cast %select_n3A_251 : vector<16xi32> to vector<16xi32>
        tpu.vector_store %arg11[%swap3A_252], %swap3A_255 {strides = array<i32>} : memref<80xi32, #tpu.memory_space<vmem>>, vector<16xi32>,
      } else {
      }
      "tpu.region"() ({
        %run_scoped3A = tpu.sem_alloc : memref<!tpu.dma_semaphore, #tpu.memory_space<semaphore_mem>>
        %dma_start3A = arith.constant 0 : i32
        %dma_start3A_167 = arith.constant 0 : i32
        %dma_start3A_168 = tpu.memref_slice %arg18[%dma_start3A, %dma_start3A_167] : memref<5120x128xf32, #tpu.memory_space<vmem_shared>> -> memref<5120x128xf32, #tpu.memory_space<vmem_shared>>
        tpu.enqueue_indirect_dma source(%arg14 : memref<80x128xf32, #tpu.memory_space<vmem>>) target(%dma_start3A_168 : memref<5120x128xf32, #tpu.memory_space<vmem_shared>>) offsets(%arg11 : memref<80xi32, #tpu.memory_space<vmem>>) semaphore(%run_scoped3A : memref<!tpu.dma_semaphore, #tpu.memory_space<semaphore_mem>>) {add = true}
        %dma_wait3A_169 = arith.constant 0 : i32
        %dma_wait3A_170 = arith.constant 0 : i32
        %dma_wait3A_171 = tpu.memref_slice %arg18[%dma_wait3A_169, %dma_wait3A_170] : memref<5120x128xf32, #tpu.memory_space<vmem_shared>> -> memref<5120x128xf32, #tpu.memory_space<vmem_shared>>
        tpu.wait_indirect_dma semaphore(%run_scoped3A : memref<!tpu.dma_semaphore, #tpu.memory_space<semaphore_mem>>) src(%arg14 : memref<80x128xf32, #tpu.memory_space<vmem>>) dst(%dma_wait3A_171 : memref<5120x128xf32, #tpu.memory_space<vmem_shared>>)
        tpu.yield
      }) : () -> ()
      %add3A_157 = arith.constant 2 : i32
      %add3A_158 = arith.addi %mul3A_114, %add3A_157 : i32
      %lt3A_159 = arith.cmpi slt, %add3A_158, %select_n3A_57 : i32
      %convert_element_type3A_160 = arith.extui %lt3A_159 : i1 to i32
      %cond3A_161 = arith.constant 0 : i32
      %cond3A_162 = arith.cmpi ne, %convert_element_type3A_160, %cond3A_161 : i32
      scf.if %cond3A_162 {
        %add3A_167 = arith.constant 2 : i32
        %add3A_168 = arith.addi %mul3A_114, %add3A_167 : i32
        %mul3A_169 = arith.constant 80 : i32
        %mul3A_170 = arith.muli %add3A_168, %mul3A_169 : i32
        %add3A_171 = arith.addi %multiple_of3A_65, %mul3A_170 : i32
        %multiple_of3A_172 = tpu.assume_multiple %add3A_171, 80 : i32
        %mul3A_173 = arith.constant 80 : i32
        %mul3A_174 = arith.muli %add3A_168, %mul3A_173 : i32
        %add3A_175 = arith.addi %multiple_of3A, %mul3A_174 : i32
        %multiple_of3A_176 = tpu.assume_multiple %add3A_175, 80 : i32
        %dma_start3A = tpu.memref_slice %arg8[%multiple_of3A_172] : memref<20000xi32, #tpu.memory_space<vmem>> -> memref<80xi32, #tpu.memory_space<vmem>>
        %dma_start3A_177 = arith.constant 0 : i32
        %dma_start3A_178 = arith.constant 0 : i32
        %dma_start3A_179 = tpu.memref_slice %arg2[%dma_start3A_177, %dma_start3A_178] : memref<10000x128xf32, #tpu.memory_space<hbm>> -> memref<10000x128xf32, #tpu.memory_space<hbm>>
        tpu.enqueue_indirect_dma source(%dma_start3A_179 : memref<10000x128xf32, #tpu.memory_space<hbm>>) target(%arg14 : memref<80x128xf32, #tpu.memory_space<vmem>>) offsets(%dma_start3A : memref<80xi32, #tpu.memory_space<vmem>>) semaphore(%arg19 : memref<!tpu.dma_semaphore, #tpu.memory_space<semaphore_mem>>)
        %dma_start3A_180 = arith.constant 0 : i32
        %dma_start3A_181 = tpu.memref_slice %arg3[%multiple_of3A_176, %dma_start3A_180] : memref<320000x128xf32, #tpu.memory_space<hbm>> -> memref<80x128xf32, #tpu.memory_space<hbm>>
        %dma_start3A_182 = arith.constant 0 : i32
        %dma_start3A_183 = tpu.memref_slice %arg3[%multiple_of3A_176, %dma_start3A_182] : memref<320000x128xf32, #tpu.memory_space<hbm>> -> memref<80x128xf32, #tpu.memory_space<hbm>>
        tpu.enqueue_dma source(%dma_start3A_183 : memref<80x128xf32, #tpu.memory_space<hbm>>) target(%arg16 : memref<80x128xf32, #tpu.memory_space<vmem>>) target_semaphore(%arg21 : memref<!tpu.dma_semaphore, #tpu.memory_space<semaphore_mem>>)
      } else {
      }
      %lt3A_163 = arith.cmpi slt, %add3A_118, %select_n3A_57 : i32
      %convert_element_type3A_164 = arith.extui %lt3A_163 : i1 to i32
      %cond3A_165 = arith.constant 0 : i32
      %cond3A_166 = arith.cmpi ne, %convert_element_type3A_164, %cond3A_165 : i32
      scf.if %cond3A_166 {
        %mul3A_167 = arith.constant 80 : i32
        %mul3A_168 = arith.muli %add3A_118, %mul3A_167 : i32
        %add3A_169 = arith.addi %multiple_of3A_65, %mul3A_168 : i32
        %multiple_of3A_170 = tpu.assume_multiple %add3A_169, 80 : i32
        %mul3A_171 = arith.constant 80 : i32
        %mul3A_172 = arith.muli %add3A_118, %mul3A_171 : i32
        %add3A_173 = arith.addi %multiple_of3A, %mul3A_172 : i32
        %multiple_of3A_174 = tpu.assume_multiple %add3A_173, 80 : i32
        %dma_wait3A_175 = tpu.memref_slice %arg8[%multiple_of3A_170] : memref<20000xi32, #tpu.memory_space<vmem>> -> memref<80xi32, #tpu.memory_space<vmem>>
        %dma_wait3A_176 = arith.constant 0 : i32
        %dma_wait3A_177 = arith.constant 0 : i32
        %dma_wait3A_178 = tpu.memref_slice %arg2[%dma_wait3A_176, %dma_wait3A_177] : memref<10000x128xf32, #tpu.memory_space<hbm>> -> memref<10000x128xf32, #tpu.memory_space<hbm>>
        tpu.wait_indirect_dma semaphore(%arg20 : memref<!tpu.dma_semaphore, #tpu.memory_space<semaphore_mem>>) src(%dma_wait3A_178 : memref<10000x128xf32, #tpu.memory_space<hbm>>) dst(%arg15 : memref<80x128xf32, #tpu.memory_space<vmem>>)
        %dma_wait3A_179 = arith.constant 0 : i32
        %dma_wait3A_180 = tpu.memref_slice %arg3[%multiple_of3A_174, %dma_wait3A_179] : memref<320000x128xf32, #tpu.memory_space<hbm>> -> memref<80x128xf32, #tpu.memory_space<hbm>>
        %dma_wait3A_181 = arith.constant 0 : i32
        %dma_wait3A_182 = tpu.memref_slice %arg3[%multiple_of3A_174, %dma_wait3A_181] : memref<320000x128xf32, #tpu.memory_space<hbm>> -> memref<80x128xf32, #tpu.memory_space<hbm>>
        tpu.wait_dma2 semaphore(%arg22 : memref<!tpu.dma_semaphore, #tpu.memory_space<semaphore_mem>>) src(%dma_wait3A_182 : memref<80x128xf32, #tpu.memory_space<hbm>>) dst(%arg17 : memref<80x128xf32, #tpu.memory_space<vmem>>)
        %scan3A_183 = arith.constant 0 : i32
        %scan3A_184 = arith.constant 0 : i32
        %scan3A_185 = arith.constant 80 : i32
        %scan3A_186 = arith.addi %scan3A_184, %scan3A_185 : i32
        %scan3A_187 = arith.constant 1 : i32
        scf.for %scan3A_203 = %scan3A_184 to %scan3A_186 step %scan3A_187  : i32 {
          %get3A_204 = arith.index_cast %scan3A_203 : i32 to index
          %get3A_205 = arith.constant 0 : index
          %get3A_206 = tpu.vector_load %arg15[%get3A_204, %get3A_205] {strides = array<i32>} : memref<80x128xf32, #tpu.memory_space<vmem>>, vector<1x16xf32>,
          %get3A_207 = vector.shape_cast %get3A_206 : vector<1x16xf32> to vector<16xf32>
          %get3A_208 = arith.index_cast %scan3A_203 : i32 to index
          %get3A_209 = arith.constant 0 : index
          %get3A_210 = tpu.vector_load %arg17[%get3A_208, %get3A_209] {strides = array<i32>} : memref<80x128xf32, #tpu.memory_space<vmem>>, vector<1x16xf32>,
          %get3A_211 = vector.shape_cast %get3A_210 : vector<1x16xf32> to vector<16xf32>
          %mul3A_212 = arith.mulf %get3A_207, %get3A_211 : vector<16xf32>
          %swap3A = arith.index_cast %scan3A_203 : i32 to index
          %swap3A_213 = arith.constant 0 : index
          %swap3A_214 = tpu.vector_load %arg15[%swap3A, %swap3A_213] {strides = array<i32>} : memref<80x128xf32, #tpu.memory_space<vmem>>, vector<1x16xf32>,
          %swap3A_215 = vector.shape_cast %swap3A_214 : vector<1x16xf32> to vector<16xf32>
          %swap3A_216 = vector.shape_cast %mul3A_212 : vector<16xf32> to vector<1x16xf32>
          tpu.vector_store %arg15[%swap3A, %swap3A_213], %swap3A_216 {strides = array<i32>} : memref<80x128xf32, #tpu.memory_space<vmem>>, vector<1x16xf32>,
          %get3A_217 = arith.index_cast %scan3A_203 : i32 to index
          %get3A_218 = arith.constant 16 : index
          %get3A_219 = tpu.vector_load %arg15[%get3A_217, %get3A_218] {strides = array<i32>} : memref<80x128xf32, #tpu.memory_space<vmem>>, vector<1x16xf32>,
          %get3A_220 = vector.shape_cast %get3A_219 : vector<1x16xf32> to vector<16xf32>
          %get3A_221 = arith.index_cast %scan3A_203 : i32 to index
          %get3A_222 = arith.constant 16 : index
          %get3A_223 = tpu.vector_load %arg17[%get3A_221, %get3A_222] {strides = array<i32>} : memref<80x128xf32, #tpu.memory_space<vmem>>, vector<1x16xf32>,
          %get3A_224 = vector.shape_cast %get3A_223 : vector<1x16xf32> to vector<16xf32>
          %mul3A_225 = arith.mulf %get3A_220, %get3A_224 : vector<16xf32>
          %swap3A_226 = arith.index_cast %scan3A_203 : i32 to index
          %swap3A_227 = arith.constant 16 : index
          %swap3A_228 = tpu.vector_load %arg15[%swap3A_226, %swap3A_227] {strides = array<i32>} : memref<80x128xf32, #tpu.memory_space<vmem>>, vector<1x16xf32>,
          %swap3A_229 = vector.shape_cast %swap3A_228 : vector<1x16xf32> to vector<16xf32>
          %swap3A_230 = vector.shape_cast %mul3A_225 : vector<16xf32> to vector<1x16xf32>
          tpu.vector_store %arg15[%swap3A_226, %swap3A_227], %swap3A_230 {strides = array<i32>} : memref<80x128xf32, #tpu.memory_space<vmem>>, vector<1x16xf32>,
          %get3A_231 = arith.index_cast %scan3A_203 : i32 to index
          %get3A_232 = arith.constant 32 : index
          %get3A_233 = tpu.vector_load %arg15[%get3A_231, %get3A_232] {strides = array<i32>} : memref<80x128xf32, #tpu.memory_space<vmem>>, vector<1x16xf32>,
          %get3A_234 = vector.shape_cast %get3A_233 : vector<1x16xf32> to vector<16xf32>
          %get3A_235 = arith.index_cast %scan3A_203 : i32 to index
          %get3A_236 = arith.constant 32 : index
          %get3A_237 = tpu.vector_load %arg17[%get3A_235, %get3A_236] {strides = array<i32>} : memref<80x128xf32, #tpu.memory_space<vmem>>, vector<1x16xf32>,
          %get3A_238 = vector.shape_cast %get3A_237 : vector<1x16xf32> to vector<16xf32>
          %mul3A_239 = arith.mulf %get3A_234, %get3A_238 : vector<16xf32>
          %swap3A_240 = arith.index_cast %scan3A_203 : i32 to index
          %swap3A_241 = arith.constant 32 : index
          %swap3A_242 = tpu.vector_load %arg15[%swap3A_240, %swap3A_241] {strides = array<i32>} : memref<80x128xf32, #tpu.memory_space<vmem>>, vector<1x16xf32>,
          %swap3A_243 = vector.shape_cast %swap3A_242 : vector<1x16xf32> to vector<16xf32>
          %swap3A_244 = vector.shape_cast %mul3A_239 : vector<16xf32> to vector<1x16xf32>
          tpu.vector_store %arg15[%swap3A_240, %swap3A_241], %swap3A_244 {strides = array<i32>} : memref<80x128xf32, #tpu.memory_space<vmem>>, vector<1x16xf32>,
          %get3A_245 = arith.index_cast %scan3A_203 : i32 to index
          %get3A_246 = arith.constant 48 : index
          %get3A_247 = tpu.vector_load %arg15[%get3A_245, %get3A_246] {strides = array<i32>} : memref<80x128xf32, #tpu.memory_space<vmem>>, vector<1x16xf32>,
          %get3A_248 = vector.shape_cast %get3A_247 : vector<1x16xf32> to vector<16xf32>
          %get3A_249 = arith.index_cast %scan3A_203 : i32 to index
          %get3A_250 = arith.constant 48 : index
          %get3A_251 = tpu.vector_load %arg17[%get3A_249, %get3A_250] {strides = array<i32>} : memref<80x128xf32, #tpu.memory_space<vmem>>, vector<1x16xf32>,
          %get3A_252 = vector.shape_cast %get3A_251 : vector<1x16xf32> to vector<16xf32>
          %mul3A_253 = arith.mulf %get3A_248, %get3A_252 : vector<16xf32>
          %swap3A_254 = arith.index_cast %scan3A_203 : i32 to index
          %swap3A_255 = arith.constant 48 : index
          %swap3A_256 = tpu.vector_load %arg15[%swap3A_254, %swap3A_255] {strides = array<i32>} : memref<80x128xf32, #tpu.memory_space<vmem>>, vector<1x16xf32>,
          %swap3A_257 = vector.shape_cast %swap3A_256 : vector<1x16xf32> to vector<16xf32>
          %swap3A_258 = vector.shape_cast %mul3A_253 : vector<16xf32> to vector<1x16xf32>
          tpu.vector_store %arg15[%swap3A_254, %swap3A_255], %swap3A_258 {strides = array<i32>} : memref<80x128xf32, #tpu.memory_space<vmem>>, vector<1x16xf32>,
          %get3A_259 = arith.index_cast %scan3A_203 : i32 to index
          %get3A_260 = arith.constant 64 : index
          %get3A_261 = tpu.vector_load %arg15[%get3A_259, %get3A_260] {strides = array<i32>} : memref<80x128xf32, #tpu.memory_space<vmem>>, vector<1x16xf32>,
          %get3A_262 = vector.shape_cast %get3A_261 : vector<1x16xf32> to vector<16xf32>
          %get3A_263 = arith.index_cast %scan3A_203 : i32 to index
          %get3A_264 = arith.constant 64 : index
          %get3A_265 = tpu.vector_load %arg17[%get3A_263, %get3A_264] {strides = array<i32>} : memref<80x128xf32, #tpu.memory_space<vmem>>, vector<1x16xf32>,
          %get3A_266 = vector.shape_cast %get3A_265 : vector<1x16xf32> to vector<16xf32>
          %mul3A_267 = arith.mulf %get3A_262, %get3A_266 : vector<16xf32>
          %swap3A_268 = arith.index_cast %scan3A_203 : i32 to index
          %swap3A_269 = arith.constant 64 : index
          %swap3A_270 = tpu.vector_load %arg15[%swap3A_268, %swap3A_269] {strides = array<i32>} : memref<80x128xf32, #tpu.memory_space<vmem>>, vector<1x16xf32>,
          %swap3A_271 = vector.shape_cast %swap3A_270 : vector<1x16xf32> to vector<16xf32>
          %swap3A_272 = vector.shape_cast %mul3A_267 : vector<16xf32> to vector<1x16xf32>
          tpu.vector_store %arg15[%swap3A_268, %swap3A_269], %swap3A_272 {strides = array<i32>} : memref<80x128xf32, #tpu.memory_space<vmem>>, vector<1x16xf32>,
          %get3A_273 = arith.index_cast %scan3A_203 : i32 to index
          %get3A_274 = arith.constant 80 : index
          %get3A_275 = tpu.vector_load %arg15[%get3A_273, %get3A_274] {strides = array<i32>} : memref<80x128xf32, #tpu.memory_space<vmem>>, vector<1x16xf32>,
          %get3A_276 = vector.shape_cast %get3A_275 : vector<1x16xf32> to vector<16xf32>
          %get3A_277 = arith.index_cast %scan3A_203 : i32 to index
          %get3A_278 = arith.constant 80 : index
          %get3A_279 = tpu.vector_load %arg17[%get3A_277, %get3A_278] {strides = array<i32>} : memref<80x128xf32, #tpu.memory_space<vmem>>, vector<1x16xf32>,
          %get3A_280 = vector.shape_cast %get3A_279 : vector<1x16xf32> to vector<16xf32>
          %mul3A_281 = arith.mulf %get3A_276, %get3A_280 : vector<16xf32>
          %swap3A_282 = arith.index_cast %scan3A_203 : i32 to index
          %swap3A_283 = arith.constant 80 : index
          %swap3A_284 = tpu.vector_load %arg15[%swap3A_282, %swap3A_283] {strides = array<i32>} : memref<80x128xf32, #tpu.memory_space<vmem>>, vector<1x16xf32>,
          %swap3A_285 = vector.shape_cast %swap3A_284 : vector<1x16xf32> to vector<16xf32>
          %swap3A_286 = vector.shape_cast %mul3A_281 : vector<16xf32> to vector<1x16xf32>
          tpu.vector_store %arg15[%swap3A_282, %swap3A_283], %swap3A_286 {strides = array<i32>} : memref<80x128xf32, #tpu.memory_space<vmem>>, vector<1x16xf32>,
          %get3A_287 = arith.index_cast %scan3A_203 : i32 to index
          %get3A_288 = arith.constant 96 : index
          %get3A_289 = tpu.vector_load %arg15[%get3A_287, %get3A_288] {strides = array<i32>} : memref<80x128xf32, #tpu.memory_space<vmem>>, vector<1x16xf32>,
          %get3A_290 = vector.shape_cast %get3A_289 : vector<1x16xf32> to vector<16xf32>
          %get3A_291 = arith.index_cast %scan3A_203 : i32 to index
          %get3A_292 = arith.constant 96 : index
          %get3A_293 = tpu.vector_load %arg17[%get3A_291, %get3A_292] {strides = array<i32>} : memref<80x128xf32, #tpu.memory_space<vmem>>, vector<1x16xf32>,
          %get3A_294 = vector.shape_cast %get3A_293 : vector<1x16xf32> to vector<16xf32>
          %mul3A_295 = arith.mulf %get3A_290, %get3A_294 : vector<16xf32>
          %swap3A_296 = arith.index_cast %scan3A_203 : i32 to index
          %swap3A_297 = arith.constant 96 : index
          %swap3A_298 = tpu.vector_load %arg15[%swap3A_296, %swap3A_297] {strides = array<i32>} : memref<80x128xf32, #tpu.memory_space<vmem>>, vector<1x16xf32>,
          %swap3A_299 = vector.shape_cast %swap3A_298 : vector<1x16xf32> to vector<16xf32>
          %swap3A_300 = vector.shape_cast %mul3A_295 : vector<16xf32> to vector<1x16xf32>
          tpu.vector_store %arg15[%swap3A_296, %swap3A_297], %swap3A_300 {strides = array<i32>} : memref<80x128xf32, #tpu.memory_space<vmem>>, vector<1x16xf32>,
          %get3A_301 = arith.index_cast %scan3A_203 : i32 to index
          %get3A_302 = arith.constant 112 : index
          %get3A_303 = tpu.vector_load %arg15[%get3A_301, %get3A_302] {strides = array<i32>} : memref<80x128xf32, #tpu.memory_space<vmem>>, vector<1x16xf32>,
          %get3A_304 = vector.shape_cast %get3A_303 : vector<1x16xf32> to vector<16xf32>
          %get3A_305 = arith.index_cast %scan3A_203 : i32 to index
          %get3A_306 = arith.constant 112 : index
          %get3A_307 = tpu.vector_load %arg17[%get3A_305, %get3A_306] {strides = array<i32>} : memref<80x128xf32, #tpu.memory_space<vmem>>, vector<1x16xf32>,
          %get3A_308 = vector.shape_cast %get3A_307 : vector<1x16xf32> to vector<16xf32>
          %mul3A_309 = arith.mulf %get3A_304, %get3A_308 : vector<16xf32>
          %swap3A_310 = arith.index_cast %scan3A_203 : i32 to index
          %swap3A_311 = arith.constant 112 : index
          %swap3A_312 = tpu.vector_load %arg15[%swap3A_310, %swap3A_311] {strides = array<i32>} : memref<80x128xf32, #tpu.memory_space<vmem>>, vector<1x16xf32>,
          %swap3A_313 = vector.shape_cast %swap3A_312 : vector<1x16xf32> to vector<16xf32>
          %swap3A_314 = vector.shape_cast %mul3A_309 : vector<16xf32> to vector<1x16xf32>
          tpu.vector_store %arg15[%swap3A_310, %swap3A_311], %swap3A_314 {strides = array<i32>} : memref<80x128xf32, #tpu.memory_space<vmem>>, vector<1x16xf32>,
        }
        %scan3A_188 = arith.constant 80 : i32
        %mul3A_189 = arith.constant 80 : i32
        %mul3A_190 = arith.muli %add3A_118, %mul3A_189 : i32
        %add3A_191 = arith.addi %multiple_of3A_65, %mul3A_190 : i32
        %multiple_of3A_192 = tpu.assume_multiple %add3A_191, 16 : i32
        %eq3A_193 = arith.constant 0 : i32
        %eq3A_194 = arith.cmpi eq, %arg0, %eq3A_193 : i32
        %convert_element_type3A_195 = arith.extui %eq3A_194 : i1 to i32
        %cond3A_196 = arith.constant 0 : i32
        %cond3A_197 = arith.cmpi ne, %convert_element_type3A_195, %cond3A_196 : i32
        scf.if %cond3A_197 {
          %add3A_203 = arith.constant 0 : i32
          %add3A_204 = arith.addi %multiple_of3A_192, %add3A_203 : i32
          %get3A_205 = arith.index_cast %add3A_204 : i32 to index
          %get3A_206 = tpu.vector_load %arg9[%get3A_205] {strides = array<i32>} : memref<20000xi32, #tpu.memory_space<vmem>>, vector<16xi32>,
          %get3A_207 = vector.shape_cast %get3A_206 : vector<16xi32> to vector<16xi32>
          %swap3A = arith.constant 0 : index
          %swap3A_208 = tpu.vector_load %arg12[%swap3A] {strides = array<i32>} : memref<80xi32, #tpu.memory_space<vmem>>, vector<16xi32>,
          %swap3A_209 = vector.shape_cast %swap3A_208 : vector<16xi32> to vector<16xi32>
          %swap3A_210 = vector.shape_cast %get3A_207 : vector<16xi32> to vector<16xi32>
          tpu.vector_store %arg12[%swap3A], %swap3A_210 {strides = array<i32>} : memref<80xi32, #tpu.memory_space<vmem>>, vector<16xi32>,
          %add3A_211 = arith.constant 16 : i32
          %add3A_212 = arith.addi %multiple_of3A_192, %add3A_211 : i32
          %get3A_213 = arith.index_cast %add3A_212 : i32 to index
          %get3A_214 = tpu.vector_load %arg9[%get3A_213] {strides = array<i32>} : memref<20000xi32, #tpu.memory_space<vmem>>, vector<16xi32>,
          %get3A_215 = vector.shape_cast %get3A_214 : vector<16xi32> to vector<16xi32>
          %swap3A_216 = arith.constant 16 : index
          %swap3A_217 = tpu.vector_load %arg12[%swap3A_216] {strides = array<i32>} : memref<80xi32, #tpu.memory_space<vmem>>, vector<16xi32>,
          %swap3A_218 = vector.shape_cast %swap3A_217 : vector<16xi32> to vector<16xi32>
          %swap3A_219 = vector.shape_cast %get3A_215 : vector<16xi32> to vector<16xi32>
          tpu.vector_store %arg12[%swap3A_216], %swap3A_219 {strides = array<i32>} : memref<80xi32, #tpu.memory_space<vmem>>, vector<16xi32>,
          %add3A_220 = arith.constant 32 : i32
          %add3A_221 = arith.addi %multiple_of3A_192, %add3A_220 : i32
          %get3A_222 = arith.index_cast %add3A_221 : i32 to index
          %get3A_223 = tpu.vector_load %arg9[%get3A_222] {strides = array<i32>} : memref<20000xi32, #tpu.memory_space<vmem>>, vector<16xi32>,
          %get3A_224 = vector.shape_cast %get3A_223 : vector<16xi32> to vector<16xi32>
          %swap3A_225 = arith.constant 32 : index
          %swap3A_226 = tpu.vector_load %arg12[%swap3A_225] {strides = array<i32>} : memref<80xi32, #tpu.memory_space<vmem>>, vector<16xi32>,
          %swap3A_227 = vector.shape_cast %swap3A_226 : vector<16xi32> to vector<16xi32>
          %swap3A_228 = vector.shape_cast %get3A_224 : vector<16xi32> to vector<16xi32>
          tpu.vector_store %arg12[%swap3A_225], %swap3A_228 {strides = array<i32>} : memref<80xi32, #tpu.memory_space<vmem>>, vector<16xi32>,
          %add3A_229 = arith.constant 48 : i32
          %add3A_230 = arith.addi %multiple_of3A_192, %add3A_229 : i32
          %get3A_231 = arith.index_cast %add3A_230 : i32 to index
          %get3A_232 = tpu.vector_load %arg9[%get3A_231] {strides = array<i32>} : memref<20000xi32, #tpu.memory_space<vmem>>, vector<16xi32>,
          %get3A_233 = vector.shape_cast %get3A_232 : vector<16xi32> to vector<16xi32>
          %swap3A_234 = arith.constant 48 : index
          %swap3A_235 = tpu.vector_load %arg12[%swap3A_234] {strides = array<i32>} : memref<80xi32, #tpu.memory_space<vmem>>, vector<16xi32>,
          %swap3A_236 = vector.shape_cast %swap3A_235 : vector<16xi32> to vector<16xi32>
          %swap3A_237 = vector.shape_cast %get3A_233 : vector<16xi32> to vector<16xi32>
          tpu.vector_store %arg12[%swap3A_234], %swap3A_237 {strides = array<i32>} : memref<80xi32, #tpu.memory_space<vmem>>, vector<16xi32>,
          %add3A_238 = arith.constant 64 : i32
          %add3A_239 = arith.addi %multiple_of3A_192, %add3A_238 : i32
          %get3A_240 = arith.index_cast %add3A_239 : i32 to index
          %get3A_241 = tpu.vector_load %arg9[%get3A_240] {strides = array<i32>} : memref<20000xi32, #tpu.memory_space<vmem>>, vector<16xi32>,
          %get3A_242 = vector.shape_cast %get3A_241 : vector<16xi32> to vector<16xi32>
          %swap3A_243 = arith.constant 64 : index
          %swap3A_244 = tpu.vector_load %arg12[%swap3A_243] {strides = array<i32>} : memref<80xi32, #tpu.memory_space<vmem>>, vector<16xi32>,
          %swap3A_245 = vector.shape_cast %swap3A_244 : vector<16xi32> to vector<16xi32>
          %swap3A_246 = vector.shape_cast %get3A_242 : vector<16xi32> to vector<16xi32>
          tpu.vector_store %arg12[%swap3A_243], %swap3A_246 {strides = array<i32>} : memref<80xi32, #tpu.memory_space<vmem>>, vector<16xi32>,
        } else {
        }
        %eq3A_198 = arith.constant 1 : i32
        %eq3A_199 = arith.cmpi eq, %arg0, %eq3A_198 : i32
        %convert_element_type3A_200 = arith.extui %eq3A_199 : i1 to i32
        %cond3A_201 = arith.constant 0 : i32
        %cond3A_202 = arith.cmpi ne, %convert_element_type3A_200, %cond3A_201 : i32
        scf.if %cond3A_202 {
          %add3A_203 = arith.constant 0 : i32
          %add3A_204 = arith.addi %multiple_of3A_192, %add3A_203 : i32
          %get3A_205 = arith.index_cast %add3A_204 : i32 to index
          %get3A_206 = tpu.vector_load %arg9[%get3A_205] {strides = array<i32>} : memref<20000xi32, #tpu.memory_space<vmem>>, vector<16xi32>,
          %get3A_207 = vector.shape_cast %get3A_206 : vector<16xi32> to vector<16xi32>
          %lt3A_208 = arith.constant 5000 : i32
          %lt3A_209 = vector.broadcast %lt3A_208 : i32 to vector<16xi32>
          %lt3A_210 = arith.cmpi slt, %get3A_207, %lt3A_209 : vector<16xi32>
          %sub3A_211 = arith.constant 5000 : i32
          %sub3A_212 = vector.broadcast %sub3A_211 : i32 to vector<16xi32>
          %sub3A_213 = arith.subi %get3A_207, %sub3A_212 : vector<16xi32>
          %jit3A_214 = arith.constant 5040 : i32
          %broadcast_in_dim3A_215 = vector.broadcast %jit3A_214 : i32 to vector<16xi32>
          %select_n3A_216 = arith.select %lt3A_210, %broadcast_in_dim3A_215, %sub3A_213 : vector<16xi1>, vector<16xi32>
          %swap3A = arith.constant 0 : index
          %swap3A_217 = tpu.vector_load %arg12[%swap3A] {strides = array<i32>} : memref<80xi32, #tpu.memory_space<vmem>>, vector<16xi32>,
          %swap3A_218 = vector.shape_cast %swap3A_217 : vector<16xi32> to vector<16xi32>
          %swap3A_219 = vector.shape_cast %select_n3A_216 : vector<16xi32> to vector<16xi32>
          tpu.vector_store %arg12[%swap3A], %swap3A_219 {strides = array<i32>} : memref<80xi32, #tpu.memory_space<vmem>>, vector<16xi32>,
          %add3A_220 = arith.constant 16 : i32
          %add3A_221 = arith.addi %multiple_of3A_192, %add3A_220 : i32
          %get3A_222 = arith.index_cast %add3A_221 : i32 to index
          %get3A_223 = tpu.vector_load %arg9[%get3A_222] {strides = array<i32>} : memref<20000xi32, #tpu.memory_space<vmem>>, vector<16xi32>,
          %get3A_224 = vector.shape_cast %get3A_223 : vector<16xi32> to vector<16xi32>
          %lt3A_225 = arith.constant 5000 : i32
          %lt3A_226 = vector.broadcast %lt3A_225 : i32 to vector<16xi32>
          %lt3A_227 = arith.cmpi slt, %get3A_224, %lt3A_226 : vector<16xi32>
          %sub3A_228 = arith.constant 5000 : i32
          %sub3A_229 = vector.broadcast %sub3A_228 : i32 to vector<16xi32>
          %sub3A_230 = arith.subi %get3A_224, %sub3A_229 : vector<16xi32>
          %jit3A_231 = arith.constant 5040 : i32
          %broadcast_in_dim3A_232 = vector.broadcast %jit3A_231 : i32 to vector<16xi32>
          %select_n3A_233 = arith.select %lt3A_227, %broadcast_in_dim3A_232, %sub3A_230 : vector<16xi1>, vector<16xi32>
          %swap3A_234 = arith.constant 16 : index
          %swap3A_235 = tpu.vector_load %arg12[%swap3A_234] {strides = array<i32>} : memref<80xi32, #tpu.memory_space<vmem>>, vector<16xi32>,
          %swap3A_236 = vector.shape_cast %swap3A_235 : vector<16xi32> to vector<16xi32>
          %swap3A_237 = vector.shape_cast %select_n3A_233 : vector<16xi32> to vector<16xi32>
          tpu.vector_store %arg12[%swap3A_234], %swap3A_237 {strides = array<i32>} : memref<80xi32, #tpu.memory_space<vmem>>, vector<16xi32>,
          %add3A_238 = arith.constant 32 : i32
          %add3A_239 = arith.addi %multiple_of3A_192, %add3A_238 : i32
          %get3A_240 = arith.index_cast %add3A_239 : i32 to index
          %get3A_241 = tpu.vector_load %arg9[%get3A_240] {strides = array<i32>} : memref<20000xi32, #tpu.memory_space<vmem>>, vector<16xi32>,
          %get3A_242 = vector.shape_cast %get3A_241 : vector<16xi32> to vector<16xi32>
          %lt3A_243 = arith.constant 5000 : i32
          %lt3A_244 = vector.broadcast %lt3A_243 : i32 to vector<16xi32>
          %lt3A_245 = arith.cmpi slt, %get3A_242, %lt3A_244 : vector<16xi32>
          %sub3A_246 = arith.constant 5000 : i32
          %sub3A_247 = vector.broadcast %sub3A_246 : i32 to vector<16xi32>
          %sub3A_248 = arith.subi %get3A_242, %sub3A_247 : vector<16xi32>
          %jit3A_249 = arith.constant 5040 : i32
          %broadcast_in_dim3A_250 = vector.broadcast %jit3A_249 : i32 to vector<16xi32>
          %select_n3A_251 = arith.select %lt3A_245, %broadcast_in_dim3A_250, %sub3A_248 : vector<16xi1>, vector<16xi32>
          %swap3A_252 = arith.constant 32 : index
          %swap3A_253 = tpu.vector_load %arg12[%swap3A_252] {strides = array<i32>} : memref<80xi32, #tpu.memory_space<vmem>>, vector<16xi32>,
          %swap3A_254 = vector.shape_cast %swap3A_253 : vector<16xi32> to vector<16xi32>
          %swap3A_255 = vector.shape_cast %select_n3A_251 : vector<16xi32> to vector<16xi32>
          tpu.vector_store %arg12[%swap3A_252], %swap3A_255 {strides = array<i32>} : memref<80xi32, #tpu.memory_space<vmem>>, vector<16xi32>,
          %add3A_256 = arith.constant 48 : i32
          %add3A_257 = arith.addi %multiple_of3A_192, %add3A_256 : i32
          %get3A_258 = arith.index_cast %add3A_257 : i32 to index
          %get3A_259 = tpu.vector_load %arg9[%get3A_258] {strides = array<i32>} : memref<20000xi32, #tpu.memory_space<vmem>>, vector<16xi32>,
          %get3A_260 = vector.shape_cast %get3A_259 : vector<16xi32> to vector<16xi32>
          %lt3A_261 = arith.constant 5000 : i32
          %lt3A_262 = vector.broadcast %lt3A_261 : i32 to vector<16xi32>
          %lt3A_263 = arith.cmpi slt, %get3A_260, %lt3A_262 : vector<16xi32>
          %sub3A_264 = arith.constant 5000 : i32
          %sub3A_265 = vector.broadcast %sub3A_264 : i32 to vector<16xi32>
          %sub3A_266 = arith.subi %get3A_260, %sub3A_265 : vector<16xi32>
          %jit3A_267 = arith.constant 5040 : i32
          %broadcast_in_dim3A_268 = vector.broadcast %jit3A_267 : i32 to vector<16xi32>
          %select_n3A_269 = arith.select %lt3A_263, %broadcast_in_dim3A_268, %sub3A_266 : vector<16xi1>, vector<16xi32>
          %swap3A_270 = arith.constant 48 : index
          %swap3A_271 = tpu.vector_load %arg12[%swap3A_270] {strides = array<i32>} : memref<80xi32, #tpu.memory_space<vmem>>, vector<16xi32>,
          %swap3A_272 = vector.shape_cast %swap3A_271 : vector<16xi32> to vector<16xi32>
          %swap3A_273 = vector.shape_cast %select_n3A_269 : vector<16xi32> to vector<16xi32>
          tpu.vector_store %arg12[%swap3A_270], %swap3A_273 {strides = array<i32>} : memref<80xi32, #tpu.memory_space<vmem>>, vector<16xi32>,
          %add3A_274 = arith.constant 64 : i32
          %add3A_275 = arith.addi %multiple_of3A_192, %add3A_274 : i32
          %get3A_276 = arith.index_cast %add3A_275 : i32 to index
          %get3A_277 = tpu.vector_load %arg9[%get3A_276] {strides = array<i32>} : memref<20000xi32, #tpu.memory_space<vmem>>, vector<16xi32>,
          %get3A_278 = vector.shape_cast %get3A_277 : vector<16xi32> to vector<16xi32>
          %lt3A_279 = arith.constant 5000 : i32
          %lt3A_280 = vector.broadcast %lt3A_279 : i32 to vector<16xi32>
          %lt3A_281 = arith.cmpi slt, %get3A_278, %lt3A_280 : vector<16xi32>
          %sub3A_282 = arith.constant 5000 : i32
          %sub3A_283 = vector.broadcast %sub3A_282 : i32 to vector<16xi32>
          %sub3A_284 = arith.subi %get3A_278, %sub3A_283 : vector<16xi32>
          %jit3A_285 = arith.constant 5040 : i32
          %broadcast_in_dim3A_286 = vector.broadcast %jit3A_285 : i32 to vector<16xi32>
          %select_n3A_287 = arith.select %lt3A_281, %broadcast_in_dim3A_286, %sub3A_284 : vector<16xi1>, vector<16xi32>
          %swap3A_288 = arith.constant 64 : index
          %swap3A_289 = tpu.vector_load %arg12[%swap3A_288] {strides = array<i32>} : memref<80xi32, #tpu.memory_space<vmem>>, vector<16xi32>,
          %swap3A_290 = vector.shape_cast %swap3A_289 : vector<16xi32> to vector<16xi32>
          %swap3A_291 = vector.shape_cast %select_n3A_287 : vector<16xi32> to vector<16xi32>
          tpu.vector_store %arg12[%swap3A_288], %swap3A_291 {strides = array<i32>} : memref<80xi32, #tpu.memory_space<vmem>>, vector<16xi32>,
        } else {
        }
        "tpu.region"() ({
          %run_scoped3A = tpu.sem_alloc : memref<!tpu.dma_semaphore, #tpu.memory_space<semaphore_mem>>
          %dma_start3A = arith.constant 0 : i32
          %dma_start3A_203 = arith.constant 0 : i32
          %dma_start3A_204 = tpu.memref_slice %arg18[%dma_start3A, %dma_start3A_203] : memref<5120x128xf32, #tpu.memory_space<vmem_shared>> -> memref<5120x128xf32, #tpu.memory_space<vmem_shared>>
          tpu.enqueue_indirect_dma source(%arg15 : memref<80x128xf32, #tpu.memory_space<vmem>>) target(%dma_start3A_204 : memref<5120x128xf32, #tpu.memory_space<vmem_shared>>) offsets(%arg12 : memref<80xi32, #tpu.memory_space<vmem>>) semaphore(%run_scoped3A : memref<!tpu.dma_semaphore, #tpu.memory_space<semaphore_mem>>) {add = true}
          %dma_wait3A_205 = arith.constant 0 : i32
          %dma_wait3A_206 = arith.constant 0 : i32
          %dma_wait3A_207 = tpu.memref_slice %arg18[%dma_wait3A_205, %dma_wait3A_206] : memref<5120x128xf32, #tpu.memory_space<vmem_shared>> -> memref<5120x128xf32, #tpu.memory_space<vmem_shared>>
          tpu.wait_indirect_dma semaphore(%run_scoped3A : memref<!tpu.dma_semaphore, #tpu.memory_space<semaphore_mem>>) src(%arg15 : memref<80x128xf32, #tpu.memory_space<vmem>>) dst(%dma_wait3A_207 : memref<5120x128xf32, #tpu.memory_space<vmem_shared>>)
          tpu.yield
        }) : () -> ()
      } else {
      }
    }
    %while3A_102 = arith.constant 1 : i32
    scf.for %while3A_112 = %while3A_100 to %while3A_96 step %while3A_102  : i32 {
      %mul3A_113 = arith.constant 2 : i32
      %mul3A_114 = arith.muli %mul3A_113, %while3A_112 : i32
      %mul3A_115 = arith.constant 2 : i32
      %mul3A_116 = arith.muli %mul3A_115, %while3A_112 : i32
      %add3A_117 = arith.constant 1 : i32
      %add3A_118 = arith.addi %mul3A_116, %add3A_117 : i32
      %lt3A = arith.cmpi slt, %add3A_118, %select_n3A_57 : i32
      %convert_element_type3A_119 = arith.extui %lt3A : i1 to i32
      %cond3A_120 = arith.constant 0 : i32
      %cond3A_121 = arith.cmpi ne, %convert_element_type3A_119, %cond3A_120 : i32
      scf.if %cond3A_121 {
        %mul3A_167 = arith.constant 80 : i32
        %mul3A_168 = arith.muli %add3A_118, %mul3A_167 : i32
        %add3A_169 = arith.addi %multiple_of3A_65, %mul3A_168 : i32
        %multiple_of3A_170 = tpu.assume_multiple %add3A_169, 80 : i32
        %mul3A_171 = arith.constant 80 : i32
        %mul3A_172 = arith.muli %add3A_118, %mul3A_171 : i32
        %add3A_173 = arith.addi %multiple_of3A, %mul3A_172 : i32
        %multiple_of3A_174 = tpu.assume_multiple %add3A_173, 80 : i32
        %dma_start3A = tpu.memref_slice %arg8[%multiple_of3A_170] : memref<20000xi32, #tpu.memory_space<vmem>> -> memref<80xi32, #tpu.memory_space<vmem>>
        %dma_start3A_175 = arith.constant 0 : i32
        %dma_start3A_176 = arith.constant 0 : i32
        %dma_start3A_177 = tpu.memref_slice %arg2[%dma_start3A_175, %dma_start3A_176] : memref<10000x128xf32, #tpu.memory_space<hbm>> -> memref<10000x128xf32, #tpu.memory_space<hbm>>
        tpu.enqueue_indirect_dma source(%dma_start3A_177 : memref<10000x128xf32, #tpu.memory_space<hbm>>) target(%arg15 : memref<80x128xf32, #tpu.memory_space<vmem>>) offsets(%dma_start3A : memref<80xi32, #tpu.memory_space<vmem>>) semaphore(%arg20 : memref<!tpu.dma_semaphore, #tpu.memory_space<semaphore_mem>>)
        %dma_start3A_178 = arith.constant 0 : i32
        %dma_start3A_179 = tpu.memref_slice %arg3[%multiple_of3A_174, %dma_start3A_178] : memref<320000x128xf32, #tpu.memory_space<hbm>> -> memref<80x128xf32, #tpu.memory_space<hbm>>
        %dma_start3A_180 = arith.constant 0 : i32
        %dma_start3A_181 = tpu.memref_slice %arg3[%multiple_of3A_174, %dma_start3A_180] : memref<320000x128xf32, #tpu.memory_space<hbm>> -> memref<80x128xf32, #tpu.memory_space<hbm>>
        tpu.enqueue_dma source(%dma_start3A_181 : memref<80x128xf32, #tpu.memory_space<hbm>>) target(%arg17 : memref<80x128xf32, #tpu.memory_space<vmem>>) target_semaphore(%arg22 : memref<!tpu.dma_semaphore, #tpu.memory_space<semaphore_mem>>)
      } else {
      }
      %mul3A_122 = arith.constant 80 : i32
      %mul3A_123 = arith.muli %mul3A_114, %mul3A_122 : i32
      %add3A_124 = arith.addi %multiple_of3A_65, %mul3A_123 : i32
      %multiple_of3A_125 = tpu.assume_multiple %add3A_124, 80 : i32
      %mul3A_126 = arith.constant 80 : i32
      %mul3A_127 = arith.muli %mul3A_114, %mul3A_126 : i32
      %add3A_128 = arith.addi %multiple_of3A, %mul3A_127 : i32
      %multiple_of3A_129 = tpu.assume_multiple %add3A_128, 80 : i32
      %dma_wait3A = tpu.memref_slice %arg8[%multiple_of3A_125] : memref<20000xi32, #tpu.memory_space<vmem>> -> memref<80xi32, #tpu.memory_space<vmem>>
      %dma_wait3A_130 = arith.constant 0 : i32
      %dma_wait3A_131 = arith.constant 0 : i32
      %dma_wait3A_132 = tpu.memref_slice %arg2[%dma_wait3A_130, %dma_wait3A_131] : memref<10000x128xf32, #tpu.memory_space<hbm>> -> memref<10000x128xf32, #tpu.memory_space<hbm>>
      tpu.wait_indirect_dma semaphore(%arg19 : memref<!tpu.dma_semaphore, #tpu.memory_space<semaphore_mem>>) src(%dma_wait3A_132 : memref<10000x128xf32, #tpu.memory_space<hbm>>) dst(%arg14 : memref<80x128xf32, #tpu.memory_space<vmem>>)
      %dma_wait3A_133 = arith.constant 0 : i32
      %dma_wait3A_134 = tpu.memref_slice %arg3[%multiple_of3A_129, %dma_wait3A_133] : memref<320000x128xf32, #tpu.memory_space<hbm>> -> memref<80x128xf32, #tpu.memory_space<hbm>>
      %dma_wait3A_135 = arith.constant 0 : i32
      %dma_wait3A_136 = tpu.memref_slice %arg3[%multiple_of3A_129, %dma_wait3A_135] : memref<320000x128xf32, #tpu.memory_space<hbm>> -> memref<80x128xf32, #tpu.memory_space<hbm>>
      tpu.wait_dma2 semaphore(%arg21 : memref<!tpu.dma_semaphore, #tpu.memory_space<semaphore_mem>>) src(%dma_wait3A_136 : memref<80x128xf32, #tpu.memory_space<hbm>>) dst(%arg16 : memref<80x128xf32, #tpu.memory_space<vmem>>)
      %scan3A_137 = arith.constant 0 : i32
      %scan3A_138 = arith.constant 0 : i32
      %scan3A_139 = arith.constant 80 : i32
      %scan3A_140 = arith.addi %scan3A_138, %scan3A_139 : i32
      %scan3A_141 = arith.constant 1 : i32
      scf.for %scan3A_167 = %scan3A_138 to %scan3A_140 step %scan3A_141  : i32 {
        %get3A_168 = arith.index_cast %scan3A_167 : i32 to index
        %get3A_169 = arith.constant 0 : index
        %get3A_170 = tpu.vector_load %arg14[%get3A_168, %get3A_169] {strides = array<i32>} : memref<80x128xf32, #tpu.memory_space<vmem>>, vector<1x16xf32>,
        %get3A_171 = vector.shape_cast %get3A_170 : vector<1x16xf32> to vector<16xf32>
        %get3A_172 = arith.index_cast %scan3A_167 : i32 to index
        %get3A_173 = arith.constant 0 : index
        %get3A_174 = tpu.vector_load %arg16[%get3A_172, %get3A_173] {strides = array<i32>} : memref<80x128xf32, #tpu.memory_space<vmem>>, vector<1x16xf32>,
        %get3A_175 = vector.shape_cast %get3A_174 : vector<1x16xf32> to vector<16xf32>
        %mul3A_176 = arith.mulf %get3A_171, %get3A_175 : vector<16xf32>
        %swap3A = arith.index_cast %scan3A_167 : i32 to index
        %swap3A_177 = arith.constant 0 : index
        %swap3A_178 = tpu.vector_load %arg14[%swap3A, %swap3A_177] {strides = array<i32>} : memref<80x128xf32, #tpu.memory_space<vmem>>, vector<1x16xf32>,
        %swap3A_179 = vector.shape_cast %swap3A_178 : vector<1x16xf32> to vector<16xf32>
        %swap3A_180 = vector.shape_cast %mul3A_176 : vector<16xf32> to vector<1x16xf32>
        tpu.vector_store %arg14[%swap3A, %swap3A_177], %swap3A_180 {strides = array<i32>} : memref<80x128xf32, #tpu.memory_space<vmem>>, vector<1x16xf32>,
        %get3A_181 = arith.index_cast %scan3A_167 : i32 to index
        %get3A_182 = arith.constant 16 : index
        %get3A_183 = tpu.vector_load %arg14[%get3A_181, %get3A_182] {strides = array<i32>} : memref<80x128xf32, #tpu.memory_space<vmem>>, vector<1x16xf32>,
        %get3A_184 = vector.shape_cast %get3A_183 : vector<1x16xf32> to vector<16xf32>
        %get3A_185 = arith.index_cast %scan3A_167 : i32 to index
        %get3A_186 = arith.constant 16 : index
        %get3A_187 = tpu.vector_load %arg16[%get3A_185, %get3A_186] {strides = array<i32>} : memref<80x128xf32, #tpu.memory_space<vmem>>, vector<1x16xf32>,
        %get3A_188 = vector.shape_cast %get3A_187 : vector<1x16xf32> to vector<16xf32>
        %mul3A_189 = arith.mulf %get3A_184, %get3A_188 : vector<16xf32>
        %swap3A_190 = arith.index_cast %scan3A_167 : i32 to index
        %swap3A_191 = arith.constant 16 : index
        %swap3A_192 = tpu.vector_load %arg14[%swap3A_190, %swap3A_191] {strides = array<i32>} : memref<80x128xf32, #tpu.memory_space<vmem>>, vector<1x16xf32>,
        %swap3A_193 = vector.shape_cast %swap3A_192 : vector<1x16xf32> to vector<16xf32>
        %swap3A_194 = vector.shape_cast %mul3A_189 : vector<16xf32> to vector<1x16xf32>
        tpu.vector_store %arg14[%swap3A_190, %swap3A_191], %swap3A_194 {strides = array<i32>} : memref<80x128xf32, #tpu.memory_space<vmem>>, vector<1x16xf32>,
        %get3A_195 = arith.index_cast %scan3A_167 : i32 to index
        %get3A_196 = arith.constant 32 : index
        %get3A_197 = tpu.vector_load %arg14[%get3A_195, %get3A_196] {strides = array<i32>} : memref<80x128xf32, #tpu.memory_space<vmem>>, vector<1x16xf32>,
        %get3A_198 = vector.shape_cast %get3A_197 : vector<1x16xf32> to vector<16xf32>
        %get3A_199 = arith.index_cast %scan3A_167 : i32 to index
        %get3A_200 = arith.constant 32 : index
        %get3A_201 = tpu.vector_load %arg16[%get3A_199, %get3A_200] {strides = array<i32>} : memref<80x128xf32, #tpu.memory_space<vmem>>, vector<1x16xf32>,
        %get3A_202 = vector.shape_cast %get3A_201 : vector<1x16xf32> to vector<16xf32>
        %mul3A_203 = arith.mulf %get3A_198, %get3A_202 : vector<16xf32>
        %swap3A_204 = arith.index_cast %scan3A_167 : i32 to index
        %swap3A_205 = arith.constant 32 : index
        %swap3A_206 = tpu.vector_load %arg14[%swap3A_204, %swap3A_205] {strides = array<i32>} : memref<80x128xf32, #tpu.memory_space<vmem>>, vector<1x16xf32>,
        %swap3A_207 = vector.shape_cast %swap3A_206 : vector<1x16xf32> to vector<16xf32>
        %swap3A_208 = vector.shape_cast %mul3A_203 : vector<16xf32> to vector<1x16xf32>
        tpu.vector_store %arg14[%swap3A_204, %swap3A_205], %swap3A_208 {strides = array<i32>} : memref<80x128xf32, #tpu.memory_space<vmem>>, vector<1x16xf32>,
        %get3A_209 = arith.index_cast %scan3A_167 : i32 to index
        %get3A_210 = arith.constant 48 : index
        %get3A_211 = tpu.vector_load %arg14[%get3A_209, %get3A_210] {strides = array<i32>} : memref<80x128xf32, #tpu.memory_space<vmem>>, vector<1x16xf32>,
        %get3A_212 = vector.shape_cast %get3A_211 : vector<1x16xf32> to vector<16xf32>
        %get3A_213 = arith.index_cast %scan3A_167 : i32 to index
        %get3A_214 = arith.constant 48 : index
        %get3A_215 = tpu.vector_load %arg16[%get3A_213, %get3A_214] {strides = array<i32>} : memref<80x128xf32, #tpu.memory_space<vmem>>, vector<1x16xf32>,
        %get3A_216 = vector.shape_cast %get3A_215 : vector<1x16xf32> to vector<16xf32>
        %mul3A_217 = arith.mulf %get3A_212, %get3A_216 : vector<16xf32>
        %swap3A_218 = arith.index_cast %scan3A_167 : i32 to index
        %swap3A_219 = arith.constant 48 : index
        %swap3A_220 = tpu.vector_load %arg14[%swap3A_218, %swap3A_219] {strides = array<i32>} : memref<80x128xf32, #tpu.memory_space<vmem>>, vector<1x16xf32>,
        %swap3A_221 = vector.shape_cast %swap3A_220 : vector<1x16xf32> to vector<16xf32>
        %swap3A_222 = vector.shape_cast %mul3A_217 : vector<16xf32> to vector<1x16xf32>
        tpu.vector_store %arg14[%swap3A_218, %swap3A_219], %swap3A_222 {strides = array<i32>} : memref<80x128xf32, #tpu.memory_space<vmem>>, vector<1x16xf32>,
        %get3A_223 = arith.index_cast %scan3A_167 : i32 to index
        %get3A_224 = arith.constant 64 : index
        %get3A_225 = tpu.vector_load %arg14[%get3A_223, %get3A_224] {strides = array<i32>} : memref<80x128xf32, #tpu.memory_space<vmem>>, vector<1x16xf32>,
        %get3A_226 = vector.shape_cast %get3A_225 : vector<1x16xf32> to vector<16xf32>
        %get3A_227 = arith.index_cast %scan3A_167 : i32 to index
        %get3A_228 = arith.constant 64 : index
        %get3A_229 = tpu.vector_load %arg16[%get3A_227, %get3A_228] {strides = array<i32>} : memref<80x128xf32, #tpu.memory_space<vmem>>, vector<1x16xf32>,
        %get3A_230 = vector.shape_cast %get3A_229 : vector<1x16xf32> to vector<16xf32>
        %mul3A_231 = arith.mulf %get3A_226, %get3A_230 : vector<16xf32>
        %swap3A_232 = arith.index_cast %scan3A_167 : i32 to index
        %swap3A_233 = arith.constant 64 : index
        %swap3A_234 = tpu.vector_load %arg14[%swap3A_232, %swap3A_233] {strides = array<i32>} : memref<80x128xf32, #tpu.memory_space<vmem>>, vector<1x16xf32>,
        %swap3A_235 = vector.shape_cast %swap3A_234 : vector<1x16xf32> to vector<16xf32>
        %swap3A_236 = vector.shape_cast %mul3A_231 : vector<16xf32> to vector<1x16xf32>
        tpu.vector_store %arg14[%swap3A_232, %swap3A_233], %swap3A_236 {strides = array<i32>} : memref<80x128xf32, #tpu.memory_space<vmem>>, vector<1x16xf32>,
        %get3A_237 = arith.index_cast %scan3A_167 : i32 to index
        %get3A_238 = arith.constant 80 : index
        %get3A_239 = tpu.vector_load %arg14[%get3A_237, %get3A_238] {strides = array<i32>} : memref<80x128xf32, #tpu.memory_space<vmem>>, vector<1x16xf32>,
        %get3A_240 = vector.shape_cast %get3A_239 : vector<1x16xf32> to vector<16xf32>
        %get3A_241 = arith.index_cast %scan3A_167 : i32 to index
        %get3A_242 = arith.constant 80 : index
        %get3A_243 = tpu.vector_load %arg16[%get3A_241, %get3A_242] {strides = array<i32>} : memref<80x128xf32, #tpu.memory_space<vmem>>, vector<1x16xf32>,
        %get3A_244 = vector.shape_cast %get3A_243 : vector<1x16xf32> to vector<16xf32>
        %mul3A_245 = arith.mulf %get3A_240, %get3A_244 : vector<16xf32>
        %swap3A_246 = arith.index_cast %scan3A_167 : i32 to index
        %swap3A_247 = arith.constant 80 : index
        %swap3A_248 = tpu.vector_load %arg14[%swap3A_246, %swap3A_247] {strides = array<i32>} : memref<80x128xf32, #tpu.memory_space<vmem>>, vector<1x16xf32>,
        %swap3A_249 = vector.shape_cast %swap3A_248 : vector<1x16xf32> to vector<16xf32>
        %swap3A_250 = vector.shape_cast %mul3A_245 : vector<16xf32> to vector<1x16xf32>
        tpu.vector_store %arg14[%swap3A_246, %swap3A_247], %swap3A_250 {strides = array<i32>} : memref<80x128xf32, #tpu.memory_space<vmem>>, vector<1x16xf32>,
        %get3A_251 = arith.index_cast %scan3A_167 : i32 to index
        %get3A_252 = arith.constant 96 : index
        %get3A_253 = tpu.vector_load %arg14[%get3A_251, %get3A_252] {strides = array<i32>} : memref<80x128xf32, #tpu.memory_space<vmem>>, vector<1x16xf32>,
        %get3A_254 = vector.shape_cast %get3A_253 : vector<1x16xf32> to vector<16xf32>
        %get3A_255 = arith.index_cast %scan3A_167 : i32 to index
        %get3A_256 = arith.constant 96 : index
        %get3A_257 = tpu.vector_load %arg16[%get3A_255, %get3A_256] {strides = array<i32>} : memref<80x128xf32, #tpu.memory_space<vmem>>, vector<1x16xf32>,
        %get3A_258 = vector.shape_cast %get3A_257 : vector<1x16xf32> to vector<16xf32>
        %mul3A_259 = arith.mulf %get3A_254, %get3A_258 : vector<16xf32>
        %swap3A_260 = arith.index_cast %scan3A_167 : i32 to index
        %swap3A_261 = arith.constant 96 : index
        %swap3A_262 = tpu.vector_load %arg14[%swap3A_260, %swap3A_261] {strides = array<i32>} : memref<80x128xf32, #tpu.memory_space<vmem>>, vector<1x16xf32>,
        %swap3A_263 = vector.shape_cast %swap3A_262 : vector<1x16xf32> to vector<16xf32>
        %swap3A_264 = vector.shape_cast %mul3A_259 : vector<16xf32> to vector<1x16xf32>
        tpu.vector_store %arg14[%swap3A_260, %swap3A_261], %swap3A_264 {strides = array<i32>} : memref<80x128xf32, #tpu.memory_space<vmem>>, vector<1x16xf32>,
        %get3A_265 = arith.index_cast %scan3A_167 : i32 to index
        %get3A_266 = arith.constant 112 : index
        %get3A_267 = tpu.vector_load %arg14[%get3A_265, %get3A_266] {strides = array<i32>} : memref<80x128xf32, #tpu.memory_space<vmem>>, vector<1x16xf32>,
        %get3A_268 = vector.shape_cast %get3A_267 : vector<1x16xf32> to vector<16xf32>
        %get3A_269 = arith.index_cast %scan3A_167 : i32 to index
        %get3A_270 = arith.constant 112 : index
        %get3A_271 = tpu.vector_load %arg16[%get3A_269, %get3A_270] {strides = array<i32>} : memref<80x128xf32, #tpu.memory_space<vmem>>, vector<1x16xf32>,
        %get3A_272 = vector.shape_cast %get3A_271 : vector<1x16xf32> to vector<16xf32>
        %mul3A_273 = arith.mulf %get3A_268, %get3A_272 : vector<16xf32>
        %swap3A_274 = arith.index_cast %scan3A_167 : i32 to index
        %swap3A_275 = arith.constant 112 : index
        %swap3A_276 = tpu.vector_load %arg14[%swap3A_274, %swap3A_275] {strides = array<i32>} : memref<80x128xf32, #tpu.memory_space<vmem>>, vector<1x16xf32>,
        %swap3A_277 = vector.shape_cast %swap3A_276 : vector<1x16xf32> to vector<16xf32>
        %swap3A_278 = vector.shape_cast %mul3A_273 : vector<16xf32> to vector<1x16xf32>
        tpu.vector_store %arg14[%swap3A_274, %swap3A_275], %swap3A_278 {strides = array<i32>} : memref<80x128xf32, #tpu.memory_space<vmem>>, vector<1x16xf32>,
      }
      %scan3A_142 = arith.constant 80 : i32
      %mul3A_143 = arith.constant 80 : i32
      %mul3A_144 = arith.muli %mul3A_114, %mul3A_143 : i32
      %add3A_145 = arith.addi %multiple_of3A_65, %mul3A_144 : i32
      %multiple_of3A_146 = tpu.assume_multiple %add3A_145, 16 : i32
      %eq3A_147 = arith.constant 0 : i32
      %eq3A_148 = arith.cmpi eq, %arg0, %eq3A_147 : i32
      %convert_element_type3A_149 = arith.extui %eq3A_148 : i1 to i32
      %cond3A_150 = arith.constant 0 : i32
      %cond3A_151 = arith.cmpi ne, %convert_element_type3A_149, %cond3A_150 : i32
      scf.if %cond3A_151 {
        %add3A_167 = arith.constant 0 : i32
        %add3A_168 = arith.addi %multiple_of3A_146, %add3A_167 : i32
        %get3A_169 = arith.index_cast %add3A_168 : i32 to index
        %get3A_170 = tpu.vector_load %arg9[%get3A_169] {strides = array<i32>} : memref<20000xi32, #tpu.memory_space<vmem>>, vector<16xi32>,
        %get3A_171 = vector.shape_cast %get3A_170 : vector<16xi32> to vector<16xi32>
        %swap3A = arith.constant 0 : index
        %swap3A_172 = tpu.vector_load %arg11[%swap3A] {strides = array<i32>} : memref<80xi32, #tpu.memory_space<vmem>>, vector<16xi32>,
        %swap3A_173 = vector.shape_cast %swap3A_172 : vector<16xi32> to vector<16xi32>
        %swap3A_174 = vector.shape_cast %get3A_171 : vector<16xi32> to vector<16xi32>
        tpu.vector_store %arg11[%swap3A], %swap3A_174 {strides = array<i32>} : memref<80xi32, #tpu.memory_space<vmem>>, vector<16xi32>,
        %add3A_175 = arith.constant 16 : i32
        %add3A_176 = arith.addi %multiple_of3A_146, %add3A_175 : i32
        %get3A_177 = arith.index_cast %add3A_176 : i32 to index
        %get3A_178 = tpu.vector_load %arg9[%get3A_177] {strides = array<i32>} : memref<20000xi32, #tpu.memory_space<vmem>>, vector<16xi32>,
        %get3A_179 = vector.shape_cast %get3A_178 : vector<16xi32> to vector<16xi32>
        %swap3A_180 = arith.constant 16 : index
        %swap3A_181 = tpu.vector_load %arg11[%swap3A_180] {strides = array<i32>} : memref<80xi32, #tpu.memory_space<vmem>>, vector<16xi32>,
        %swap3A_182 = vector.shape_cast %swap3A_181 : vector<16xi32> to vector<16xi32>
        %swap3A_183 = vector.shape_cast %get3A_179 : vector<16xi32> to vector<16xi32>
        tpu.vector_store %arg11[%swap3A_180], %swap3A_183 {strides = array<i32>} : memref<80xi32, #tpu.memory_space<vmem>>, vector<16xi32>,
        %add3A_184 = arith.constant 32 : i32
        %add3A_185 = arith.addi %multiple_of3A_146, %add3A_184 : i32
        %get3A_186 = arith.index_cast %add3A_185 : i32 to index
        %get3A_187 = tpu.vector_load %arg9[%get3A_186] {strides = array<i32>} : memref<20000xi32, #tpu.memory_space<vmem>>, vector<16xi32>,
        %get3A_188 = vector.shape_cast %get3A_187 : vector<16xi32> to vector<16xi32>
        %swap3A_189 = arith.constant 32 : index
        %swap3A_190 = tpu.vector_load %arg11[%swap3A_189] {strides = array<i32>} : memref<80xi32, #tpu.memory_space<vmem>>, vector<16xi32>,
        %swap3A_191 = vector.shape_cast %swap3A_190 : vector<16xi32> to vector<16xi32>
        %swap3A_192 = vector.shape_cast %get3A_188 : vector<16xi32> to vector<16xi32>
        tpu.vector_store %arg11[%swap3A_189], %swap3A_192 {strides = array<i32>} : memref<80xi32, #tpu.memory_space<vmem>>, vector<16xi32>,
        %add3A_193 = arith.constant 48 : i32
        %add3A_194 = arith.addi %multiple_of3A_146, %add3A_193 : i32
        %get3A_195 = arith.index_cast %add3A_194 : i32 to index
        %get3A_196 = tpu.vector_load %arg9[%get3A_195] {strides = array<i32>} : memref<20000xi32, #tpu.memory_space<vmem>>, vector<16xi32>,
        %get3A_197 = vector.shape_cast %get3A_196 : vector<16xi32> to vector<16xi32>
        %swap3A_198 = arith.constant 48 : index
        %swap3A_199 = tpu.vector_load %arg11[%swap3A_198] {strides = array<i32>} : memref<80xi32, #tpu.memory_space<vmem>>, vector<16xi32>,
        %swap3A_200 = vector.shape_cast %swap3A_199 : vector<16xi32> to vector<16xi32>
        %swap3A_201 = vector.shape_cast %get3A_197 : vector<16xi32> to vector<16xi32>
        tpu.vector_store %arg11[%swap3A_198], %swap3A_201 {strides = array<i32>} : memref<80xi32, #tpu.memory_space<vmem>>, vector<16xi32>,
        %add3A_202 = arith.constant 64 : i32
        %add3A_203 = arith.addi %multiple_of3A_146, %add3A_202 : i32
        %get3A_204 = arith.index_cast %add3A_203 : i32 to index
        %get3A_205 = tpu.vector_load %arg9[%get3A_204] {strides = array<i32>} : memref<20000xi32, #tpu.memory_space<vmem>>, vector<16xi32>,
        %get3A_206 = vector.shape_cast %get3A_205 : vector<16xi32> to vector<16xi32>
        %swap3A_207 = arith.constant 64 : index
        %swap3A_208 = tpu.vector_load %arg11[%swap3A_207] {strides = array<i32>} : memref<80xi32, #tpu.memory_space<vmem>>, vector<16xi32>,
        %swap3A_209 = vector.shape_cast %swap3A_208 : vector<16xi32> to vector<16xi32>
        %swap3A_210 = vector.shape_cast %get3A_206 : vector<16xi32> to vector<16xi32>
        tpu.vector_store %arg11[%swap3A_207], %swap3A_210 {strides = array<i32>} : memref<80xi32, #tpu.memory_space<vmem>>, vector<16xi32>,
      } else {
      }
      %eq3A_152 = arith.constant 1 : i32
      %eq3A_153 = arith.cmpi eq, %arg0, %eq3A_152 : i32
      %convert_element_type3A_154 = arith.extui %eq3A_153 : i1 to i32
      %cond3A_155 = arith.constant 0 : i32
      %cond3A_156 = arith.cmpi ne, %convert_element_type3A_154, %cond3A_155 : i32
      scf.if %cond3A_156 {
        %add3A_167 = arith.constant 0 : i32
        %add3A_168 = arith.addi %multiple_of3A_146, %add3A_167 : i32
        %get3A_169 = arith.index_cast %add3A_168 : i32 to index
        %get3A_170 = tpu.vector_load %arg9[%get3A_169] {strides = array<i32>} : memref<20000xi32, #tpu.memory_space<vmem>>, vector<16xi32>,
        %get3A_171 = vector.shape_cast %get3A_170 : vector<16xi32> to vector<16xi32>
        %lt3A_172 = arith.constant 5000 : i32
        %lt3A_173 = vector.broadcast %lt3A_172 : i32 to vector<16xi32>
        %lt3A_174 = arith.cmpi slt, %get3A_171, %lt3A_173 : vector<16xi32>
        %sub3A_175 = arith.constant 5000 : i32
        %sub3A_176 = vector.broadcast %sub3A_175 : i32 to vector<16xi32>
        %sub3A_177 = arith.subi %get3A_171, %sub3A_176 : vector<16xi32>
        %jit3A_178 = arith.constant 5040 : i32
        %broadcast_in_dim3A_179 = vector.broadcast %jit3A_178 : i32 to vector<16xi32>
        %select_n3A_180 = arith.select %lt3A_174, %broadcast_in_dim3A_179, %sub3A_177 : vector<16xi1>, vector<16xi32>
        %swap3A = arith.constant 0 : index
        %swap3A_181 = tpu.vector_load %arg11[%swap3A] {strides = array<i32>} : memref<80xi32, #tpu.memory_space<vmem>>, vector<16xi32>,
        %swap3A_182 = vector.shape_cast %swap3A_181 : vector<16xi32> to vector<16xi32>
        %swap3A_183 = vector.shape_cast %select_n3A_180 : vector<16xi32> to vector<16xi32>
        tpu.vector_store %arg11[%swap3A], %swap3A_183 {strides = array<i32>} : memref<80xi32, #tpu.memory_space<vmem>>, vector<16xi32>,
        %add3A_184 = arith.constant 16 : i32
        %add3A_185 = arith.addi %multiple_of3A_146, %add3A_184 : i32
        %get3A_186 = arith.index_cast %add3A_185 : i32 to index
        %get3A_187 = tpu.vector_load %arg9[%get3A_186] {strides = array<i32>} : memref<20000xi32, #tpu.memory_space<vmem>>, vector<16xi32>,
        %get3A_188 = vector.shape_cast %get3A_187 : vector<16xi32> to vector<16xi32>
        %lt3A_189 = arith.constant 5000 : i32
        %lt3A_190 = vector.broadcast %lt3A_189 : i32 to vector<16xi32>
        %lt3A_191 = arith.cmpi slt, %get3A_188, %lt3A_190 : vector<16xi32>
        %sub3A_192 = arith.constant 5000 : i32
        %sub3A_193 = vector.broadcast %sub3A_192 : i32 to vector<16xi32>
        %sub3A_194 = arith.subi %get3A_188, %sub3A_193 : vector<16xi32>
        %jit3A_195 = arith.constant 5040 : i32
        %broadcast_in_dim3A_196 = vector.broadcast %jit3A_195 : i32 to vector<16xi32>
        %select_n3A_197 = arith.select %lt3A_191, %broadcast_in_dim3A_196, %sub3A_194 : vector<16xi1>, vector<16xi32>
        %swap3A_198 = arith.constant 16 : index
        %swap3A_199 = tpu.vector_load %arg11[%swap3A_198] {strides = array<i32>} : memref<80xi32, #tpu.memory_space<vmem>>, vector<16xi32>,
        %swap3A_200 = vector.shape_cast %swap3A_199 : vector<16xi32> to vector<16xi32>
        %swap3A_201 = vector.shape_cast %select_n3A_197 : vector<16xi32> to vector<16xi32>
        tpu.vector_store %arg11[%swap3A_198], %swap3A_201 {strides = array<i32>} : memref<80xi32, #tpu.memory_space<vmem>>, vector<16xi32>,
        %add3A_202 = arith.constant 32 : i32
        %add3A_203 = arith.addi %multiple_of3A_146, %add3A_202 : i32
        %get3A_204 = arith.index_cast %add3A_203 : i32 to index
        %get3A_205 = tpu.vector_load %arg9[%get3A_204] {strides = array<i32>} : memref<20000xi32, #tpu.memory_space<vmem>>, vector<16xi32>,
        %get3A_206 = vector.shape_cast %get3A_205 : vector<16xi32> to vector<16xi32>
        %lt3A_207 = arith.constant 5000 : i32
        %lt3A_208 = vector.broadcast %lt3A_207 : i32 to vector<16xi32>
        %lt3A_209 = arith.cmpi slt, %get3A_206, %lt3A_208 : vector<16xi32>
        %sub3A_210 = arith.constant 5000 : i32
        %sub3A_211 = vector.broadcast %sub3A_210 : i32 to vector<16xi32>
        %sub3A_212 = arith.subi %get3A_206, %sub3A_211 : vector<16xi32>
        %jit3A_213 = arith.constant 5040 : i32
        %broadcast_in_dim3A_214 = vector.broadcast %jit3A_213 : i32 to vector<16xi32>
        %select_n3A_215 = arith.select %lt3A_209, %broadcast_in_dim3A_214, %sub3A_212 : vector<16xi1>, vector<16xi32>
        %swap3A_216 = arith.constant 32 : index
        %swap3A_217 = tpu.vector_load %arg11[%swap3A_216] {strides = array<i32>} : memref<80xi32, #tpu.memory_space<vmem>>, vector<16xi32>,
        %swap3A_218 = vector.shape_cast %swap3A_217 : vector<16xi32> to vector<16xi32>
        %swap3A_219 = vector.shape_cast %select_n3A_215 : vector<16xi32> to vector<16xi32>
        tpu.vector_store %arg11[%swap3A_216], %swap3A_219 {strides = array<i32>} : memref<80xi32, #tpu.memory_space<vmem>>, vector<16xi32>,
        %add3A_220 = arith.constant 48 : i32
        %add3A_221 = arith.addi %multiple_of3A_146, %add3A_220 : i32
        %get3A_222 = arith.index_cast %add3A_221 : i32 to index
        %get3A_223 = tpu.vector_load %arg9[%get3A_222] {strides = array<i32>} : memref<20000xi32, #tpu.memory_space<vmem>>, vector<16xi32>,
        %get3A_224 = vector.shape_cast %get3A_223 : vector<16xi32> to vector<16xi32>
        %lt3A_225 = arith.constant 5000 : i32
        %lt3A_226 = vector.broadcast %lt3A_225 : i32 to vector<16xi32>
        %lt3A_227 = arith.cmpi slt, %get3A_224, %lt3A_226 : vector<16xi32>
        %sub3A_228 = arith.constant 5000 : i32
        %sub3A_229 = vector.broadcast %sub3A_228 : i32 to vector<16xi32>
        %sub3A_230 = arith.subi %get3A_224, %sub3A_229 : vector<16xi32>
        %jit3A_231 = arith.constant 5040 : i32
        %broadcast_in_dim3A_232 = vector.broadcast %jit3A_231 : i32 to vector<16xi32>
        %select_n3A_233 = arith.select %lt3A_227, %broadcast_in_dim3A_232, %sub3A_230 : vector<16xi1>, vector<16xi32>
        %swap3A_234 = arith.constant 48 : index
        %swap3A_235 = tpu.vector_load %arg11[%swap3A_234] {strides = array<i32>} : memref<80xi32, #tpu.memory_space<vmem>>, vector<16xi32>,
        %swap3A_236 = vector.shape_cast %swap3A_235 : vector<16xi32> to vector<16xi32>
        %swap3A_237 = vector.shape_cast %select_n3A_233 : vector<16xi32> to vector<16xi32>
        tpu.vector_store %arg11[%swap3A_234], %swap3A_237 {strides = array<i32>} : memref<80xi32, #tpu.memory_space<vmem>>, vector<16xi32>,
        %add3A_238 = arith.constant 64 : i32
        %add3A_239 = arith.addi %multiple_of3A_146, %add3A_238 : i32
        %get3A_240 = arith.index_cast %add3A_239 : i32 to index
        %get3A_241 = tpu.vector_load %arg9[%get3A_240] {strides = array<i32>} : memref<20000xi32, #tpu.memory_space<vmem>>, vector<16xi32>,
        %get3A_242 = vector.shape_cast %get3A_241 : vector<16xi32> to vector<16xi32>
        %lt3A_243 = arith.constant 5000 : i32
        %lt3A_244 = vector.broadcast %lt3A_243 : i32 to vector<16xi32>
        %lt3A_245 = arith.cmpi slt, %get3A_242, %lt3A_244 : vector<16xi32>
        %sub3A_246 = arith.constant 5000 : i32
        %sub3A_247 = vector.broadcast %sub3A_246 : i32 to vector<16xi32>
        %sub3A_248 = arith.subi %get3A_242, %sub3A_247 : vector<16xi32>
        %jit3A_249 = arith.constant 5040 : i32
        %broadcast_in_dim3A_250 = vector.broadcast %jit3A_249 : i32 to vector<16xi32>
        %select_n3A_251 = arith.select %lt3A_245, %broadcast_in_dim3A_250, %sub3A_248 : vector<16xi1>, vector<16xi32>
        %swap3A_252 = arith.constant 64 : index
        %swap3A_253 = tpu.vector_load %arg11[%swap3A_252] {strides = array<i32>} : memref<80xi32, #tpu.memory_space<vmem>>, vector<16xi32>,
        %swap3A_254 = vector.shape_cast %swap3A_253 : vector<16xi32> to vector<16xi32>
        %swap3A_255 = vector.shape_cast %select_n3A_251 : vector<16xi32> to vector<16xi32>
        tpu.vector_store %arg11[%swap3A_252], %swap3A_255 {strides = array<i32>} : memref<80xi32, #tpu.memory_space<vmem>>, vector<16xi32>,
      } else {
      }
      "tpu.region"() ({
        %run_scoped3A = tpu.sem_alloc : memref<!tpu.dma_semaphore, #tpu.memory_space<semaphore_mem>>
        %dma_start3A = arith.constant 0 : i32
        %dma_start3A_167 = arith.constant 0 : i32
        %dma_start3A_168 = tpu.memref_slice %arg18[%dma_start3A, %dma_start3A_167] : memref<5120x128xf32, #tpu.memory_space<vmem_shared>> -> memref<5120x128xf32, #tpu.memory_space<vmem_shared>>
        tpu.enqueue_indirect_dma source(%arg14 : memref<80x128xf32, #tpu.memory_space<vmem>>) target(%dma_start3A_168 : memref<5120x128xf32, #tpu.memory_space<vmem_shared>>) offsets(%arg11 : memref<80xi32, #tpu.memory_space<vmem>>) semaphore(%run_scoped3A : memref<!tpu.dma_semaphore, #tpu.memory_space<semaphore_mem>>) {add = true}
        %dma_wait3A_169 = arith.constant 0 : i32
        %dma_wait3A_170 = arith.constant 0 : i32
        %dma_wait3A_171 = tpu.memref_slice %arg18[%dma_wait3A_169, %dma_wait3A_170] : memref<5120x128xf32, #tpu.memory_space<vmem_shared>> -> memref<5120x128xf32, #tpu.memory_space<vmem_shared>>
        tpu.wait_indirect_dma semaphore(%run_scoped3A : memref<!tpu.dma_semaphore, #tpu.memory_space<semaphore_mem>>) src(%arg14 : memref<80x128xf32, #tpu.memory_space<vmem>>) dst(%dma_wait3A_171 : memref<5120x128xf32, #tpu.memory_space<vmem_shared>>)
        tpu.yield
      }) : () -> ()
      %add3A_157 = arith.constant 2 : i32
      %add3A_158 = arith.addi %mul3A_114, %add3A_157 : i32
      %lt3A_159 = arith.cmpi slt, %add3A_158, %select_n3A_57 : i32
      %convert_element_type3A_160 = arith.extui %lt3A_159 : i1 to i32
      %cond3A_161 = arith.constant 0 : i32
      %cond3A_162 = arith.cmpi ne, %convert_element_type3A_160, %cond3A_161 : i32
      scf.if %cond3A_162 {
        %add3A_167 = arith.constant 2 : i32
        %add3A_168 = arith.addi %mul3A_114, %add3A_167 : i32
        %mul3A_169 = arith.constant 80 : i32
        %mul3A_170 = arith.muli %add3A_168, %mul3A_169 : i32
        %add3A_171 = arith.addi %multiple_of3A_65, %mul3A_170 : i32
        %multiple_of3A_172 = tpu.assume_multiple %add3A_171, 80 : i32
        %mul3A_173 = arith.constant 80 : i32
        %mul3A_174 = arith.muli %add3A_168, %mul3A_173 : i32
        %add3A_175 = arith.addi %multiple_of3A, %mul3A_174 : i32
        %multiple_of3A_176 = tpu.assume_multiple %add3A_175, 80 : i32
        %dma_start3A = tpu.memref_slice %arg8[%multiple_of3A_172] : memref<20000xi32, #tpu.memory_space<vmem>> -> memref<80xi32, #tpu.memory_space<vmem>>
        %dma_start3A_177 = arith.constant 0 : i32
        %dma_start3A_178 = arith.constant 0 : i32
        %dma_start3A_179 = tpu.memref_slice %arg2[%dma_start3A_177, %dma_start3A_178] : memref<10000x128xf32, #tpu.memory_space<hbm>> -> memref<10000x128xf32, #tpu.memory_space<hbm>>
        tpu.enqueue_indirect_dma source(%dma_start3A_179 : memref<10000x128xf32, #tpu.memory_space<hbm>>) target(%arg14 : memref<80x128xf32, #tpu.memory_space<vmem>>) offsets(%dma_start3A : memref<80xi32, #tpu.memory_space<vmem>>) semaphore(%arg19 : memref<!tpu.dma_semaphore, #tpu.memory_space<semaphore_mem>>)
        %dma_start3A_180 = arith.constant 0 : i32
        %dma_start3A_181 = tpu.memref_slice %arg3[%multiple_of3A_176, %dma_start3A_180] : memref<320000x128xf32, #tpu.memory_space<hbm>> -> memref<80x128xf32, #tpu.memory_space<hbm>>
        %dma_start3A_182 = arith.constant 0 : i32
        %dma_start3A_183 = tpu.memref_slice %arg3[%multiple_of3A_176, %dma_start3A_182] : memref<320000x128xf32, #tpu.memory_space<hbm>> -> memref<80x128xf32, #tpu.memory_space<hbm>>
        tpu.enqueue_dma source(%dma_start3A_183 : memref<80x128xf32, #tpu.memory_space<hbm>>) target(%arg16 : memref<80x128xf32, #tpu.memory_space<vmem>>) target_semaphore(%arg21 : memref<!tpu.dma_semaphore, #tpu.memory_space<semaphore_mem>>)
      } else {
      }
      %lt3A_163 = arith.cmpi slt, %add3A_118, %select_n3A_57 : i32
      %convert_element_type3A_164 = arith.extui %lt3A_163 : i1 to i32
      %cond3A_165 = arith.constant 0 : i32
      %cond3A_166 = arith.cmpi ne, %convert_element_type3A_164, %cond3A_165 : i32
      scf.if %cond3A_166 {
        %mul3A_167 = arith.constant 80 : i32
        %mul3A_168 = arith.muli %add3A_118, %mul3A_167 : i32
        %add3A_169 = arith.addi %multiple_of3A_65, %mul3A_168 : i32
        %multiple_of3A_170 = tpu.assume_multiple %add3A_169, 80 : i32
        %mul3A_171 = arith.constant 80 : i32
        %mul3A_172 = arith.muli %add3A_118, %mul3A_171 : i32
        %add3A_173 = arith.addi %multiple_of3A, %mul3A_172 : i32
        %multiple_of3A_174 = tpu.assume_multiple %add3A_173, 80 : i32
        %dma_wait3A_175 = tpu.memref_slice %arg8[%multiple_of3A_170] : memref<20000xi32, #tpu.memory_space<vmem>> -> memref<80xi32, #tpu.memory_space<vmem>>
        %dma_wait3A_176 = arith.constant 0 : i32
        %dma_wait3A_177 = arith.constant 0 : i32
        %dma_wait3A_178 = tpu.memref_slice %arg2[%dma_wait3A_176, %dma_wait3A_177] : memref<10000x128xf32, #tpu.memory_space<hbm>> -> memref<10000x128xf32, #tpu.memory_space<hbm>>
        tpu.wait_indirect_dma semaphore(%arg20 : memref<!tpu.dma_semaphore, #tpu.memory_space<semaphore_mem>>) src(%dma_wait3A_178 : memref<10000x128xf32, #tpu.memory_space<hbm>>) dst(%arg15 : memref<80x128xf32, #tpu.memory_space<vmem>>)
        %dma_wait3A_179 = arith.constant 0 : i32
        %dma_wait3A_180 = tpu.memref_slice %arg3[%multiple_of3A_174, %dma_wait3A_179] : memref<320000x128xf32, #tpu.memory_space<hbm>> -> memref<80x128xf32, #tpu.memory_space<hbm>>
        %dma_wait3A_181 = arith.constant 0 : i32
        %dma_wait3A_182 = tpu.memref_slice %arg3[%multiple_of3A_174, %dma_wait3A_181] : memref<320000x128xf32, #tpu.memory_space<hbm>> -> memref<80x128xf32, #tpu.memory_space<hbm>>
        tpu.wait_dma2 semaphore(%arg22 : memref<!tpu.dma_semaphore, #tpu.memory_space<semaphore_mem>>) src(%dma_wait3A_182 : memref<80x128xf32, #tpu.memory_space<hbm>>) dst(%arg17 : memref<80x128xf32, #tpu.memory_space<vmem>>)
        %scan3A_183 = arith.constant 0 : i32
        %scan3A_184 = arith.constant 0 : i32
        %scan3A_185 = arith.constant 80 : i32
        %scan3A_186 = arith.addi %scan3A_184, %scan3A_185 : i32
        %scan3A_187 = arith.constant 1 : i32
        scf.for %scan3A_203 = %scan3A_184 to %scan3A_186 step %scan3A_187  : i32 {
          %get3A_204 = arith.index_cast %scan3A_203 : i32 to index
          %get3A_205 = arith.constant 0 : index
          %get3A_206 = tpu.vector_load %arg15[%get3A_204, %get3A_205] {strides = array<i32>} : memref<80x128xf32, #tpu.memory_space<vmem>>, vector<1x16xf32>,
          %get3A_207 = vector.shape_cast %get3A_206 : vector<1x16xf32> to vector<16xf32>
          %get3A_208 = arith.index_cast %scan3A_203 : i32 to index
          %get3A_209 = arith.constant 0 : index
          %get3A_210 = tpu.vector_load %arg17[%get3A_208, %get3A_209] {strides = array<i32>} : memref<80x128xf32, #tpu.memory_space<vmem>>, vector<1x16xf32>,
          %get3A_211 = vector.shape_cast %get3A_210 : vector<1x16xf32> to vector<16xf32>
          %mul3A_212 = arith.mulf %get3A_207, %get3A_211 : vector<16xf32>
          %swap3A = arith.index_cast %scan3A_203 : i32 to index
          %swap3A_213 = arith.constant 0 : index
          %swap3A_214 = tpu.vector_load %arg15[%swap3A, %swap3A_213] {strides = array<i32>} : memref<80x128xf32, #tpu.memory_space<vmem>>, vector<1x16xf32>,
          %swap3A_215 = vector.shape_cast %swap3A_214 : vector<1x16xf32> to vector<16xf32>
          %swap3A_216 = vector.shape_cast %mul3A_212 : vector<16xf32> to vector<1x16xf32>
          tpu.vector_store %arg15[%swap3A, %swap3A_213], %swap3A_216 {strides = array<i32>} : memref<80x128xf32, #tpu.memory_space<vmem>>, vector<1x16xf32>,
          %get3A_217 = arith.index_cast %scan3A_203 : i32 to index
          %get3A_218 = arith.constant 16 : index
          %get3A_219 = tpu.vector_load %arg15[%get3A_217, %get3A_218] {strides = array<i32>} : memref<80x128xf32, #tpu.memory_space<vmem>>, vector<1x16xf32>,
          %get3A_220 = vector.shape_cast %get3A_219 : vector<1x16xf32> to vector<16xf32>
          %get3A_221 = arith.index_cast %scan3A_203 : i32 to index
          %get3A_222 = arith.constant 16 : index
          %get3A_223 = tpu.vector_load %arg17[%get3A_221, %get3A_222] {strides = array<i32>} : memref<80x128xf32, #tpu.memory_space<vmem>>, vector<1x16xf32>,
          %get3A_224 = vector.shape_cast %get3A_223 : vector<1x16xf32> to vector<16xf32>
          %mul3A_225 = arith.mulf %get3A_220, %get3A_224 : vector<16xf32>
          %swap3A_226 = arith.index_cast %scan3A_203 : i32 to index
          %swap3A_227 = arith.constant 16 : index
          %swap3A_228 = tpu.vector_load %arg15[%swap3A_226, %swap3A_227] {strides = array<i32>} : memref<80x128xf32, #tpu.memory_space<vmem>>, vector<1x16xf32>,
          %swap3A_229 = vector.shape_cast %swap3A_228 : vector<1x16xf32> to vector<16xf32>
          %swap3A_230 = vector.shape_cast %mul3A_225 : vector<16xf32> to vector<1x16xf32>
          tpu.vector_store %arg15[%swap3A_226, %swap3A_227], %swap3A_230 {strides = array<i32>} : memref<80x128xf32, #tpu.memory_space<vmem>>, vector<1x16xf32>,
          %get3A_231 = arith.index_cast %scan3A_203 : i32 to index
          %get3A_232 = arith.constant 32 : index
          %get3A_233 = tpu.vector_load %arg15[%get3A_231, %get3A_232] {strides = array<i32>} : memref<80x128xf32, #tpu.memory_space<vmem>>, vector<1x16xf32>,
          %get3A_234 = vector.shape_cast %get3A_233 : vector<1x16xf32> to vector<16xf32>
          %get3A_235 = arith.index_cast %scan3A_203 : i32 to index
          %get3A_236 = arith.constant 32 : index
          %get3A_237 = tpu.vector_load %arg17[%get3A_235, %get3A_236] {strides = array<i32>} : memref<80x128xf32, #tpu.memory_space<vmem>>, vector<1x16xf32>,
          %get3A_238 = vector.shape_cast %get3A_237 : vector<1x16xf32> to vector<16xf32>
          %mul3A_239 = arith.mulf %get3A_234, %get3A_238 : vector<16xf32>
          %swap3A_240 = arith.index_cast %scan3A_203 : i32 to index
          %swap3A_241 = arith.constant 32 : index
          %swap3A_242 = tpu.vector_load %arg15[%swap3A_240, %swap3A_241] {strides = array<i32>} : memref<80x128xf32, #tpu.memory_space<vmem>>, vector<1x16xf32>,
          %swap3A_243 = vector.shape_cast %swap3A_242 : vector<1x16xf32> to vector<16xf32>
          %swap3A_244 = vector.shape_cast %mul3A_239 : vector<16xf32> to vector<1x16xf32>
          tpu.vector_store %arg15[%swap3A_240, %swap3A_241], %swap3A_244 {strides = array<i32>} : memref<80x128xf32, #tpu.memory_space<vmem>>, vector<1x16xf32>,
          %get3A_245 = arith.index_cast %scan3A_203 : i32 to index
          %get3A_246 = arith.constant 48 : index
          %get3A_247 = tpu.vector_load %arg15[%get3A_245, %get3A_246] {strides = array<i32>} : memref<80x128xf32, #tpu.memory_space<vmem>>, vector<1x16xf32>,
          %get3A_248 = vector.shape_cast %get3A_247 : vector<1x16xf32> to vector<16xf32>
          %get3A_249 = arith.index_cast %scan3A_203 : i32 to index
          %get3A_250 = arith.constant 48 : index
          %get3A_251 = tpu.vector_load %arg17[%get3A_249, %get3A_250] {strides = array<i32>} : memref<80x128xf32, #tpu.memory_space<vmem>>, vector<1x16xf32>,
          %get3A_252 = vector.shape_cast %get3A_251 : vector<1x16xf32> to vector<16xf32>
          %mul3A_253 = arith.mulf %get3A_248, %get3A_252 : vector<16xf32>
          %swap3A_254 = arith.index_cast %scan3A_203 : i32 to index
          %swap3A_255 = arith.constant 48 : index
          %swap3A_256 = tpu.vector_load %arg15[%swap3A_254, %swap3A_255] {strides = array<i32>} : memref<80x128xf32, #tpu.memory_space<vmem>>, vector<1x16xf32>,
          %swap3A_257 = vector.shape_cast %swap3A_256 : vector<1x16xf32> to vector<16xf32>
          %swap3A_258 = vector.shape_cast %mul3A_253 : vector<16xf32> to vector<1x16xf32>
          tpu.vector_store %arg15[%swap3A_254, %swap3A_255], %swap3A_258 {strides = array<i32>} : memref<80x128xf32, #tpu.memory_space<vmem>>, vector<1x16xf32>,
          %get3A_259 = arith.index_cast %scan3A_203 : i32 to index
          %get3A_260 = arith.constant 64 : index
          %get3A_261 = tpu.vector_load %arg15[%get3A_259, %get3A_260] {strides = array<i32>} : memref<80x128xf32, #tpu.memory_space<vmem>>, vector<1x16xf32>,
          %get3A_262 = vector.shape_cast %get3A_261 : vector<1x16xf32> to vector<16xf32>
          %get3A_263 = arith.index_cast %scan3A_203 : i32 to index
          %get3A_264 = arith.constant 64 : index
          %get3A_265 = tpu.vector_load %arg17[%get3A_263, %get3A_264] {strides = array<i32>} : memref<80x128xf32, #tpu.memory_space<vmem>>, vector<1x16xf32>,
          %get3A_266 = vector.shape_cast %get3A_265 : vector<1x16xf32> to vector<16xf32>
          %mul3A_267 = arith.mulf %get3A_262, %get3A_266 : vector<16xf32>
          %swap3A_268 = arith.index_cast %scan3A_203 : i32 to index
          %swap3A_269 = arith.constant 64 : index
          %swap3A_270 = tpu.vector_load %arg15[%swap3A_268, %swap3A_269] {strides = array<i32>} : memref<80x128xf32, #tpu.memory_space<vmem>>, vector<1x16xf32>,
          %swap3A_271 = vector.shape_cast %swap3A_270 : vector<1x16xf32> to vector<16xf32>
          %swap3A_272 = vector.shape_cast %mul3A_267 : vector<16xf32> to vector<1x16xf32>
          tpu.vector_store %arg15[%swap3A_268, %swap3A_269], %swap3A_272 {strides = array<i32>} : memref<80x128xf32, #tpu.memory_space<vmem>>, vector<1x16xf32>,
          %get3A_273 = arith.index_cast %scan3A_203 : i32 to index
          %get3A_274 = arith.constant 80 : index
          %get3A_275 = tpu.vector_load %arg15[%get3A_273, %get3A_274] {strides = array<i32>} : memref<80x128xf32, #tpu.memory_space<vmem>>, vector<1x16xf32>,
          %get3A_276 = vector.shape_cast %get3A_275 : vector<1x16xf32> to vector<16xf32>
          %get3A_277 = arith.index_cast %scan3A_203 : i32 to index
          %get3A_278 = arith.constant 80 : index
          %get3A_279 = tpu.vector_load %arg17[%get3A_277, %get3A_278] {strides = array<i32>} : memref<80x128xf32, #tpu.memory_space<vmem>>, vector<1x16xf32>,
          %get3A_280 = vector.shape_cast %get3A_279 : vector<1x16xf32> to vector<16xf32>
          %mul3A_281 = arith.mulf %get3A_276, %get3A_280 : vector<16xf32>
          %swap3A_282 = arith.index_cast %scan3A_203 : i32 to index
          %swap3A_283 = arith.constant 80 : index
          %swap3A_284 = tpu.vector_load %arg15[%swap3A_282, %swap3A_283] {strides = array<i32>} : memref<80x128xf32, #tpu.memory_space<vmem>>, vector<1x16xf32>,
          %swap3A_285 = vector.shape_cast %swap3A_284 : vector<1x16xf32> to vector<16xf32>
          %swap3A_286 = vector.shape_cast %mul3A_281 : vector<16xf32> to vector<1x16xf32>
          tpu.vector_store %arg15[%swap3A_282, %swap3A_283], %swap3A_286 {strides = array<i32>} : memref<80x128xf32, #tpu.memory_space<vmem>>, vector<1x16xf32>,
          %get3A_287 = arith.index_cast %scan3A_203 : i32 to index
          %get3A_288 = arith.constant 96 : index
          %get3A_289 = tpu.vector_load %arg15[%get3A_287, %get3A_288] {strides = array<i32>} : memref<80x128xf32, #tpu.memory_space<vmem>>, vector<1x16xf32>,
          %get3A_290 = vector.shape_cast %get3A_289 : vector<1x16xf32> to vector<16xf32>
          %get3A_291 = arith.index_cast %scan3A_203 : i32 to index
          %get3A_292 = arith.constant 96 : index
          %get3A_293 = tpu.vector_load %arg17[%get3A_291, %get3A_292] {strides = array<i32>} : memref<80x128xf32, #tpu.memory_space<vmem>>, vector<1x16xf32>,
          %get3A_294 = vector.shape_cast %get3A_293 : vector<1x16xf32> to vector<16xf32>
          %mul3A_295 = arith.mulf %get3A_290, %get3A_294 : vector<16xf32>
          %swap3A_296 = arith.index_cast %scan3A_203 : i32 to index
          %swap3A_297 = arith.constant 96 : index
          %swap3A_298 = tpu.vector_load %arg15[%swap3A_296, %swap3A_297] {strides = array<i32>} : memref<80x128xf32, #tpu.memory_space<vmem>>, vector<1x16xf32>,
          %swap3A_299 = vector.shape_cast %swap3A_298 : vector<1x16xf32> to vector<16xf32>
          %swap3A_300 = vector.shape_cast %mul3A_295 : vector<16xf32> to vector<1x16xf32>
          tpu.vector_store %arg15[%swap3A_296, %swap3A_297], %swap3A_300 {strides = array<i32>} : memref<80x128xf32, #tpu.memory_space<vmem>>, vector<1x16xf32>,
          %get3A_301 = arith.index_cast %scan3A_203 : i32 to index
          %get3A_302 = arith.constant 112 : index
          %get3A_303 = tpu.vector_load %arg15[%get3A_301, %get3A_302] {strides = array<i32>} : memref<80x128xf32, #tpu.memory_space<vmem>>, vector<1x16xf32>,
          %get3A_304 = vector.shape_cast %get3A_303 : vector<1x16xf32> to vector<16xf32>
          %get3A_305 = arith.index_cast %scan3A_203 : i32 to index
          %get3A_306 = arith.constant 112 : index
          %get3A_307 = tpu.vector_load %arg17[%get3A_305, %get3A_306] {strides = array<i32>} : memref<80x128xf32, #tpu.memory_space<vmem>>, vector<1x16xf32>,
          %get3A_308 = vector.shape_cast %get3A_307 : vector<1x16xf32> to vector<16xf32>
          %mul3A_309 = arith.mulf %get3A_304, %get3A_308 : vector<16xf32>
          %swap3A_310 = arith.index_cast %scan3A_203 : i32 to index
          %swap3A_311 = arith.constant 112 : index
          %swap3A_312 = tpu.vector_load %arg15[%swap3A_310, %swap3A_311] {strides = array<i32>} : memref<80x128xf32, #tpu.memory_space<vmem>>, vector<1x16xf32>,
          %swap3A_313 = vector.shape_cast %swap3A_312 : vector<1x16xf32> to vector<16xf32>
          %swap3A_314 = vector.shape_cast %mul3A_309 : vector<16xf32> to vector<1x16xf32>
          tpu.vector_store %arg15[%swap3A_310, %swap3A_311], %swap3A_314 {strides = array<i32>} : memref<80x128xf32, #tpu.memory_space<vmem>>, vector<1x16xf32>,
        }
        %scan3A_188 = arith.constant 80 : i32
        %mul3A_189 = arith.constant 80 : i32
        %mul3A_190 = arith.muli %add3A_118, %mul3A_189 : i32
        %add3A_191 = arith.addi %multiple_of3A_65, %mul3A_190 : i32
        %multiple_of3A_192 = tpu.assume_multiple %add3A_191, 16 : i32
        %eq3A_193 = arith.constant 0 : i32
        %eq3A_194 = arith.cmpi eq, %arg0, %eq3A_193 : i32
        %convert_element_type3A_195 = arith.extui %eq3A_194 : i1 to i32
        %cond3A_196 = arith.constant 0 : i32
        %cond3A_197 = arith.cmpi ne, %convert_element_type3A_195, %cond3A_196 : i32
        scf.if %cond3A_197 {
          %add3A_203 = arith.constant 0 : i32
          %add3A_204 = arith.addi %multiple_of3A_192, %add3A_203 : i32
          %get3A_205 = arith.index_cast %add3A_204 : i32 to index
          %get3A_206 = tpu.vector_load %arg9[%get3A_205] {strides = array<i32>} : memref<20000xi32, #tpu.memory_space<vmem>>, vector<16xi32>,
          %get3A_207 = vector.shape_cast %get3A_206 : vector<16xi32> to vector<16xi32>
          %swap3A = arith.constant 0 : index
          %swap3A_208 = tpu.vector_load %arg12[%swap3A] {strides = array<i32>} : memref<80xi32, #tpu.memory_space<vmem>>, vector<16xi32>,
          %swap3A_209 = vector.shape_cast %swap3A_208 : vector<16xi32> to vector<16xi32>
          %swap3A_210 = vector.shape_cast %get3A_207 : vector<16xi32> to vector<16xi32>
          tpu.vector_store %arg12[%swap3A], %swap3A_210 {strides = array<i32>} : memref<80xi32, #tpu.memory_space<vmem>>, vector<16xi32>,
          %add3A_211 = arith.constant 16 : i32
          %add3A_212 = arith.addi %multiple_of3A_192, %add3A_211 : i32
          %get3A_213 = arith.index_cast %add3A_212 : i32 to index
          %get3A_214 = tpu.vector_load %arg9[%get3A_213] {strides = array<i32>} : memref<20000xi32, #tpu.memory_space<vmem>>, vector<16xi32>,
          %get3A_215 = vector.shape_cast %get3A_214 : vector<16xi32> to vector<16xi32>
          %swap3A_216 = arith.constant 16 : index
          %swap3A_217 = tpu.vector_load %arg12[%swap3A_216] {strides = array<i32>} : memref<80xi32, #tpu.memory_space<vmem>>, vector<16xi32>,
          %swap3A_218 = vector.shape_cast %swap3A_217 : vector<16xi32> to vector<16xi32>
          %swap3A_219 = vector.shape_cast %get3A_215 : vector<16xi32> to vector<16xi32>
          tpu.vector_store %arg12[%swap3A_216], %swap3A_219 {strides = array<i32>} : memref<80xi32, #tpu.memory_space<vmem>>, vector<16xi32>,
          %add3A_220 = arith.constant 32 : i32
          %add3A_221 = arith.addi %multiple_of3A_192, %add3A_220 : i32
          %get3A_222 = arith.index_cast %add3A_221 : i32 to index
          %get3A_223 = tpu.vector_load %arg9[%get3A_222] {strides = array<i32>} : memref<20000xi32, #tpu.memory_space<vmem>>, vector<16xi32>,
          %get3A_224 = vector.shape_cast %get3A_223 : vector<16xi32> to vector<16xi32>
          %swap3A_225 = arith.constant 32 : index
          %swap3A_226 = tpu.vector_load %arg12[%swap3A_225] {strides = array<i32>} : memref<80xi32, #tpu.memory_space<vmem>>, vector<16xi32>,
          %swap3A_227 = vector.shape_cast %swap3A_226 : vector<16xi32> to vector<16xi32>
          %swap3A_228 = vector.shape_cast %get3A_224 : vector<16xi32> to vector<16xi32>
          tpu.vector_store %arg12[%swap3A_225], %swap3A_228 {strides = array<i32>} : memref<80xi32, #tpu.memory_space<vmem>>, vector<16xi32>,
          %add3A_229 = arith.constant 48 : i32
          %add3A_230 = arith.addi %multiple_of3A_192, %add3A_229 : i32
          %get3A_231 = arith.index_cast %add3A_230 : i32 to index
          %get3A_232 = tpu.vector_load %arg9[%get3A_231] {strides = array<i32>} : memref<20000xi32, #tpu.memory_space<vmem>>, vector<16xi32>,
          %get3A_233 = vector.shape_cast %get3A_232 : vector<16xi32> to vector<16xi32>
          %swap3A_234 = arith.constant 48 : index
          %swap3A_235 = tpu.vector_load %arg12[%swap3A_234] {strides = array<i32>} : memref<80xi32, #tpu.memory_space<vmem>>, vector<16xi32>,
          %swap3A_236 = vector.shape_cast %swap3A_235 : vector<16xi32> to vector<16xi32>
          %swap3A_237 = vector.shape_cast %get3A_233 : vector<16xi32> to vector<16xi32>
          tpu.vector_store %arg12[%swap3A_234], %swap3A_237 {strides = array<i32>} : memref<80xi32, #tpu.memory_space<vmem>>, vector<16xi32>,
          %add3A_238 = arith.constant 64 : i32
          %add3A_239 = arith.addi %multiple_of3A_192, %add3A_238 : i32
          %get3A_240 = arith.index_cast %add3A_239 : i32 to index
          %get3A_241 = tpu.vector_load %arg9[%get3A_240] {strides = array<i32>} : memref<20000xi32, #tpu.memory_space<vmem>>, vector<16xi32>,
          %get3A_242 = vector.shape_cast %get3A_241 : vector<16xi32> to vector<16xi32>
          %swap3A_243 = arith.constant 64 : index
          %swap3A_244 = tpu.vector_load %arg12[%swap3A_243] {strides = array<i32>} : memref<80xi32, #tpu.memory_space<vmem>>, vector<16xi32>,
          %swap3A_245 = vector.shape_cast %swap3A_244 : vector<16xi32> to vector<16xi32>
          %swap3A_246 = vector.shape_cast %get3A_242 : vector<16xi32> to vector<16xi32>
          tpu.vector_store %arg12[%swap3A_243], %swap3A_246 {strides = array<i32>} : memref<80xi32, #tpu.memory_space<vmem>>, vector<16xi32>,
        } else {
        }
        %eq3A_198 = arith.constant 1 : i32
        %eq3A_199 = arith.cmpi eq, %arg0, %eq3A_198 : i32
        %convert_element_type3A_200 = arith.extui %eq3A_199 : i1 to i32
        %cond3A_201 = arith.constant 0 : i32
        %cond3A_202 = arith.cmpi ne, %convert_element_type3A_200, %cond3A_201 : i32
        scf.if %cond3A_202 {
          %add3A_203 = arith.constant 0 : i32
          %add3A_204 = arith.addi %multiple_of3A_192, %add3A_203 : i32
          %get3A_205 = arith.index_cast %add3A_204 : i32 to index
          %get3A_206 = tpu.vector_load %arg9[%get3A_205] {strides = array<i32>} : memref<20000xi32, #tpu.memory_space<vmem>>, vector<16xi32>,
          %get3A_207 = vector.shape_cast %get3A_206 : vector<16xi32> to vector<16xi32>
          %lt3A_208 = arith.constant 5000 : i32
          %lt3A_209 = vector.broadcast %lt3A_208 : i32 to vector<16xi32>
          %lt3A_210 = arith.cmpi slt, %get3A_207, %lt3A_209 : vector<16xi32>
          %sub3A_211 = arith.constant 5000 : i32
          %sub3A_212 = vector.broadcast %sub3A_211 : i32 to vector<16xi32>
          %sub3A_213 = arith.subi %get3A_207, %sub3A_212 : vector<16xi32>
          %jit3A_214 = arith.constant 5040 : i32
          %broadcast_in_dim3A_215 = vector.broadcast %jit3A_214 : i32 to vector<16xi32>
          %select_n3A_216 = arith.select %lt3A_210, %broadcast_in_dim3A_215, %sub3A_213 : vector<16xi1>, vector<16xi32>
          %swap3A = arith.constant 0 : index
          %swap3A_217 = tpu.vector_load %arg12[%swap3A] {strides = array<i32>} : memref<80xi32, #tpu.memory_space<vmem>>, vector<16xi32>,
          %swap3A_218 = vector.shape_cast %swap3A_217 : vector<16xi32> to vector<16xi32>
          %swap3A_219 = vector.shape_cast %select_n3A_216 : vector<16xi32> to vector<16xi32>
          tpu.vector_store %arg12[%swap3A], %swap3A_219 {strides = array<i32>} : memref<80xi32, #tpu.memory_space<vmem>>, vector<16xi32>,
          %add3A_220 = arith.constant 16 : i32
          %add3A_221 = arith.addi %multiple_of3A_192, %add3A_220 : i32
          %get3A_222 = arith.index_cast %add3A_221 : i32 to index
          %get3A_223 = tpu.vector_load %arg9[%get3A_222] {strides = array<i32>} : memref<20000xi32, #tpu.memory_space<vmem>>, vector<16xi32>,
          %get3A_224 = vector.shape_cast %get3A_223 : vector<16xi32> to vector<16xi32>
          %lt3A_225 = arith.constant 5000 : i32
          %lt3A_226 = vector.broadcast %lt3A_225 : i32 to vector<16xi32>
          %lt3A_227 = arith.cmpi slt, %get3A_224, %lt3A_226 : vector<16xi32>
          %sub3A_228 = arith.constant 5000 : i32
          %sub3A_229 = vector.broadcast %sub3A_228 : i32 to vector<16xi32>
          %sub3A_230 = arith.subi %get3A_224, %sub3A_229 : vector<16xi32>
          %jit3A_231 = arith.constant 5040 : i32
          %broadcast_in_dim3A_232 = vector.broadcast %jit3A_231 : i32 to vector<16xi32>
          %select_n3A_233 = arith.select %lt3A_227, %broadcast_in_dim3A_232, %sub3A_230 : vector<16xi1>, vector<16xi32>
          %swap3A_234 = arith.constant 16 : index
          %swap3A_235 = tpu.vector_load %arg12[%swap3A_234] {strides = array<i32>} : memref<80xi32, #tpu.memory_space<vmem>>, vector<16xi32>,
          %swap3A_236 = vector.shape_cast %swap3A_235 : vector<16xi32> to vector<16xi32>
          %swap3A_237 = vector.shape_cast %select_n3A_233 : vector<16xi32> to vector<16xi32>
          tpu.vector_store %arg12[%swap3A_234], %swap3A_237 {strides = array<i32>} : memref<80xi32, #tpu.memory_space<vmem>>, vector<16xi32>,
          %add3A_238 = arith.constant 32 : i32
          %add3A_239 = arith.addi %multiple_of3A_192, %add3A_238 : i32
          %get3A_240 = arith.index_cast %add3A_239 : i32 to index
          %get3A_241 = tpu.vector_load %arg9[%get3A_240] {strides = array<i32>} : memref<20000xi32, #tpu.memory_space<vmem>>, vector<16xi32>,
          %get3A_242 = vector.shape_cast %get3A_241 : vector<16xi32> to vector<16xi32>
          %lt3A_243 = arith.constant 5000 : i32
          %lt3A_244 = vector.broadcast %lt3A_243 : i32 to vector<16xi32>
          %lt3A_245 = arith.cmpi slt, %get3A_242, %lt3A_244 : vector<16xi32>
          %sub3A_246 = arith.constant 5000 : i32
          %sub3A_247 = vector.broadcast %sub3A_246 : i32 to vector<16xi32>
          %sub3A_248 = arith.subi %get3A_242, %sub3A_247 : vector<16xi32>
          %jit3A_249 = arith.constant 5040 : i32
          %broadcast_in_dim3A_250 = vector.broadcast %jit3A_249 : i32 to vector<16xi32>
          %select_n3A_251 = arith.select %lt3A_245, %broadcast_in_dim3A_250, %sub3A_248 : vector<16xi1>, vector<16xi32>
          %swap3A_252 = arith.constant 32 : index
          %swap3A_253 = tpu.vector_load %arg12[%swap3A_252] {strides = array<i32>} : memref<80xi32, #tpu.memory_space<vmem>>, vector<16xi32>,
          %swap3A_254 = vector.shape_cast %swap3A_253 : vector<16xi32> to vector<16xi32>
          %swap3A_255 = vector.shape_cast %select_n3A_251 : vector<16xi32> to vector<16xi32>
          tpu.vector_store %arg12[%swap3A_252], %swap3A_255 {strides = array<i32>} : memref<80xi32, #tpu.memory_space<vmem>>, vector<16xi32>,
          %add3A_256 = arith.constant 48 : i32
          %add3A_257 = arith.addi %multiple_of3A_192, %add3A_256 : i32
          %get3A_258 = arith.index_cast %add3A_257 : i32 to index
          %get3A_259 = tpu.vector_load %arg9[%get3A_258] {strides = array<i32>} : memref<20000xi32, #tpu.memory_space<vmem>>, vector<16xi32>,
          %get3A_260 = vector.shape_cast %get3A_259 : vector<16xi32> to vector<16xi32>
          %lt3A_261 = arith.constant 5000 : i32
          %lt3A_262 = vector.broadcast %lt3A_261 : i32 to vector<16xi32>
          %lt3A_263 = arith.cmpi slt, %get3A_260, %lt3A_262 : vector<16xi32>
          %sub3A_264 = arith.constant 5000 : i32
          %sub3A_265 = vector.broadcast %sub3A_264 : i32 to vector<16xi32>
          %sub3A_266 = arith.subi %get3A_260, %sub3A_265 : vector<16xi32>
          %jit3A_267 = arith.constant 5040 : i32
          %broadcast_in_dim3A_268 = vector.broadcast %jit3A_267 : i32 to vector<16xi32>
          %select_n3A_269 = arith.select %lt3A_263, %broadcast_in_dim3A_268, %sub3A_266 : vector<16xi1>, vector<16xi32>
          %swap3A_270 = arith.constant 48 : index
          %swap3A_271 = tpu.vector_load %arg12[%swap3A_270] {strides = array<i32>} : memref<80xi32, #tpu.memory_space<vmem>>, vector<16xi32>,
          %swap3A_272 = vector.shape_cast %swap3A_271 : vector<16xi32> to vector<16xi32>
          %swap3A_273 = vector.shape_cast %select_n3A_269 : vector<16xi32> to vector<16xi32>
          tpu.vector_store %arg12[%swap3A_270], %swap3A_273 {strides = array<i32>} : memref<80xi32, #tpu.memory_space<vmem>>, vector<16xi32>,
          %add3A_274 = arith.constant 64 : i32
          %add3A_275 = arith.addi %multiple_of3A_192, %add3A_274 : i32
          %get3A_276 = arith.index_cast %add3A_275 : i32 to index
          %get3A_277 = tpu.vector_load %arg9[%get3A_276] {strides = array<i32>} : memref<20000xi32, #tpu.memory_space<vmem>>, vector<16xi32>,
          %get3A_278 = vector.shape_cast %get3A_277 : vector<16xi32> to vector<16xi32>
          %lt3A_279 = arith.constant 5000 : i32
          %lt3A_280 = vector.broadcast %lt3A_279 : i32 to vector<16xi32>
          %lt3A_281 = arith.cmpi slt, %get3A_278, %lt3A_280 : vector<16xi32>
          %sub3A_282 = arith.constant 5000 : i32
          %sub3A_283 = vector.broadcast %sub3A_282 : i32 to vector<16xi32>
          %sub3A_284 = arith.subi %get3A_278, %sub3A_283 : vector<16xi32>
          %jit3A_285 = arith.constant 5040 : i32
          %broadcast_in_dim3A_286 = vector.broadcast %jit3A_285 : i32 to vector<16xi32>
          %select_n3A_287 = arith.select %lt3A_281, %broadcast_in_dim3A_286, %sub3A_284 : vector<16xi1>, vector<16xi32>
          %swap3A_288 = arith.constant 64 : index
          %swap3A_289 = tpu.vector_load %arg12[%swap3A_288] {strides = array<i32>} : memref<80xi32, #tpu.memory_space<vmem>>, vector<16xi32>,
          %swap3A_290 = vector.shape_cast %swap3A_289 : vector<16xi32> to vector<16xi32>
          %swap3A_291 = vector.shape_cast %select_n3A_287 : vector<16xi32> to vector<16xi32>
          tpu.vector_store %arg12[%swap3A_288], %swap3A_291 {strides = array<i32>} : memref<80xi32, #tpu.memory_space<vmem>>, vector<16xi32>,
        } else {
        }
        "tpu.region"() ({
          %run_scoped3A = tpu.sem_alloc : memref<!tpu.dma_semaphore, #tpu.memory_space<semaphore_mem>>
          %dma_start3A = arith.constant 0 : i32
          %dma_start3A_203 = arith.constant 0 : i32
          %dma_start3A_204 = tpu.memref_slice %arg18[%dma_start3A, %dma_start3A_203] : memref<5120x128xf32, #tpu.memory_space<vmem_shared>> -> memref<5120x128xf32, #tpu.memory_space<vmem_shared>>
          tpu.enqueue_indirect_dma source(%arg15 : memref<80x128xf32, #tpu.memory_space<vmem>>) target(%dma_start3A_204 : memref<5120x128xf32, #tpu.memory_space<vmem_shared>>) offsets(%arg12 : memref<80xi32, #tpu.memory_space<vmem>>) semaphore(%run_scoped3A : memref<!tpu.dma_semaphore, #tpu.memory_space<semaphore_mem>>) {add = true}
          %dma_wait3A_205 = arith.constant 0 : i32
          %dma_wait3A_206 = arith.constant 0 : i32
          %dma_wait3A_207 = tpu.memref_slice %arg18[%dma_wait3A_205, %dma_wait3A_206] : memref<5120x128xf32, #tpu.memory_space<vmem_shared>> -> memref<5120x128xf32, #tpu.memory_space<vmem_shared>>
          tpu.wait_indirect_dma semaphore(%run_scoped3A : memref<!tpu.dma_semaphore, #tpu.memory_space<semaphore_mem>>) src(%arg15 : memref<80x128xf32, #tpu.memory_space<vmem>>) dst(%dma_wait3A_207 : memref<5120x128xf32, #tpu.memory_space<vmem_shared>>)
          tpu.yield
        }) : () -> ()
      } else {
      }
    }
    %eq3A_103 = arith.constant 0 : i32
    %eq3A_104 = arith.cmpi eq, %arg0, %eq3A_103 : i32
    %convert_element_type3A_105 = arith.extui %eq3A_104 : i1 to i32
    %cond3A_106 = arith.constant 0 : i32
    %cond3A_107 = arith.cmpi ne, %convert_element_type3A_105, %cond3A_106 : i32
    scf.if %cond3A_107 {
      %mul3A_112 = arith.constant 80 : i32
      %mul3A_113 = arith.muli %arg1, %mul3A_112 : i32
      %add3A_114 = arith.addi %squeeze3A, %mul3A_113 : i32
      %min3A_115 = arith.constant 319920 : i32
      %min3A_116 = arith.minsi %add3A_114, %min3A_115 : i32
      %multiple_of3A_117 = tpu.assume_multiple %min3A_116, 80 : i32
      "tpu.region"() ({
        %run_scoped3A = tpu.sem_alloc : memref<!tpu.dma_semaphore, #tpu.memory_space<semaphore_mem>>
        %dma_start3A_225 = tpu.memref_slice %arg4[%multiple_of3A_117] : memref<320000xi32, #tpu.memory_space<hbm>> -> memref<80xi32, #tpu.memory_space<hbm>>
        %dma_start3A_226 = tpu.memref_slice %arg4[%multiple_of3A_117] : memref<320000xi32, #tpu.memory_space<hbm>> -> memref<80xi32, #tpu.memory_space<hbm>>
        tpu.enqueue_dma source(%dma_start3A_226 : memref<80xi32, #tpu.memory_space<hbm>>) target(%arg13 : memref<80xi32, #tpu.memory_space<vmem>>) target_semaphore(%run_scoped3A : memref<!tpu.dma_semaphore, #tpu.memory_space<semaphore_mem>>)
        %dma_wait3A_227 = tpu.memref_slice %arg4[%multiple_of3A_117] : memref<320000xi32, #tpu.memory_space<hbm>> -> memref<80xi32, #tpu.memory_space<hbm>>
        %dma_wait3A_228 = tpu.memref_slice %arg4[%multiple_of3A_117] : memref<320000xi32, #tpu.memory_space<hbm>> -> memref<80xi32, #tpu.memory_space<hbm>>
        tpu.wait_dma2 semaphore(%run_scoped3A : memref<!tpu.dma_semaphore, #tpu.memory_space<semaphore_mem>>) src(%dma_wait3A_228 : memref<80xi32, #tpu.memory_space<hbm>>) dst(%arg13 : memref<80xi32, #tpu.memory_space<vmem>>)
        tpu.yield
      }) : () -> ()
      %dma_start3A = arith.constant 0 : i32
      %dma_start3A_118 = arith.constant 0 : i32
      %dma_start3A_119 = tpu.memref_slice %arg2[%dma_start3A, %dma_start3A_118] : memref<10000x128xf32, #tpu.memory_space<hbm>> -> memref<10000x128xf32, #tpu.memory_space<hbm>>
      tpu.enqueue_indirect_dma source(%dma_start3A_119 : memref<10000x128xf32, #tpu.memory_space<hbm>>) target(%arg14 : memref<80x128xf32, #tpu.memory_space<vmem>>) offsets(%arg13 : memref<80xi32, #tpu.memory_space<vmem>>) semaphore(%arg19 : memref<!tpu.dma_semaphore, #tpu.memory_space<semaphore_mem>>)
      "tpu.region"() ({
        %run_scoped3A = tpu.sem_alloc : memref<!tpu.dma_semaphore, #tpu.memory_space<semaphore_mem>>
        %dma_start3A_225 = arith.constant 0 : i32
        %dma_start3A_226 = tpu.memref_slice %arg3[%multiple_of3A_117, %dma_start3A_225] : memref<320000x128xf32, #tpu.memory_space<hbm>> -> memref<80x128xf32, #tpu.memory_space<hbm>>
        %dma_start3A_227 = arith.constant 0 : i32
        %dma_start3A_228 = tpu.memref_slice %arg3[%multiple_of3A_117, %dma_start3A_227] : memref<320000x128xf32, #tpu.memory_space<hbm>> -> memref<80x128xf32, #tpu.memory_space<hbm>>
        tpu.enqueue_dma source(%dma_start3A_228 : memref<80x128xf32, #tpu.memory_space<hbm>>) target(%arg16 : memref<80x128xf32, #tpu.memory_space<vmem>>) target_semaphore(%run_scoped3A : memref<!tpu.dma_semaphore, #tpu.memory_space<semaphore_mem>>)
        %dma_wait3A_229 = arith.constant 0 : i32
        %dma_wait3A_230 = tpu.memref_slice %arg3[%multiple_of3A_117, %dma_wait3A_229] : memref<320000x128xf32, #tpu.memory_space<hbm>> -> memref<80x128xf32, #tpu.memory_space<hbm>>
        %dma_wait3A_231 = arith.constant 0 : i32
        %dma_wait3A_232 = tpu.memref_slice %arg3[%multiple_of3A_117, %dma_wait3A_231] : memref<320000x128xf32, #tpu.memory_space<hbm>> -> memref<80x128xf32, #tpu.memory_space<hbm>>
        tpu.wait_dma2 semaphore(%run_scoped3A : memref<!tpu.dma_semaphore, #tpu.memory_space<semaphore_mem>>) src(%dma_wait3A_232 : memref<80x128xf32, #tpu.memory_space<hbm>>) dst(%arg16 : memref<80x128xf32, #tpu.memory_space<vmem>>)
        tpu.yield
      }) : () -> ()
      %dma_wait3A = arith.constant 0 : i32
      %dma_wait3A_120 = arith.constant 0 : i32
      %dma_wait3A_121 = tpu.memref_slice %arg2[%dma_wait3A, %dma_wait3A_120] : memref<10000x128xf32, #tpu.memory_space<hbm>> -> memref<10000x128xf32, #tpu.memory_space<hbm>>
      tpu.wait_indirect_dma semaphore(%arg19 : memref<!tpu.dma_semaphore, #tpu.memory_space<semaphore_mem>>) src(%dma_wait3A_121 : memref<10000x128xf32, #tpu.memory_space<hbm>>) dst(%arg14 : memref<80x128xf32, #tpu.memory_space<vmem>>)
      %scan3A_122 = arith.constant 0 : i32
      %scan3A_123 = arith.constant 0 : i32
      %scan3A_124 = arith.constant 80 : i32
      %scan3A_125 = arith.addi %scan3A_123, %scan3A_124 : i32
      %scan3A_126 = arith.constant 1 : i32
      scf.for %scan3A_225 = %scan3A_123 to %scan3A_125 step %scan3A_126  : i32 {
        %get3A_226 = arith.index_cast %scan3A_225 : i32 to index
        %get3A_227 = arith.constant 0 : index
        %get3A_228 = tpu.vector_load %arg14[%get3A_226, %get3A_227] {strides = array<i32>} : memref<80x128xf32, #tpu.memory_space<vmem>>, vector<1x16xf32>,
        %get3A_229 = vector.shape_cast %get3A_228 : vector<1x16xf32> to vector<16xf32>
        %get3A_230 = arith.index_cast %scan3A_225 : i32 to index
        %get3A_231 = arith.constant 0 : index
        %get3A_232 = tpu.vector_load %arg16[%get3A_230, %get3A_231] {strides = array<i32>} : memref<80x128xf32, #tpu.memory_space<vmem>>, vector<1x16xf32>,
        %get3A_233 = vector.shape_cast %get3A_232 : vector<1x16xf32> to vector<16xf32>
        %mul3A_234 = arith.mulf %get3A_229, %get3A_233 : vector<16xf32>
        %swap3A_235 = arith.index_cast %scan3A_225 : i32 to index
        %swap3A_236 = arith.constant 0 : index
        %swap3A_237 = tpu.vector_load %arg14[%swap3A_235, %swap3A_236] {strides = array<i32>} : memref<80x128xf32, #tpu.memory_space<vmem>>, vector<1x16xf32>,
        %swap3A_238 = vector.shape_cast %swap3A_237 : vector<1x16xf32> to vector<16xf32>
        %swap3A_239 = vector.shape_cast %mul3A_234 : vector<16xf32> to vector<1x16xf32>
        tpu.vector_store %arg14[%swap3A_235, %swap3A_236], %swap3A_239 {strides = array<i32>} : memref<80x128xf32, #tpu.memory_space<vmem>>, vector<1x16xf32>,
        %get3A_240 = arith.index_cast %scan3A_225 : i32 to index
        %get3A_241 = arith.constant 16 : index
        %get3A_242 = tpu.vector_load %arg14[%get3A_240, %get3A_241] {strides = array<i32>} : memref<80x128xf32, #tpu.memory_space<vmem>>, vector<1x16xf32>,
        %get3A_243 = vector.shape_cast %get3A_242 : vector<1x16xf32> to vector<16xf32>
        %get3A_244 = arith.index_cast %scan3A_225 : i32 to index
        %get3A_245 = arith.constant 16 : index
        %get3A_246 = tpu.vector_load %arg16[%get3A_244, %get3A_245] {strides = array<i32>} : memref<80x128xf32, #tpu.memory_space<vmem>>, vector<1x16xf32>,
        %get3A_247 = vector.shape_cast %get3A_246 : vector<1x16xf32> to vector<16xf32>
        %mul3A_248 = arith.mulf %get3A_243, %get3A_247 : vector<16xf32>
        %swap3A_249 = arith.index_cast %scan3A_225 : i32 to index
        %swap3A_250 = arith.constant 16 : index
        %swap3A_251 = tpu.vector_load %arg14[%swap3A_249, %swap3A_250] {strides = array<i32>} : memref<80x128xf32, #tpu.memory_space<vmem>>, vector<1x16xf32>,
        %swap3A_252 = vector.shape_cast %swap3A_251 : vector<1x16xf32> to vector<16xf32>
        %swap3A_253 = vector.shape_cast %mul3A_248 : vector<16xf32> to vector<1x16xf32>
        tpu.vector_store %arg14[%swap3A_249, %swap3A_250], %swap3A_253 {strides = array<i32>} : memref<80x128xf32, #tpu.memory_space<vmem>>, vector<1x16xf32>,
        %get3A_254 = arith.index_cast %scan3A_225 : i32 to index
        %get3A_255 = arith.constant 32 : index
        %get3A_256 = tpu.vector_load %arg14[%get3A_254, %get3A_255] {strides = array<i32>} : memref<80x128xf32, #tpu.memory_space<vmem>>, vector<1x16xf32>,
        %get3A_257 = vector.shape_cast %get3A_256 : vector<1x16xf32> to vector<16xf32>
        %get3A_258 = arith.index_cast %scan3A_225 : i32 to index
        %get3A_259 = arith.constant 32 : index
        %get3A_260 = tpu.vector_load %arg16[%get3A_258, %get3A_259] {strides = array<i32>} : memref<80x128xf32, #tpu.memory_space<vmem>>, vector<1x16xf32>,
        %get3A_261 = vector.shape_cast %get3A_260 : vector<1x16xf32> to vector<16xf32>
        %mul3A_262 = arith.mulf %get3A_257, %get3A_261 : vector<16xf32>
        %swap3A_263 = arith.index_cast %scan3A_225 : i32 to index
        %swap3A_264 = arith.constant 32 : index
        %swap3A_265 = tpu.vector_load %arg14[%swap3A_263, %swap3A_264] {strides = array<i32>} : memref<80x128xf32, #tpu.memory_space<vmem>>, vector<1x16xf32>,
        %swap3A_266 = vector.shape_cast %swap3A_265 : vector<1x16xf32> to vector<16xf32>
        %swap3A_267 = vector.shape_cast %mul3A_262 : vector<16xf32> to vector<1x16xf32>
        tpu.vector_store %arg14[%swap3A_263, %swap3A_264], %swap3A_267 {strides = array<i32>} : memref<80x128xf32, #tpu.memory_space<vmem>>, vector<1x16xf32>,
        %get3A_268 = arith.index_cast %scan3A_225 : i32 to index
        %get3A_269 = arith.constant 48 : index
        %get3A_270 = tpu.vector_load %arg14[%get3A_268, %get3A_269] {strides = array<i32>} : memref<80x128xf32, #tpu.memory_space<vmem>>, vector<1x16xf32>,
        %get3A_271 = vector.shape_cast %get3A_270 : vector<1x16xf32> to vector<16xf32>
        %get3A_272 = arith.index_cast %scan3A_225 : i32 to index
        %get3A_273 = arith.constant 48 : index
        %get3A_274 = tpu.vector_load %arg16[%get3A_272, %get3A_273] {strides = array<i32>} : memref<80x128xf32, #tpu.memory_space<vmem>>, vector<1x16xf32>,
        %get3A_275 = vector.shape_cast %get3A_274 : vector<1x16xf32> to vector<16xf32>
        %mul3A_276 = arith.mulf %get3A_271, %get3A_275 : vector<16xf32>
        %swap3A_277 = arith.index_cast %scan3A_225 : i32 to index
        %swap3A_278 = arith.constant 48 : index
        %swap3A_279 = tpu.vector_load %arg14[%swap3A_277, %swap3A_278] {strides = array<i32>} : memref<80x128xf32, #tpu.memory_space<vmem>>, vector<1x16xf32>,
        %swap3A_280 = vector.shape_cast %swap3A_279 : vector<1x16xf32> to vector<16xf32>
        %swap3A_281 = vector.shape_cast %mul3A_276 : vector<16xf32> to vector<1x16xf32>
        tpu.vector_store %arg14[%swap3A_277, %swap3A_278], %swap3A_281 {strides = array<i32>} : memref<80x128xf32, #tpu.memory_space<vmem>>, vector<1x16xf32>,
        %get3A_282 = arith.index_cast %scan3A_225 : i32 to index
        %get3A_283 = arith.constant 64 : index
        %get3A_284 = tpu.vector_load %arg14[%get3A_282, %get3A_283] {strides = array<i32>} : memref<80x128xf32, #tpu.memory_space<vmem>>, vector<1x16xf32>,
        %get3A_285 = vector.shape_cast %get3A_284 : vector<1x16xf32> to vector<16xf32>
        %get3A_286 = arith.index_cast %scan3A_225 : i32 to index
        %get3A_287 = arith.constant 64 : index
        %get3A_288 = tpu.vector_load %arg16[%get3A_286, %get3A_287] {strides = array<i32>} : memref<80x128xf32, #tpu.memory_space<vmem>>, vector<1x16xf32>,
        %get3A_289 = vector.shape_cast %get3A_288 : vector<1x16xf32> to vector<16xf32>
        %mul3A_290 = arith.mulf %get3A_285, %get3A_289 : vector<16xf32>
        %swap3A_291 = arith.index_cast %scan3A_225 : i32 to index
        %swap3A_292 = arith.constant 64 : index
        %swap3A_293 = tpu.vector_load %arg14[%swap3A_291, %swap3A_292] {strides = array<i32>} : memref<80x128xf32, #tpu.memory_space<vmem>>, vector<1x16xf32>,
        %swap3A_294 = vector.shape_cast %swap3A_293 : vector<1x16xf32> to vector<16xf32>
        %swap3A_295 = vector.shape_cast %mul3A_290 : vector<16xf32> to vector<1x16xf32>
        tpu.vector_store %arg14[%swap3A_291, %swap3A_292], %swap3A_295 {strides = array<i32>} : memref<80x128xf32, #tpu.memory_space<vmem>>, vector<1x16xf32>,
        %get3A_296 = arith.index_cast %scan3A_225 : i32 to index
        %get3A_297 = arith.constant 80 : index
        %get3A_298 = tpu.vector_load %arg14[%get3A_296, %get3A_297] {strides = array<i32>} : memref<80x128xf32, #tpu.memory_space<vmem>>, vector<1x16xf32>,
        %get3A_299 = vector.shape_cast %get3A_298 : vector<1x16xf32> to vector<16xf32>
        %get3A_300 = arith.index_cast %scan3A_225 : i32 to index
        %get3A_301 = arith.constant 80 : index
        %get3A_302 = tpu.vector_load %arg16[%get3A_300, %get3A_301] {strides = array<i32>} : memref<80x128xf32, #tpu.memory_space<vmem>>, vector<1x16xf32>,
        %get3A_303 = vector.shape_cast %get3A_302 : vector<1x16xf32> to vector<16xf32>
        %mul3A_304 = arith.mulf %get3A_299, %get3A_303 : vector<16xf32>
        %swap3A_305 = arith.index_cast %scan3A_225 : i32 to index
        %swap3A_306 = arith.constant 80 : index
        %swap3A_307 = tpu.vector_load %arg14[%swap3A_305, %swap3A_306] {strides = array<i32>} : memref<80x128xf32, #tpu.memory_space<vmem>>, vector<1x16xf32>,
        %swap3A_308 = vector.shape_cast %swap3A_307 : vector<1x16xf32> to vector<16xf32>
        %swap3A_309 = vector.shape_cast %mul3A_304 : vector<16xf32> to vector<1x16xf32>
        tpu.vector_store %arg14[%swap3A_305, %swap3A_306], %swap3A_309 {strides = array<i32>} : memref<80x128xf32, #tpu.memory_space<vmem>>, vector<1x16xf32>,
        %get3A_310 = arith.index_cast %scan3A_225 : i32 to index
        %get3A_311 = arith.constant 96 : index
        %get3A_312 = tpu.vector_load %arg14[%get3A_310, %get3A_311] {strides = array<i32>} : memref<80x128xf32, #tpu.memory_space<vmem>>, vector<1x16xf32>,
        %get3A_313 = vector.shape_cast %get3A_312 : vector<1x16xf32> to vector<16xf32>
        %get3A_314 = arith.index_cast %scan3A_225 : i32 to index
        %get3A_315 = arith.constant 96 : index
        %get3A_316 = tpu.vector_load %arg16[%get3A_314, %get3A_315] {strides = array<i32>} : memref<80x128xf32, #tpu.memory_space<vmem>>, vector<1x16xf32>,
        %get3A_317 = vector.shape_cast %get3A_316 : vector<1x16xf32> to vector<16xf32>
        %mul3A_318 = arith.mulf %get3A_313, %get3A_317 : vector<16xf32>
        %swap3A_319 = arith.index_cast %scan3A_225 : i32 to index
        %swap3A_320 = arith.constant 96 : index
        %swap3A_321 = tpu.vector_load %arg14[%swap3A_319, %swap3A_320] {strides = array<i32>} : memref<80x128xf32, #tpu.memory_space<vmem>>, vector<1x16xf32>,
        %swap3A_322 = vector.shape_cast %swap3A_321 : vector<1x16xf32> to vector<16xf32>
        %swap3A_323 = vector.shape_cast %mul3A_318 : vector<16xf32> to vector<1x16xf32>
        tpu.vector_store %arg14[%swap3A_319, %swap3A_320], %swap3A_323 {strides = array<i32>} : memref<80x128xf32, #tpu.memory_space<vmem>>, vector<1x16xf32>,
        %get3A_324 = arith.index_cast %scan3A_225 : i32 to index
        %get3A_325 = arith.constant 112 : index
        %get3A_326 = tpu.vector_load %arg14[%get3A_324, %get3A_325] {strides = array<i32>} : memref<80x128xf32, #tpu.memory_space<vmem>>, vector<1x16xf32>,
        %get3A_327 = vector.shape_cast %get3A_326 : vector<1x16xf32> to vector<16xf32>
        %get3A_328 = arith.index_cast %scan3A_225 : i32 to index
        %get3A_329 = arith.constant 112 : index
        %get3A_330 = tpu.vector_load %arg16[%get3A_328, %get3A_329] {strides = array<i32>} : memref<80x128xf32, #tpu.memory_space<vmem>>, vector<1x16xf32>,
        %get3A_331 = vector.shape_cast %get3A_330 : vector<1x16xf32> to vector<16xf32>
        %mul3A_332 = arith.mulf %get3A_327, %get3A_331 : vector<16xf32>
        %swap3A_333 = arith.index_cast %scan3A_225 : i32 to index
        %swap3A_334 = arith.constant 112 : index
        %swap3A_335 = tpu.vector_load %arg14[%swap3A_333, %swap3A_334] {strides = array<i32>} : memref<80x128xf32, #tpu.memory_space<vmem>>, vector<1x16xf32>,
        %swap3A_336 = vector.shape_cast %swap3A_335 : vector<1x16xf32> to vector<16xf32>
        %swap3A_337 = vector.shape_cast %mul3A_332 : vector<16xf32> to vector<1x16xf32>
        tpu.vector_store %arg14[%swap3A_333, %swap3A_334], %swap3A_337 {strides = array<i32>} : memref<80x128xf32, #tpu.memory_space<vmem>>, vector<1x16xf32>,
      }
      %scan3A_127 = arith.constant 80 : i32
      "tpu.region"() ({
        %run_scoped3A = tpu.sem_alloc : memref<!tpu.dma_semaphore, #tpu.memory_space<semaphore_mem>>
        %dma_start3A_225 = tpu.memref_slice %arg5[%multiple_of3A_117] : memref<320000xi32, #tpu.memory_space<hbm>> -> memref<80xi32, #tpu.memory_space<hbm>>
        %dma_start3A_226 = tpu.memref_slice %arg5[%multiple_of3A_117] : memref<320000xi32, #tpu.memory_space<hbm>> -> memref<80xi32, #tpu.memory_space<hbm>>
        tpu.enqueue_dma source(%dma_start3A_226 : memref<80xi32, #tpu.memory_space<hbm>>) target(%arg13 : memref<80xi32, #tpu.memory_space<vmem>>) target_semaphore(%run_scoped3A : memref<!tpu.dma_semaphore, #tpu.memory_space<semaphore_mem>>)
        %dma_wait3A_227 = tpu.memref_slice %arg5[%multiple_of3A_117] : memref<320000xi32, #tpu.memory_space<hbm>> -> memref<80xi32, #tpu.memory_space<hbm>>
        %dma_wait3A_228 = tpu.memref_slice %arg5[%multiple_of3A_117] : memref<320000xi32, #tpu.memory_space<hbm>> -> memref<80xi32, #tpu.memory_space<hbm>>
        tpu.wait_dma2 semaphore(%run_scoped3A : memref<!tpu.dma_semaphore, #tpu.memory_space<semaphore_mem>>) src(%dma_wait3A_228 : memref<80xi32, #tpu.memory_space<hbm>>) dst(%arg13 : memref<80xi32, #tpu.memory_space<vmem>>)
        tpu.yield
      }) : () -> ()
      %iota3A = tpu.iota {dimensions = array<i32: 0>} : vector<16xi32>
      %get3A_128 = arith.constant 0 : index
      %get3A_129 = tpu.vector_load %arg13[%get3A_128] {strides = array<i32>} : memref<80xi32, #tpu.memory_space<vmem>>, vector<16xi32>,
      %get3A_130 = vector.shape_cast %get3A_129 : vector<16xi32> to vector<16xi32>
      %add3A_131 = arith.constant 0 : i32
      %add3A_132 = arith.addi %multiple_of3A_117, %add3A_131 : i32
      %add3A_133 = vector.broadcast %add3A_132 : i32 to vector<16xi32>
      %add3A_134 = arith.addi %add3A_133, %iota3A : vector<16xi32>
      %ge3A = vector.broadcast %add3A_114 : i32 to vector<16xi32>
      %ge3A_135 = arith.cmpi sge, %add3A_134, %ge3A : vector<16xi32>
      %lt3A = arith.constant 5000 : i32
      %lt3A_136 = vector.broadcast %lt3A : i32 to vector<16xi32>
      %lt3A_137 = arith.cmpi slt, %get3A_130, %lt3A_136 : vector<16xi32>
      %and3A_138 = arith.andi %ge3A_135, %lt3A_137 : vector<16xi1>
      %jit3A_139 = arith.constant 5040 : i32
      %broadcast_in_dim3A_140 = vector.broadcast %jit3A_139 : i32 to vector<16xi32>
      %select_n3A_141 = arith.select %and3A_138, %get3A_130, %broadcast_in_dim3A_140 : vector<16xi1>, vector<16xi32>
      %swap3A = arith.constant 0 : index
      %swap3A_142 = tpu.vector_load %arg11[%swap3A] {strides = array<i32>} : memref<80xi32, #tpu.memory_space<vmem>>, vector<16xi32>,
      %swap3A_143 = vector.shape_cast %swap3A_142 : vector<16xi32> to vector<16xi32>
      %swap3A_144 = vector.shape_cast %select_n3A_141 : vector<16xi32> to vector<16xi32>
      tpu.vector_store %arg11[%swap3A], %swap3A_144 {strides = array<i32>} : memref<80xi32, #tpu.memory_space<vmem>>, vector<16xi32>,
      %get3A_145 = arith.constant 16 : index
      %get3A_146 = tpu.vector_load %arg13[%get3A_145] {strides = array<i32>} : memref<80xi32, #tpu.memory_space<vmem>>, vector<16xi32>,
      %get3A_147 = vector.shape_cast %get3A_146 : vector<16xi32> to vector<16xi32>
      %add3A_148 = arith.constant 16 : i32
      %add3A_149 = arith.addi %multiple_of3A_117, %add3A_148 : i32
      %add3A_150 = vector.broadcast %add3A_149 : i32 to vector<16xi32>
      %add3A_151 = arith.addi %add3A_150, %iota3A : vector<16xi32>
      %ge3A_152 = vector.broadcast %add3A_114 : i32 to vector<16xi32>
      %ge3A_153 = arith.cmpi sge, %add3A_151, %ge3A_152 : vector<16xi32>
      %lt3A_154 = arith.constant 5000 : i32
      %lt3A_155 = vector.broadcast %lt3A_154 : i32 to vector<16xi32>
      %lt3A_156 = arith.cmpi slt, %get3A_147, %lt3A_155 : vector<16xi32>
      %and3A_157 = arith.andi %ge3A_153, %lt3A_156 : vector<16xi1>
      %jit3A_158 = arith.constant 5040 : i32
      %broadcast_in_dim3A_159 = vector.broadcast %jit3A_158 : i32 to vector<16xi32>
      %select_n3A_160 = arith.select %and3A_157, %get3A_147, %broadcast_in_dim3A_159 : vector<16xi1>, vector<16xi32>
      %swap3A_161 = arith.constant 16 : index
      %swap3A_162 = tpu.vector_load %arg11[%swap3A_161] {strides = array<i32>} : memref<80xi32, #tpu.memory_space<vmem>>, vector<16xi32>,
      %swap3A_163 = vector.shape_cast %swap3A_162 : vector<16xi32> to vector<16xi32>
      %swap3A_164 = vector.shape_cast %select_n3A_160 : vector<16xi32> to vector<16xi32>
      tpu.vector_store %arg11[%swap3A_161], %swap3A_164 {strides = array<i32>} : memref<80xi32, #tpu.memory_space<vmem>>, vector<16xi32>,
      %get3A_165 = arith.constant 32 : index
      %get3A_166 = tpu.vector_load %arg13[%get3A_165] {strides = array<i32>} : memref<80xi32, #tpu.memory_space<vmem>>, vector<16xi32>,
      %get3A_167 = vector.shape_cast %get3A_166 : vector<16xi32> to vector<16xi32>
      %add3A_168 = arith.constant 32 : i32
      %add3A_169 = arith.addi %multiple_of3A_117, %add3A_168 : i32
      %add3A_170 = vector.broadcast %add3A_169 : i32 to vector<16xi32>
      %add3A_171 = arith.addi %add3A_170, %iota3A : vector<16xi32>
      %ge3A_172 = vector.broadcast %add3A_114 : i32 to vector<16xi32>
      %ge3A_173 = arith.cmpi sge, %add3A_171, %ge3A_172 : vector<16xi32>
      %lt3A_174 = arith.constant 5000 : i32
      %lt3A_175 = vector.broadcast %lt3A_174 : i32 to vector<16xi32>
      %lt3A_176 = arith.cmpi slt, %get3A_167, %lt3A_175 : vector<16xi32>
      %and3A_177 = arith.andi %ge3A_173, %lt3A_176 : vector<16xi1>
      %jit3A_178 = arith.constant 5040 : i32
      %broadcast_in_dim3A_179 = vector.broadcast %jit3A_178 : i32 to vector<16xi32>
      %select_n3A_180 = arith.select %and3A_177, %get3A_167, %broadcast_in_dim3A_179 : vector<16xi1>, vector<16xi32>
      %swap3A_181 = arith.constant 32 : index
      %swap3A_182 = tpu.vector_load %arg11[%swap3A_181] {strides = array<i32>} : memref<80xi32, #tpu.memory_space<vmem>>, vector<16xi32>,
      %swap3A_183 = vector.shape_cast %swap3A_182 : vector<16xi32> to vector<16xi32>
      %swap3A_184 = vector.shape_cast %select_n3A_180 : vector<16xi32> to vector<16xi32>
      tpu.vector_store %arg11[%swap3A_181], %swap3A_184 {strides = array<i32>} : memref<80xi32, #tpu.memory_space<vmem>>, vector<16xi32>,
      %get3A_185 = arith.constant 48 : index
      %get3A_186 = tpu.vector_load %arg13[%get3A_185] {strides = array<i32>} : memref<80xi32, #tpu.memory_space<vmem>>, vector<16xi32>,
      %get3A_187 = vector.shape_cast %get3A_186 : vector<16xi32> to vector<16xi32>
      %add3A_188 = arith.constant 48 : i32
      %add3A_189 = arith.addi %multiple_of3A_117, %add3A_188 : i32
      %add3A_190 = vector.broadcast %add3A_189 : i32 to vector<16xi32>
      %add3A_191 = arith.addi %add3A_190, %iota3A : vector<16xi32>
      %ge3A_192 = vector.broadcast %add3A_114 : i32 to vector<16xi32>
      %ge3A_193 = arith.cmpi sge, %add3A_191, %ge3A_192 : vector<16xi32>
      %lt3A_194 = arith.constant 5000 : i32
      %lt3A_195 = vector.broadcast %lt3A_194 : i32 to vector<16xi32>
      %lt3A_196 = arith.cmpi slt, %get3A_187, %lt3A_195 : vector<16xi32>
      %and3A_197 = arith.andi %ge3A_193, %lt3A_196 : vector<16xi1>
      %jit3A_198 = arith.constant 5040 : i32
      %broadcast_in_dim3A_199 = vector.broadcast %jit3A_198 : i32 to vector<16xi32>
      %select_n3A_200 = arith.select %and3A_197, %get3A_187, %broadcast_in_dim3A_199 : vector<16xi1>, vector<16xi32>
      %swap3A_201 = arith.constant 48 : index
      %swap3A_202 = tpu.vector_load %arg11[%swap3A_201] {strides = array<i32>} : memref<80xi32, #tpu.memory_space<vmem>>, vector<16xi32>,
      %swap3A_203 = vector.shape_cast %swap3A_202 : vector<16xi32> to vector<16xi32>
      %swap3A_204 = vector.shape_cast %select_n3A_200 : vector<16xi32> to vector<16xi32>
      tpu.vector_store %arg11[%swap3A_201], %swap3A_204 {strides = array<i32>} : memref<80xi32, #tpu.memory_space<vmem>>, vector<16xi32>,
      %get3A_205 = arith.constant 64 : index
      %get3A_206 = tpu.vector_load %arg13[%get3A_205] {strides = array<i32>} : memref<80xi32, #tpu.memory_space<vmem>>, vector<16xi32>,
      %get3A_207 = vector.shape_cast %get3A_206 : vector<16xi32> to vector<16xi32>
      %add3A_208 = arith.constant 64 : i32
      %add3A_209 = arith.addi %multiple_of3A_117, %add3A_208 : i32
      %add3A_210 = vector.broadcast %add3A_209 : i32 to vector<16xi32>
      %add3A_211 = arith.addi %add3A_210, %iota3A : vector<16xi32>
      %ge3A_212 = vector.broadcast %add3A_114 : i32 to vector<16xi32>
      %ge3A_213 = arith.cmpi sge, %add3A_211, %ge3A_212 : vector<16xi32>
      %lt3A_214 = arith.constant 5000 : i32
      %lt3A_215 = vector.broadcast %lt3A_214 : i32 to vector<16xi32>
      %lt3A_216 = arith.cmpi slt, %get3A_207, %lt3A_215 : vector<16xi32>
      %and3A_217 = arith.andi %ge3A_213, %lt3A_216 : vector<16xi1>
      %jit3A_218 = arith.constant 5040 : i32
      %broadcast_in_dim3A_219 = vector.broadcast %jit3A_218 : i32 to vector<16xi32>
      %select_n3A_220 = arith.select %and3A_217, %get3A_207, %broadcast_in_dim3A_219 : vector<16xi1>, vector<16xi32>
      %swap3A_221 = arith.constant 64 : index
      %swap3A_222 = tpu.vector_load %arg11[%swap3A_221] {strides = array<i32>} : memref<80xi32, #tpu.memory_space<vmem>>, vector<16xi32>,
      %swap3A_223 = vector.shape_cast %swap3A_222 : vector<16xi32> to vector<16xi32>
      %swap3A_224 = vector.shape_cast %select_n3A_220 : vector<16xi32> to vector<16xi32>
      tpu.vector_store %arg11[%swap3A_221], %swap3A_224 {strides = array<i32>} : memref<80xi32, #tpu.memory_space<vmem>>, vector<16xi32>,
      "tpu.region"() ({
        %run_scoped3A = tpu.sem_alloc : memref<!tpu.dma_semaphore, #tpu.memory_space<semaphore_mem>>
        %dma_start3A_225 = arith.constant 0 : i32
        %dma_start3A_226 = arith.constant 0 : i32
        %dma_start3A_227 = tpu.memref_slice %arg18[%dma_start3A_225, %dma_start3A_226] : memref<5120x128xf32, #tpu.memory_space<vmem_shared>> -> memref<5120x128xf32, #tpu.memory_space<vmem_shared>>
        tpu.enqueue_indirect_dma source(%arg14 : memref<80x128xf32, #tpu.memory_space<vmem>>) target(%dma_start3A_227 : memref<5120x128xf32, #tpu.memory_space<vmem_shared>>) offsets(%arg11 : memref<80xi32, #tpu.memory_space<vmem>>) semaphore(%run_scoped3A : memref<!tpu.dma_semaphore, #tpu.memory_space<semaphore_mem>>) {add = true}
        %dma_wait3A_228 = arith.constant 0 : i32
        %dma_wait3A_229 = arith.constant 0 : i32
        %dma_wait3A_230 = tpu.memref_slice %arg18[%dma_wait3A_228, %dma_wait3A_229] : memref<5120x128xf32, #tpu.memory_space<vmem_shared>> -> memref<5120x128xf32, #tpu.memory_space<vmem_shared>>
        tpu.wait_indirect_dma semaphore(%run_scoped3A : memref<!tpu.dma_semaphore, #tpu.memory_space<semaphore_mem>>) src(%arg14 : memref<80x128xf32, #tpu.memory_space<vmem>>) dst(%dma_wait3A_230 : memref<5120x128xf32, #tpu.memory_space<vmem_shared>>)
        tpu.yield
      }) : () -> ()
    } else {
    }
    %barrier3A_108 = arith.constant 0 : index
    tpu.barrier barrier_id(%barrier3A_108)
    %mul3A_109 = arith.constant 320 : i32
    %mul3A_110 = arith.muli %arg1, %mul3A_109 : i32
    %multiple_of3A_111 = tpu.assume_multiple %mul3A_110, 320 : i32
    "tpu.region"() ({
      %run_scoped3A = tpu.sem_alloc : memref<!tpu.dma_semaphore, #tpu.memory_space<semaphore_mem>>
      %dma_start3A = arith.constant 0 : i32
      %dma_start3A_112 = tpu.memref_slice %arg7[%arg0, %multiple_of3A_111, %dma_start3A] : memref<2x5120x128xf32, #tpu.memory_space<hbm>> -> memref<1x320x128xf32, #tpu.memory_space<hbm>>
      %dma_start3A_113 = tpu.memref_squeeze %dma_start3A_112 : memref<1x320x128xf32, #tpu.memory_space<hbm>> -> memref<320x128xf32, #tpu.memory_space<hbm>>
      %dma_start3A_114 = arith.constant 0 : i32
      %dma_start3A_115 = tpu.memref_slice %arg18[%multiple_of3A_111, %dma_start3A_114] : memref<5120x128xf32, #tpu.memory_space<vmem_shared>> -> memref<320x128xf32, #tpu.memory_space<vmem_shared>>
      tpu.enqueue_dma source(%dma_start3A_115 : memref<320x128xf32, #tpu.memory_space<vmem_shared>>) target(%dma_start3A_113 : memref<320x128xf32, #tpu.memory_space<hbm>>) target_semaphore(%run_scoped3A : memref<!tpu.dma_semaphore, #tpu.memory_space<semaphore_mem>>)
      %dma_wait3A = arith.constant 0 : i32
      %dma_wait3A_116 = tpu.memref_slice %arg7[%arg0, %multiple_of3A_111, %dma_wait3A] : memref<2x5120x128xf32, #tpu.memory_space<hbm>> -> memref<1x320x128xf32, #tpu.memory_space<hbm>>
      %dma_wait3A_117 = tpu.memref_squeeze %dma_wait3A_116 : memref<1x320x128xf32, #tpu.memory_space<hbm>> -> memref<320x128xf32, #tpu.memory_space<hbm>>
      %dma_wait3A_118 = arith.constant 0 : i32
      %dma_wait3A_119 = tpu.memref_slice %arg18[%multiple_of3A_111, %dma_wait3A_118] : memref<5120x128xf32, #tpu.memory_space<vmem_shared>> -> memref<320x128xf32, #tpu.memory_space<vmem_shared>>
      tpu.wait_dma2 semaphore(%run_scoped3A : memref<!tpu.dma_semaphore, #tpu.memory_space<semaphore_mem>>) src(%dma_wait3A_119 : memref<320x128xf32, #tpu.memory_space<vmem_shared>>) dst(%dma_wait3A_117 : memref<320x128xf32, #tpu.memory_space<hbm>>)
      tpu.yield
    }) : () -> ()
    return
  }
}

module attributes {stable_mosaic.version = 14 : i64} {
  func.func @_node_pre_body(%arg0: i32, %arg1: memref<2000x128xf32, #tpu.memory_space<vmem>>, %arg2: memref<2000x1xf32, #tpu.memory_space<vmem>>, %arg3: memref<128x128xf32, #tpu.memory_space<vmem>>, %arg4: memref<128x128xf32, #tpu.memory_space<vmem>>, %arg5: memref<2000x128xf32, #tpu.memory_space<vmem>>, %arg6: memref<2000x128xf32, #tpu.memory_space<vmem>>) attributes {dimension_semantics = [#tpu.dimension_semantics<arbitrary>], iteration_bounds = array<i64: 5>, scalar_prefetch = 0 : i64, scratch_operands = 0 : i64, tpu.core_type = #tpu.core_type<tc>, window_params = [{transform_indices = @transform_0, window_bounds = array<i64: 2000, 128>}, {transform_indices = @transform_1, window_bounds = array<i64: 2000, 1>}, {pipeline_mode = #tpu.pipeline_mode<synchronous>, transform_indices = @transform_2, window_bounds = array<i64: 128, 128>}, {pipeline_mode = #tpu.pipeline_mode<synchronous>, transform_indices = @transform_3, window_bounds = array<i64: 128, 128>}, {transform_indices = @transform_4, window_bounds = array<i64: 2000, 128>}, {transform_indices = @transform_5, window_bounds = array<i64: 2000, 128>}]} {
    %get3A = arith.constant 0 : index
    %get3A_0 = arith.constant 0 : index
    %get3A_1 = vector.load %arg1[%get3A, %get3A_0] : memref<2000x128xf32, #tpu.memory_space<vmem>>, vector<2000x128xf32>
    %get3A_2 = arith.constant 0 : index
    %get3A_3 = arith.constant 0 : index
    %get3A_4 = vector.load %arg2[%get3A_2, %get3A_3] : memref<2000x1xf32, #tpu.memory_space<vmem>>, vector<2000x1xf32>
    %mul3A = vector.broadcast %get3A_4 : vector<2000x1xf32> to vector<2000x128xf32>
    %mul3A_5 = arith.mulf %get3A_1, %mul3A : vector<2000x128xf32>
    %get3A_6 = arith.constant 0 : index
    %get3A_7 = arith.constant 0 : index
    %get3A_8 = vector.load %arg3[%get3A_6, %get3A_7] : memref<128x128xf32, #tpu.memory_space<vmem>>, vector<128x128xf32>
    %dot_general3A = arith.constant dense<0.000000e+00> : vector<2000x128xf32>
    %dot_general3A_9 = tpu.matmul %mul3A_5, %get3A_8, %dot_general3A {dimension_numbers = #tpu.dot_dimension_numbers<[1], [0], [0], [1], [0, 0, 1, 1], [], []>, transpose_lhs_hint = false} : vector<2000x128xf32>, vector<128x128xf32>, vector<2000x128xf32> -> vector<2000x128xf32>
    %mul3A_10 = arith.constant 0.0338247567 : f32
    %mul3A_11 = vector.broadcast %mul3A_10 : f32 to vector<2000x128xf32>
    %mul3A_12 = arith.mulf %dot_general3A_9, %mul3A_11 : vector<2000x128xf32>
    %swap3A = arith.constant 0 : index
    %swap3A_13 = arith.constant 0 : index
    %swap3A_14 = vector.load %arg5[%swap3A, %swap3A_13] : memref<2000x128xf32, #tpu.memory_space<vmem>>, vector<2000x128xf32>
    tpu.vector_store %arg5[%swap3A, %swap3A_13], %mul3A_12 {strides = array<i32>} : memref<2000x128xf32, #tpu.memory_space<vmem>>, vector<2000x128xf32>,
    %get3A_15 = arith.constant 0 : index
    %get3A_16 = arith.constant 0 : index
    %get3A_17 = vector.load %arg4[%get3A_15, %get3A_16] : memref<128x128xf32, #tpu.memory_space<vmem>>, vector<128x128xf32>
    %dot_general3A_18 = arith.constant dense<0.000000e+00> : vector<2000x128xf32>
    %dot_general3A_19 = tpu.matmul %mul3A_5, %get3A_17, %dot_general3A_18 {dimension_numbers = #tpu.dot_dimension_numbers<[1], [0], [0], [1], [0, 0, 1, 1], [], []>, transpose_lhs_hint = false} : vector<2000x128xf32>, vector<128x128xf32>, vector<2000x128xf32> -> vector<2000x128xf32>
    %mul3A_20 = arith.constant 0.0883883461 : f32
    %mul3A_21 = vector.broadcast %mul3A_20 : f32 to vector<2000x128xf32>
    %mul3A_22 = arith.mulf %dot_general3A_19, %mul3A_21 : vector<2000x128xf32>
    %swap3A_23 = arith.constant 0 : index
    %swap3A_24 = arith.constant 0 : index
    %swap3A_25 = vector.load %arg6[%swap3A_23, %swap3A_24] : memref<2000x128xf32, #tpu.memory_space<vmem>>, vector<2000x128xf32>
    tpu.vector_store %arg6[%swap3A_23, %swap3A_24], %mul3A_22 {strides = array<i32>} : memref<2000x128xf32, #tpu.memory_space<vmem>>, vector<2000x128xf32>,
    return
  }
  func.func @transform_0(%arg0: i32) -> (i32, i32) {
    %c0_i32 = arith.constant 0 : i32
    %c0_i32_0 = arith.constant 0 : i32
    return %arg0, %c0_i32 : i32, i32
  }
  func.func @transform_1(%arg0: i32) -> (i32, i32) {
    %c0_i32 = arith.constant 0 : i32
    %c0_i32_0 = arith.constant 0 : i32
    return %arg0, %c0_i32 : i32, i32
  }
  func.func @transform_2(%arg0: i32) -> (i32, i32) {
    %c0_i32 = arith.constant 0 : i32
    %c0_i32_0 = arith.constant 0 : i32
    %c0_i32_1 = arith.constant 0 : i32
    return %c0_i32, %c0_i32_0 : i32, i32
  }
  func.func @transform_3(%arg0: i32) -> (i32, i32) {
    %c0_i32 = arith.constant 0 : i32
    %c0_i32_0 = arith.constant 0 : i32
    %c0_i32_1 = arith.constant 0 : i32
    return %c0_i32, %c0_i32_0 : i32, i32
  }
  func.func @transform_4(%arg0: i32) -> (i32, i32) {
    %c0_i32 = arith.constant 0 : i32
    %c0_i32_0 = arith.constant 0 : i32
    return %arg0, %c0_i32 : i32, i32
  }
  func.func @transform_5(%arg0: i32) -> (i32, i32) {
    %c0_i32 = arith.constant 0 : i32
    %c0_i32_0 = arith.constant 0 : i32
    return %arg0, %c0_i32 : i32, i32
  }
}

module attributes {stable_mosaic.version = 14 : i64} {
  func.func @_edge_mlp_body(%arg0: i32, %arg1: memref<16x3200xf32, #tpu.memory_space<vmem>>, %arg2: memref<1x3200xf32, #tpu.memory_space<vmem>>, %arg3: memref<16x32xf32, #tpu.memory_space<vmem>>, %arg4: memref<32x128xf32, #tpu.memory_space<vmem>>, %arg5: memref<3200x128xf32, #tpu.memory_space<vmem>>) attributes {dimension_semantics = [#tpu.dimension_semantics<arbitrary>], iteration_bounds = array<i64: 100>, scalar_prefetch = 0 : i64, scratch_operands = 0 : i64, tpu.core_type = #tpu.core_type<tc>, window_params = [{transform_indices = @transform_0, window_bounds = array<i64: 16, 3200>}, {transform_indices = @transform_1, window_bounds = array<i64: 1, 3200>}, {pipeline_mode = #tpu.pipeline_mode<synchronous>, transform_indices = @transform_2, window_bounds = array<i64: 16, 32>}, {pipeline_mode = #tpu.pipeline_mode<synchronous>, transform_indices = @transform_3, window_bounds = array<i64: 32, 128>}, {transform_indices = @transform_4, window_bounds = array<i64: 3200, 128>}]} {
    %get3A = arith.constant 0 : index
    %get3A_0 = arith.constant 0 : index
    %get3A_1 = vector.load %arg1[%get3A, %get3A_0] : memref<16x3200xf32, #tpu.memory_space<vmem>>, vector<16x3200xf32>
    %get3A_2 = arith.constant 0 : index
    %get3A_3 = arith.constant 0 : index
    %get3A_4 = vector.load %arg3[%get3A_2, %get3A_3] : memref<16x32xf32, #tpu.memory_space<vmem>>, vector<16x32xf32>
    %dot_general3A = arith.constant dense<0.000000e+00> : vector<32x3200xf32>
    %dot_general3A_5 = tpu.matmul %get3A_4, %get3A_1, %dot_general3A {dimension_numbers = #tpu.dot_dimension_numbers<[0], [0], [1], [1], [0, 1, 1, 1], [], []>, transpose_lhs_hint = false} : vector<16x32xf32>, vector<16x3200xf32>, vector<32x3200xf32> -> vector<32x3200xf32>
    %mul3A = arith.constant 2.500000e-01 : f32
    %mul3A_6 = vector.broadcast %mul3A : f32 to vector<32x3200xf32>
    %mul3A_7 = arith.mulf %dot_general3A_5, %mul3A_6 : vector<32x3200xf32>
    %logistic3A = arith.negf %mul3A_7 : vector<32x3200xf32>
    %logistic3A_8 = math.exp %logistic3A : vector<32x3200xf32>
    %logistic3A_9 = arith.constant 1.000000e+00 : f32
    %logistic3A_10 = vector.broadcast %logistic3A_9 : f32 to vector<32x3200xf32>
    %logistic3A_11 = arith.addf %logistic3A_10, %logistic3A_8 : vector<32x3200xf32>
    %logistic3A_12 = arith.divf %logistic3A_10, %logistic3A_11 : vector<32x3200xf32>
    %mul3A_13 = arith.mulf %mul3A_7, %logistic3A_12 : vector<32x3200xf32>
    %mul3A_14 = arith.constant 1.67917705 : f32
    %mul3A_15 = vector.broadcast %mul3A_14 : f32 to vector<32x3200xf32>
    %mul3A_16 = arith.mulf %mul3A_13, %mul3A_15 : vector<32x3200xf32>
    %get3A_17 = arith.constant 0 : index
    %get3A_18 = arith.constant 0 : index
    %get3A_19 = vector.load %arg2[%get3A_17, %get3A_18] : memref<1x3200xf32, #tpu.memory_space<vmem>>, vector<1x3200xf32>
    %mul3A_20 = arith.constant 0.176776692 : f32
    %mul3A_21 = vector.broadcast %mul3A_20 : f32 to vector<1x3200xf32>
    %mul3A_22 = arith.mulf %get3A_19, %mul3A_21 : vector<1x3200xf32>
    %mul3A_23 = vector.broadcast %mul3A_22 : vector<1x3200xf32> to vector<32x3200xf32>
    %mul3A_24 = arith.mulf %mul3A_16, %mul3A_23 : vector<32x3200xf32>
    %get3A_25 = arith.constant 0 : index
    %get3A_26 = arith.constant 0 : index
    %get3A_27 = vector.load %arg4[%get3A_25, %get3A_26] : memref<32x128xf32, #tpu.memory_space<vmem>>, vector<32x128xf32>
    %dot_general3A_28 = arith.constant dense<0.000000e+00> : vector<3200x128xf32>
    %dot_general3A_29 = tpu.matmul %mul3A_24, %get3A_27, %dot_general3A_28 {dimension_numbers = #tpu.dot_dimension_numbers<[0], [0], [1], [1], [0, 1, 1, 1], [], []>, transpose_lhs_hint = false} : vector<32x3200xf32>, vector<32x128xf32>, vector<3200x128xf32> -> vector<3200x128xf32>
    %swap3A = arith.constant 0 : index
    %swap3A_30 = arith.constant 0 : index
    %swap3A_31 = vector.load %arg5[%swap3A, %swap3A_30] : memref<3200x128xf32, #tpu.memory_space<vmem>>, vector<3200x128xf32>
    tpu.vector_store %arg5[%swap3A, %swap3A_30], %dot_general3A_29 {strides = array<i32>} : memref<3200x128xf32, #tpu.memory_space<vmem>>, vector<3200x128xf32>,
    return
  }
  func.func @transform_0(%arg0: i32) -> (i32, i32) {
    %c0_i32 = arith.constant 0 : i32
    %c0_i32_0 = arith.constant 0 : i32
    return %c0_i32, %arg0 : i32, i32
  }
  func.func @transform_1(%arg0: i32) -> (i32, i32) {
    %c0_i32 = arith.constant 0 : i32
    %c0_i32_0 = arith.constant 0 : i32
    return %c0_i32, %arg0 : i32, i32
  }
  func.func @transform_2(%arg0: i32) -> (i32, i32) {
    %c0_i32 = arith.constant 0 : i32
    %c0_i32_0 = arith.constant 0 : i32
    %c0_i32_1 = arith.constant 0 : i32
    return %c0_i32, %c0_i32_0 : i32, i32
  }
  func.func @transform_3(%arg0: i32) -> (i32, i32) {
    %c0_i32 = arith.constant 0 : i32
    %c0_i32_0 = arith.constant 0 : i32
    %c0_i32_1 = arith.constant 0 : i32
    return %c0_i32, %c0_i32_0 : i32, i32
  }
  func.func @transform_4(%arg0: i32) -> (i32, i32) {
    %c0_i32 = arith.constant 0 : i32
    %c0_i32_0 = arith.constant 0 : i32
    return %arg0, %c0_i32 : i32, i32
  }
}

module attributes {stable_mosaic.version = 14 : i64} {
  func.func @_split_body(%arg0: i32, %arg1: memref<2500x128xi32, #tpu.memory_space<vmem>>, %arg2: memref<8x128xi32, #tpu.memory_space<vmem>>) attributes {dimension_semantics = [#tpu.dimension_semantics<arbitrary>], iteration_bounds = array<i64: 1>, scalar_prefetch = 0 : i64, scratch_operands = 0 : i64, tpu.core_type = #tpu.core_type<tc>, window_params = [{pipeline_mode = #tpu.pipeline_mode<synchronous>, transform_indices = @transform_0, window_bounds = array<i64: 2500, 128>}, {pipeline_mode = #tpu.pipeline_mode<synchronous>, transform_indices = @transform_1, window_bounds = array<i64: 8, 128>}]} {
    %get3A = arith.constant 0 : index
    %get3A_0 = arith.constant 0 : index
    %get3A_1 = vector.load %arg1[%get3A, %get3A_0] : memref<2500x128xi32, #tpu.memory_space<vmem>>, vector<2500x128xi32>
    %lt3A = arith.constant 5000 : i32
    %lt3A_2 = vector.broadcast %lt3A : i32 to vector<2500x128xi32>
    %lt3A_3 = arith.cmpi slt, %get3A_1, %lt3A_2 : vector<2500x128xi32>
    %convert_element_type3A = arith.extui %lt3A_3 : vector<2500x128xi1> to vector<2500x128xi32>
    %reduce_sum3A = vector.shape_cast %convert_element_type3A : vector<2500x128xi32> to vector<1x2500x128xi32>
    %reduce_sum3A_4 = arith.constant dense<0> : vector<1xi32>
    %reduce_sum3A_5 = vector.multi_reduction <add>, %reduce_sum3A, %reduce_sum3A_4 [1, 2] : vector<1x2500x128xi32> to vector<1xi32>
    %reduce_sum3A_6 = vector.shape_cast %reduce_sum3A_5 : vector<1xi32> to vector<1x1x1xi32>
    %reduce_sum3A_7 = vector.extract %reduce_sum3A_6[0, 0, 0] : i32 from vector<1x1x1xi32>
    %jit3A = arith.constant 1280 : i32
    %div3A = arith.divsi %reduce_sum3A_7, %jit3A : i32
    %sign3A = arith.constant 0 : i32
    %sign3A_8 = arith.cmpi sgt, %reduce_sum3A_7, %sign3A : i32
    %sign3A_9 = arith.extui %sign3A_8 : i1 to i32
    %sign3A_10 = arith.constant 0 : i32
    %sign3A_11 = arith.cmpi slt, %reduce_sum3A_7, %sign3A_10 : i32
    %sign3A_12 = arith.extui %sign3A_11 : i1 to i32
    %sign3A_13 = arith.subi %sign3A_9, %sign3A_12 : i32
    %sign3A_14 = arith.constant 0 : i32
    %sign3A_15 = arith.cmpi sgt, %jit3A, %sign3A_14 : i32
    %sign3A_16 = arith.extui %sign3A_15 : i1 to i32
    %sign3A_17 = arith.constant 0 : i32
    %sign3A_18 = arith.cmpi slt, %jit3A, %sign3A_17 : i32
    %sign3A_19 = arith.extui %sign3A_18 : i1 to i32
    %sign3A_20 = arith.subi %sign3A_16, %sign3A_19 : i32
    %ne3A = arith.cmpi ne, %sign3A_13, %sign3A_20 : i32
    %rem3A = arith.remsi %reduce_sum3A_7, %jit3A : i32
    %ne3A_21 = arith.constant 0 : i32
    %ne3A_22 = arith.cmpi ne, %rem3A, %ne3A_21 : i32
    %and3A = arith.andi %ne3A, %ne3A_22 : i1
    %sub3A = arith.constant 1 : i32
    %sub3A_23 = arith.subi %div3A, %sub3A : i32
    %select_n3A = arith.select %and3A, %sub3A_23, %div3A : i32
    %mul3A = arith.constant 1280 : i32
    %mul3A_24 = arith.muli %select_n3A, %mul3A : i32
    %broadcast_in_dim3A = vector.broadcast %mul3A_24 : i32 to vector<8x128xi32>
    %swap3A = arith.constant 0 : index
    %swap3A_25 = arith.constant 0 : index
    %swap3A_26 = vector.load %arg2[%swap3A, %swap3A_25] : memref<8x128xi32, #tpu.memory_space<vmem>>, vector<8x128xi32>
    tpu.vector_store %arg2[%swap3A, %swap3A_25], %broadcast_in_dim3A {strides = array<i32>} : memref<8x128xi32, #tpu.memory_space<vmem>>, vector<8x128xi32>,
    return
  }
  func.func @transform_0(%arg0: i32) -> (i32, i32) {
    %c0_i32 = arith.constant 0 : i32
    %c0_i32_0 = arith.constant 0 : i32
    %c0_i32_1 = arith.constant 0 : i32
    return %c0_i32, %c0_i32_0 : i32, i32
  }
  func.func @transform_1(%arg0: i32) -> (i32, i32) {
    %c0_i32 = arith.constant 0 : i32
    %c0_i32_0 = arith.constant 0 : i32
    %c0_i32_1 = arith.constant 0 : i32
    return %c0_i32, %c0_i32_0 : i32, i32
  }
}

module attributes {stable_mosaic.version = 14 : i64} {
  func.func @_post_body(%arg0: i32, %arg1: memref<5000x128xf32, #tpu.memory_space<vmem>>, %arg2: memref<1x5000x128xf32, #tpu.memory_space<vmem>>, %arg3: memref<5000x1xf32, #tpu.memory_space<vmem>>, %arg4: memref<128x128xf32, #tpu.memory_space<vmem>>, %arg5: memref<5000x128xf32, #tpu.memory_space<vmem>>) attributes {dimension_semantics = [#tpu.dimension_semantics<arbitrary>], iteration_bounds = array<i64: 2>, scalar_prefetch = 0 : i64, scratch_operands = 0 : i64, tpu.core_type = #tpu.core_type<tc>, window_params = [{transform_indices = @transform_0, window_bounds = array<i64: 5000, 128>}, {transform_indices = @transform_1, window_bounds = array<i64: 1, 5000, 128>}, {transform_indices = @transform_2, window_bounds = array<i64: 5000, 1>}, {pipeline_mode = #tpu.pipeline_mode<synchronous>, transform_indices = @transform_3, window_bounds = array<i64: 128, 128>}, {transform_indices = @transform_4, window_bounds = array<i64: 5000, 128>}]} {
    %get3A = arith.constant 0 : index
    %get3A_0 = arith.constant 0 : index
    %get3A_1 = arith.constant 0 : index
    %get3A_2 = vector.load %arg2[%get3A, %get3A_0, %get3A_1] : memref<1x5000x128xf32, #tpu.memory_space<vmem>>, vector<1x5000x128xf32>
    %get3A_3 = vector.shape_cast %get3A_2 : vector<1x5000x128xf32> to vector<5000x128xf32>
    %get3A_4 = arith.constant 0 : index
    %get3A_5 = arith.constant 0 : index
    %get3A_6 = vector.load %arg3[%get3A_4, %get3A_5] : memref<5000x1xf32, #tpu.memory_space<vmem>>, vector<5000x1xf32>
    %mul3A = vector.broadcast %get3A_6 : vector<5000x1xf32> to vector<5000x128xf32>
    %mul3A_7 = arith.mulf %get3A_3, %mul3A : vector<5000x128xf32>
    %get3A_8 = arith.constant 0 : index
    %get3A_9 = arith.constant 0 : index
    %get3A_10 = vector.load %arg4[%get3A_8, %get3A_9] : memref<128x128xf32, #tpu.memory_space<vmem>>, vector<128x128xf32>
    %dot_general3A = arith.constant dense<0.000000e+00> : vector<5000x128xf32>
    %dot_general3A_11 = tpu.matmul %mul3A_7, %get3A_10, %dot_general3A {dimension_numbers = #tpu.dot_dimension_numbers<[1], [0], [0], [1], [0, 0, 1, 1], [], []>, transpose_lhs_hint = false} : vector<5000x128xf32>, vector<128x128xf32>, vector<5000x128xf32> -> vector<5000x128xf32>
    %get3A_12 = arith.constant 0 : index
    %get3A_13 = arith.constant 0 : index
    %get3A_14 = vector.load %arg1[%get3A_12, %get3A_13] : memref<5000x128xf32, #tpu.memory_space<vmem>>, vector<5000x128xf32>
    %mul3A_15 = arith.constant 0.0144356173 : f32
    %mul3A_16 = vector.broadcast %mul3A_15 : f32 to vector<5000x128xf32>
    %mul3A_17 = arith.mulf %dot_general3A_11, %mul3A_16 : vector<5000x128xf32>
    %add3A = arith.addf %get3A_14, %mul3A_17 : vector<5000x128xf32>
    %swap3A = arith.constant 0 : index
    %swap3A_18 = arith.constant 0 : index
    %swap3A_19 = vector.load %arg5[%swap3A, %swap3A_18] : memref<5000x128xf32, #tpu.memory_space<vmem>>, vector<5000x128xf32>
    tpu.vector_store %arg5[%swap3A, %swap3A_18], %add3A {strides = array<i32>} : memref<5000x128xf32, #tpu.memory_space<vmem>>, vector<5000x128xf32>,
    return
  }
  func.func @transform_0(%arg0: i32) -> (i32, i32) {
    %c0_i32 = arith.constant 0 : i32
    %c0_i32_0 = arith.constant 0 : i32
    return %arg0, %c0_i32 : i32, i32
  }
  func.func @transform_1(%arg0: i32) -> (i32, i32, i32) {
    %c0_i32 = arith.constant 0 : i32
    %c0_i32_0 = arith.constant 0 : i32
    %c0_i32_1 = arith.constant 0 : i32
    return %arg0, %c0_i32, %c0_i32_0 : i32, i32, i32
  }
  func.func @transform_2(%arg0: i32) -> (i32, i32) {
    %c0_i32 = arith.constant 0 : i32
    %c0_i32_0 = arith.constant 0 : i32
    return %arg0, %c0_i32 : i32, i32
  }
  func.func @transform_3(%arg0: i32) -> (i32, i32) {
    %c0_i32 = arith.constant 0 : i32
    %c0_i32_0 = arith.constant 0 : i32
    %c0_i32_1 = arith.constant 0 : i32
    return %c0_i32, %c0_i32_0 : i32, i32
  }
  func.func @transform_4(%arg0: i32) -> (i32, i32) {
    %c0_i32 = arith.constant 0 : i32
    %c0_i32_0 = arith.constant 0 : i32
    return %arg0, %c0_i32 : i32, i32
  }
}

</mosaic_0001>

<sc_bundles>
// kernel: kernel.7.cloned.1.call-start
scs
__scs_entry_jumppad:
0x0: {  	(pc) =	sbr.rel $0x88, $3  }
0x1: {  	(tag) =	ssettag $0x0;
	lr =	simm.s32 $0x1  }
0x2: {  	[smem:$0x3F96] =	sst lr;
	_ =	strace $0xD0000000  }
0x3: {  	_ = 	snop  }
0x4: {  	_ = 	snop  }
0x5: {  	_ = 	snop  }
0x6: {  	_ = 	snop  }
0x7: {  	_ = 	snop  }
__scs_overlays_trampoline_lowered:
0x8: {  	[smem:$0x3FA5] =	sst s0  }
0x9: {  	[smem:$0x3FA6] =	sst s1  }
0xa: {  	[smem:$0x3FA7] =	sst s2  }
0xb: {  	[smem:$0x3FA8] =	sst s3  }
0xc: {  	[smem:$0x3FA9] =	sst s4  }
0xd: {  	[smem:$0x3FAA] =	sst s5  }
0xe: {  	[smem:$0x3FAB] =	sst s6  }
0xf: {  	[smem:$0x3FAC] =	sst s7  }
0x10: {  	[smem:$0x3FAD] =	sst s8  }
0x11: {  	[smem:$0x3FAE] =	sst s9;
	s0 =	simm.s32 @!p0 $0x0  }
0x12: {  	s1 =	sld [smem:$0x3F94];
	s0 =	simm.s32 @p0 $0x1  }
0x13: {  	[smem:$0x3FAF] =	sst s0;
	s0 =	simm.s32 @!p1 $0x0  }
0x14: {  	s2 =	sld [smem:$0x3F93];
	s0 =	simm.s32 @p1 $0x1  }
0x15: {  	[smem:$0x3FB0] =	sst s0;
	s0 =	simm.s32 @!p2 $0x0  }
0x16: {  	s3 =	sld [smem:$0x3FDB];
	s0 =	simm.s32 @p2 $0x1  }
0x17: {  	s4 =	simm.s32 $0x1BF5;
	[smem:$0x3FB2] =	sst s0  }
0x18: {  	s0 =	sld [smem:$0x3F95];
	_ =	swait.ge [sflag:s4], $0x0  }
0x19: {  	s7 =	sld [smem:$0x3F96]  }
0x1a: {  	s8 =	sadd.s32 $0xFFFFE003, lr  }
0x1b: {  	s9 =	sadd.s32 $0xFFFFFEF7, lr;
	s5 =	simm.s32 $0xFFFFFFFF;
	p2 =	slt.u32 s8, $0xFFFFF086  }
0x1c: {  	p1 =	slt.u32 s9, $0xF7A;
	s5 =	simm.s32 @!p2 $0x0  }
0x1d: {  	s5 =	simm.s32 @p1 $0x1;
	p0 =	seq.s32 s7, s2  }
0x1e: {  	s7 =	smul.u32 @!p0 $0xF7A, s2;
	p2 =	seq.s32 @!p0 s5, $0x0  }
0x1f: {  	s9 =	smul.u32 $0xF7A, s1;
	s8 =	simm.s32 @!p0 $0x1BF5;
	p2 =	por !p2, p0  }
0x20: {  	[sflag:s8] =	ssyncset.s32 @!p0 $0xFFFFF086;
	s6 =	sadd.s32 @!p0 s3, s7;
	s7 =	simm.s32 @!p0 $0x108  }
0x21: {  	s3 =	sadd.s32 s3, s9;
	s6 =	sadd.s32 @!p0 $0x88, s6;
	s7 =	simm.s32 @p2 $0x1082  }
0x22: {  	[simem:s7], [sflag:s8] =	dma.local @!p0 [hbm:s6], $0xF7A  }
0x23: {  	s9 =	sor.u32 $0xD0000000, s2;
	s6 =	simm.s32 $0x108;
	_ =	swait.ge @!p0 [sflag:s8], $0x0  }
0x24: {  	s3 =	sadd.s32 $0x88, s3;
	s6 =	simm.s32 @!p1 $0x1082;
	[sflag:s4] =	ssyncset.s32 $0xFFFFF086  }
0x25: {  	[simem:s6], [sflag:s4] =	dma.local [hbm:s3], $0xF7A  }
0x26: {  	[smem:$0x3F96] =	sst s1;
	(tag) =	ssettag s2;
	_ =	strace s9  }
0x27: {  	s1 =	sld [smem:$0x3FA6]  }
0x28: {  	s2 =	sld [smem:$0x3FA7]  }
0x29: {  	s4 =	sld [smem:$0x3FA9]  }
0x2a: {  	p0 =	seq.s32 s5, $0x0;
	s5 =	sld [smem:$0x3FAA]  }
0x2b: {  	s6 =	sld [smem:$0x3FAB]  }
0x2c: {  	s7 =	sld [smem:$0x3FAC]  }
0x2d: {  	s3 =	simm.s32 $0x108;
	s8 =	sld [smem:$0x3FAD]  }
0x2e: {  	s3 =	simm.s32 @!p0 $0x1082;
	s9 =	sld [smem:$0x3FAE]  }
0x2f: {  	lr =	sadd.s32 s0, s3;
	s0 =	sld [smem:$0x3FA5]  }
0x30: {  	s3 =	sld [smem:$0x3FA8]  }
0x31: {  	[smem:$0x3FB1] =	sst s10  }
0x32: {  	s10 =	sld [smem:$0x3FAF];
	_ =	sdelay $0x3  }
0x33: {  	p0 =	seq.s32 s10, $0x1;
	s10 =	sld [smem:$0x3FB1];
	_ =	sdelay $0x3  }
0x34: {  	[smem:$0x3FB1] =	sst s10  }
0x35: {  	s10 =	sld [smem:$0x3FB0];
	_ =	sdelay $0x3  }
0x36: {  	p1 =	seq.s32 s10, $0x1;
	s10 =	sld [smem:$0x3FB1];
	_ =	sdelay $0x3  }
0x37: {  	[smem:$0x3FB1] =	sst s10  }
0x38: {  	s10 =	sld [smem:$0x3FB2]  }
0x39: {  	_ = 	snop;
	(pc) =	sbr.ind lr, $3  }
0x3a: {  	_ = 	snop  }
0x3b: {  	_ = 	snop  }
0x3c: {  	p2 =	seq.s32 s10, $0x1;
	s10 =	sld [smem:$0x3FB1]  }
0x3d: {  	_ =	shalt  }
0x3e: {  	_ =	shalt  }
0x3f: {  	_ =	shalt  }
0x40: {  	_ =	shalt  }
0x41: {  	_ =	shalt  }
0x42: {  	_ =	shalt  }
0x43: {  	_ =	shalt  }
0x44: {  	_ =	shalt  }
0x45: {  	_ =	shalt  }
0x46: {  	_ =	shalt  }
0x47: {  	_ =	shalt  }
0x48: {  	_ =	shalt  }
0x49: {  	_ =	shalt  }
0x4a: {  	_ =	shalt  }
0x4b: {  	_ =	shalt  }
0x4c: {  	_ =	shalt  }
0x4d: {  	_ =	shalt  }
0x4e: {  	_ =	shalt  }
0x4f: {  	_ =	shalt  }
0x50: {  	_ =	shalt  }
0x51: {  	_ =	shalt  }
0x52: {  	_ =	shalt  }
0x53: {  	_ =	shalt  }
0x54: {  	_ =	shalt  }
0x55: {  	_ =	shalt  }
0x56: {  	_ =	shalt  }
0x57: {  	_ =	shalt  }
0x58: {  	_ =	shalt  }
0x59: {  	_ =	shalt  }
0x5a: {  	_ =	shalt  }
0x5b: {  	_ =	shalt  }
0x5c: {  	_ =	shalt  }
0x5d: {  	_ =	shalt  }
0x5e: {  	_ =	shalt  }
0x5f: {  	_ =	shalt  }
0x60: {  	_ =	shalt  }
0x61: {  	_ =	shalt  }
0x62: {  	_ =	shalt  }
0x63: {  	_ =	shalt  }
0x64: {  	_ =	shalt  }
0x65: {  	_ =	shalt  }
0x66: {  	_ =	shalt  }
0x67: {  	_ =	shalt  }
0x68: {  	_ =	shalt  }
0x69: {  	_ =	shalt  }
0x6a: {  	_ =	shalt  }
0x6b: {  	_ =	shalt  }
0x6c: {  	_ =	shalt  }
0x6d: {  	_ =	shalt  }
0x6e: {  	_ =	shalt  }
0x6f: {  	_ =	shalt  }
0x70: {  	_ =	shalt  }
0x71: {  	_ =	shalt  }
0x72: {  	_ =	shalt  }
0x73: {  	_ =	shalt  }
0x74: {  	_ =	shalt  }
0x75: {  	_ =	shalt  }
0x76: {  	_ =	shalt  }
0x77: {  	_ =	shalt  }
0x78: {  	_ =	shalt  }
0x79: {  	_ =	shalt  }
0x7a: {  	_ =	shalt  }
0x7b: {  	_ =	shalt  }
0x7c: {  	_ =	shalt  }
0x7d: {  	_ =	shalt  }
0x7e: {  	_ =	shalt  }
0x7f: {  	_ =	shalt  }
0x80: {  	_ =	shalt  }
0x81: {  	_ =	shalt  }
0x82: {  	_ =	shalt  }
0x83: {  	_ =	shalt  }
0x84: {  	_ =	shalt  }
0x85: {  	_ =	shalt  }
0x86: {  	_ =	shalt  }
0x87: {  	_ =	shalt  }
.Lfunc_end0:
.L_simem_size_0:
called_computation_lowered:
.L_overlay_start_0:
0x88: {  	s2 =	sld [smem:$0x3FD9]  }
0x89: {  	s3 =	sld [smem:$0x3FFE];
	_ =	sdelay $0x1  }
0x8a: {  	s1 =	srdreg.scid  }
0x8b: {  	s0 =	sand.u32 $0x1, s1  }
0x8c: {  	s17 =	sshll.u32 s0, $0xA;
	s2 =	sadd.s32 s3, s2  }
0x8d: {  	s2 =	sadd.s32 s2, s17  }
0x8e: {  	[smem:$0x3FBD] =	sst s2  }
0x8f: {  	_ = 	snop  }
0x90: {  	s2 =	sld [smem:$0x3FC7]  }
0x91: {  	s18 =	sld [smem:$0x3FC6];
	(tm) =	ssettm $0x1  }
0x92: {  	s4 =	sld [smem:$0x3FFB];
	_ =	sdelay $0x3  }
0x93: {  	_ =	strace s4  }
0x94: {  	s4 =	sld [smem:$0x3FFC];
	_ =	sdelay $0x3  }
0x95: {  	_ =	strace s4  }
0x96: {  	s4 =	sld [smem:$0x3FFD];
	_ =	sdelay $0x3  }
0x97: {  	_ =	strace s4  }
0x98: {  	_ =	strace $0x8FFFFFFF  }
0x99: {  	s19 =	sld [smem:$0x3FDB];
	_ =	sdelay $0x1  }
0x9a: {  	s5 =	simm.s32 $_scs_section_size  }
0x9b: {  	s6 =	simm.s32 $_size__tile_overlayer_lowered;
	s7 =	simm.s32 $_tile_overlayer_lowered  }
0x9c: {  	s22 =	simm.s32 $0x1BFF;
	s21 =	sshll.u32 s7, $0x1;
	s4 =	sadd.s32 s5, s19  }
0x9d: {  	s8 =	simm.s32 $0x0;
	s20 =	sshll.u32 s6, $0x1;
	s6 =	sadd.s32 s21, s4  }
0x9e: {  	[timem:s8], [sflag:s22] =	dma.local [hbm:s6], s20  }
0x9f: {  	_ =	swait.ge [sflag:s22], s20  }
0xa0: {  	s5 =	ssub.s32 $0x0, s20;
	[sflag:s22] =	ssyncset.done $0x0  }
0xa1: {  	[sflag:s22] =	ssyncadd.s32 s5;
	_ =	sdelay $0x1  }
0xa2: {  	s23 =	simm.s32 $0x1B8B  }
0xa3: {  	_ =	swait.ge [sflag:s23], $0x1  }
0xa4: {  	[sflag:s23] =	ssyncset.done $0x0  }
0xa5: {  	s25 =	simm.s32 $0x1B8E;
	s24 =	sld [smem:$0x3FFE];
	[sflag:s23] =	ssyncadd.s32 $0xFFFFFFFF  }
0xa6: {  	s26 =	simm.s32 $execute0_lowered;
	[smem:$0x3FD2] =	sst s25  }
0xa7: {  	s6 =	sshll.u32 s26, $0x1;
	_ =	strace $0x80000046;
	[dreg:$0x1] =	wrdreg $0xFFFFFFFF  }
0xa8: {  	s28 =	simm.s32 $_size_execute0_lowered;
	s4 =	sadd.s32 s4, s6;
	[dreg:$0x0] =	wrdreg $0x0  }
0xa9: {  	s6 =	sshll.u32 s28, $0x1;
	[dreg:$0x2] =	wrdreg s4  }
0xaa: {  	[dreg:$0x3] =	wrdreg s6  }
0xab: {  	[dreg:$0x4] =	wrdreg $0xC0  }
0xac: {  	_ =	task [dreg:s8], $0x5FFFF  }
0xad: {  	[dreg:$0x1] =	wrdreg $0xFFFFFFFF  }
0xae: {  	[dreg:$0x0] =	wrdreg $0x60  }
0xaf: {  	[dreg:$0x2] =	wrdreg s24  }
0xb0: {  	[dreg:$0x3] =	wrdreg s2  }
0xb1: {  	[dreg:$0x4] =	wrdreg s18  }
0xb2: {  	[dreg:$0x5] =	wrdreg $0x13F000  }
0xb3: {  	[dreg:$0x6] =	wrdreg $0x9  }
0xb4: {  	_ =	task.clear_ibuf [dreg:s8], $0x7FFFF;
	_ =	strace $0x90000046  }
0xb5: {  	s29 =	simm.s32 $0x9;
	_ =	strace $0x80000048  }
0xb6: {  	_ =	swait.ge [sflag:s29], $0x1  }
0xb7: {  	[sflag:s29] =	ssyncadd.s32 $0xFFFFFFFF  }
0xb8: {  	_ =	strace $0x90000048  }
0xb9: {  	_ =	sfence  }
0xba: {  	s30 =	sld [smem:$0x0];
	_ =	sdelay $0x2  }
0xbb: {  	s31 =	sshll.u32 s1, $0xD;
	s1 =	sshrl.u32 s1, $0x2  }
0xbc: {  	s3 =	sand.u32 $0x4000, s31;
	s1 =	sadd.s32 s1, s30  }
0xbd: {  	s0 =	sor.u32 s3, s0;
	s1 =	sshll.u32 s1, $0x11  }
0xbe: {  	s0 =	sor.u32 s1, s0  }
0xbf: {  	s0 =	sadd.s32 $0x8F2B, s0  }
0xc0: {  	[sflag:s0] =	ssyncadd.remote.s32 $0x1  }
0xc1: {  	_ =	sfence.sel $0xFFFF  }
0xc2: {  	[dreg:$0x0] =	wrdreg $0xFFFFFFFF;
	(pc) =	sbr.abs _section_cstart, $3  }
0xc3: {  	[dreg:$0x1] =	wrdreg $0xFFFFFFFF  }
0xc4: {  	_ =	task.clear_ibuf [dreg:s8], $0x2FFFF;
	_ =	strace $0x9FFFFFFF  }
0xc5: {  	(tm) =	ssettm $0x7FFFFFFF  }
tec
execute0_lowered:
.L_overlay_start_1:
0x0: {  	(tag) =	ssettag $0x1  }
0x1: {  	s0 =	rddreg [dreg:$0x0]  }
0x2: {  	s3 =	rddreg [dreg:$0x3];
	s1 =	srdreg.scid  }
0x3: {  	s5 =	simm.s32 $0x0;
	s4 =	stileid.u32;
	s17 =	simm.s32 $0x9F00  }
0x4: {  	s18 =	simm.s32 $0x5;
	s28 =	simm.s32 $0x4;
	s29 =	simm.s32 $0x9E00  }
0x5: {  	s30 =	simm.s32 $0xC700;
	s1 =	sand.u32 $0x1, s1;
	s8 =	smul.u32 $0xA000, s4  }
0x6: {  	[smem:$0x7FF] =	sst s5;
	s6 =	sadd.s32 $0x29800, s0;
	s10 =	smul.u32 $0x28000, s4  }
0x7: {  	s7 =	sadd.s32 $0x50A00, s0;
	s11 =	sadd.s32 $0x2400, s0;
	s22 =	smul.u32 $0x50, s4  }
0x8: {  	s2 =	smul.u32 $0xA0000, s1;
	_ =	strace $0x80000047;
	s20 =	ssub.s32 $0x2, s1  }
0x9: {  	[dreg:$0x5] =	wrdreg s11;
	p0 =	seq.s32 s1, $0x0;
	p1 =	sne.s32 s1, $0x0  }
0xa: {  	s9 =	sshrl.u32 s20, $0x1;
	[dreg:$0x6] =	wrdreg s22;
	s23 =	sshrl.u32 s10, $0x2  }
0xb: {  	s22 =	simm.s32 $0x3;
	s2 =	sadd.s32 s8, s2;
	s21 =	ssub.s32 s20, s9  }
0xc: {  	s9 =	sadd.s32 $0x3FEA, s4;
	s12 =	sadd.s32 s23, s3;
	s24 =	smax.u32 s21, $0x1  }
0xd: {  	s20 =	simm.s32 $0x1;
	s25 =	sadd.s32 $0x2800, s12;
	[dreg:$0x8] =	wrdreg s24  }
.Ltmp0:
0xe: {  	s26 =	sadd.s32 $0x5000, s12;
	[dreg:$0x9] =	wrdreg s25;
	(pc) =	sbr.rel .LBB2_1-.Ltmp0, $4  }
0xf: {  	s2 =	sshrl.u32 s2, $0x3;
	s31 =	sadd.s32 $0x7800, s12;
	[dreg:$0xa] =	wrdreg s26  }
0x10: {  	s23 =	simm.s32 $0x50;
	s0 =	sadd.s32 s2, s0;
	[dreg:$0xb] =	wrdreg s31  }
0x11: {  	s24 =	simm.s32 $0x9D80;
	s25 =	simm.s32 $0x6;
	s0 =	sadd.s32 $0x532A00, s0  }
0x12: {  	v0 =	vimm.f32 $0.0e+00;
	v1 =	vlaneseq.u32;
	s26 =	simm.s32 $0x2;
	[dreg:$0x7] =	wrdreg s0;
	s0 =	simm.s32 $0x0  }
.LBB2_16:
0x13: {  	s1 =	sshll.u32 s4, $0x6;
	[bflag:$0x0] =	sbarrier.arrive $0xFFFF  }
0x14: {  	s2 =	sshrl.u32 s12, $0x3;
	s1 =	sor.u32 $0x1C05, s1;
	s8 =	rddreg [dreg:$0x7]  }
0x15: {  	[hbm:s8], [sflag:s1] =	dma.local [spmem:s2], $0x1400  }
0x16: {  	_ =	swait.ge [sflag:s18], $0x1400  }
0x17: {  	s0 =	sadd.s32 $0x1, s0;
	s31 =	rddreg [dreg:$0x8]  }
0x18: {  	p2 =	sne.s32 s0, s31  }
.Ltmp1:
0x19: {  	_ = 	snop;
	(pc) =	sbr.rel @!p2 .LBB2_17-.Ltmp1, $3  }
0x1a: {  	_ =	sdelay $0x1  }
0x1b: {  	[sflag:s18] =	ssyncset.done $0x0  }
0x1c: {  	[sflag:s18] =	ssyncadd.s32 $0xFFFFEC00  }
.LBB2_1:
0x1d: {  	s1 =	simm.s32 $0x0;
	s2 =	simm.s32 $0x200  }
.LBB2_2:
0x1e: {  	p2 =	sne.s32 s2, $0x9E00;
	[tilespmem:s1+$0x9F70] =	vst v0  }
0x1f: {  	[tilespmem:s1+$0x9F00] =	vst v0  }
0x20: {  	[tilespmem:s1+$0x9F10] =	vst v0  }
.Ltmp2:
0x21: {  	[tilespmem:s1+$0x9F20] =	vst v0;
	(pc) =	sbr.rel @p2 .LBB2_2-.Ltmp2, $4  }
0x22: {  	[tilespmem:s1+$0x9F30] =	vst v0  }
0x23: {  	[tilespmem:s1+$0x9F40] =	vst v0  }
0x24: {  	[tilespmem:s1+$0x9F50] =	vst v0  }
0x25: {  	[tilespmem:s1+$0x9F60] =	vst v0;
	s1 =	sshra.s32 s2, $0x2;
	s2 =	sadd.s32 $0x200, s2  }
0x26: {  	[tilespmem:s1+$0x9F70] =	vst v0  }
0x27: {  	[tilespmem:s1+$0x9F00] =	vst v0  }
0x28: {  	[tilespmem:s1+$0x9F10] =	vst v0  }
0x29: {  	[tilespmem:s1+$0x9F20] =	vst v0  }
0x2a: {  	[tilespmem:s1+$0x9F30] =	vst v0  }
0x2b: {  	[tilespmem:s1+$0x9F40] =	vst v0  }
0x2c: {  	[tilespmem:s1+$0x9F50] =	vst v0  }
0x2d: {  	[tilespmem:s1+$0x9F60] =	vst v0  }
0x2e: {  	[spmem:s12] =	stream.linear.scatter [tilespmem:s17], [sflag:$0x5], $0x2800, $0x38;
	[tilespmem:$0x1DF00] =	vst v63  }
0x2f: {  	_ =	swait.ge [sflag:s18], $0x2800  }
0x30: {  	[sflag:s18] =	ssyncset.done $0x0  }
0x31: {  	s21 =	rddreg [dreg:$0x9];
	[sflag:s18] =	ssyncadd.s32 $0xFFFFD800  }
0x32: {  	[spmem:s21] =	stream.linear.scatter [tilespmem:s17], [sflag:$0x5], $0x2800, $0x38;
	[tilespmem:$0x1DF00] =	vst v63  }
0x33: {  	_ =	swait.ge [sflag:s18], $0x2800  }
0x34: {  	[sflag:s18] =	ssyncset.done $0x0  }
0x35: {  	s31 =	rddreg [dreg:$0xa];
	[sflag:s18] =	ssyncadd.s32 $0xFFFFD800  }
0x36: {  	[spmem:s31] =	stream.linear.scatter [tilespmem:s17], [sflag:$0x5], $0x2800, $0x38;
	[tilespmem:$0x1DF00] =	vst v63  }
0x37: {  	_ =	swait.ge [sflag:s18], $0x2800  }
0x38: {  	[sflag:s18] =	ssyncset.done $0x0  }
0x39: {  	s2 =	rddreg [dreg:$0xb];
	[sflag:s18] =	ssyncadd.s32 $0xFFFFD800  }
0x3a: {  	[spmem:s2] =	stream.linear.scatter [tilespmem:s17], [sflag:$0x5], $0x2800, $0x38;
	[tilespmem:$0x1DF00] =	vst v63  }
0x3b: {  	_ =	swait.ge [sflag:s18], $0x2800  }
0x3c: {  	[sflag:s18] =	ssyncset.done $0x0  }
0x3d: {  	s2 =	simm.s32 $0x9D00;
	s8 =	rddreg [dreg:$0x5];
	[sflag:s18] =	ssyncadd.s32 $0xFFFFD800  }
0x3e: {  	[tilespmem:s2], [sflag:$0x5] =	stream.linear.gather [hbm4b:s8+s5], $0x80, $0x38;
	[tilespmem:$0x1DF00] =	vst v63  }
0x3f: {  	_ =	swait.ge [sflag:s18], $0x80  }
0x40: {  	[sflag:s18] =	ssyncset.done $0x0  }
0x41: {  	[sflag:s18] =	ssyncadd.s32 $0xFFFFFF80  }
0x42: {  	v2 =	vld [tilespmem:$0x9D00];
	_ =	sdelay $0x4  }
0x43: {  	(v2sf) =	vpush v2, $0x0;
	_ =	sdelay $0xe  }
0x44: {  	s19 =	spop (v2sf)  }
0x45: {  	s1 =	ssub.s32 $0x4E200, s19  }
0x46: {  	s1 =	smov.u32 @p0 s19  }
0x47: {  	s10 =	sand.u32 $0xF, s1  }
0x48: {  	s8 =	sshra.s32 s1, $0x1F;
	p2 =	slt.s32 s1, $0x1;
	p3 =	sne.s32 s10, $0x0  }
0x49: {  	s11 =	sshrl.u32 s8, $0x1C;
	p2 =	por !p2, !p3  }
0x4a: {  	s2 =	simm.s32 $0x1;
	s1 =	sadd.s32 s11, s1;
	p2 =	por !p2, !p2  }
0x4b: {  	s1 =	sshra.s32 s1, $0x4;
	s2 =	simm.s32 @!p2 $0x0  }
0x4c: {  	s1 =	ssub.s32 s1, s2  }
0x4d: {  	s2 =	smov.u32 s19;
	s13 =	smul.u32 s4, s1  }
0x4e: {  	s2 =	simm.s32 @p0 $0x0  }
0x4f: {  	s14 =	sld [smem:$0x7FF];
	s21 =	sadd.s32 s2, s13  }
0x50: {  	p2 =	slt.s32 s21, $0x493E0;
	s8 =	smov.u32 s21  }
0x51: {  	s8 =	simm.s32 @!p2 $0x493E0  }
0x52: {  	p2 =	seq.s32 s14, $0x1;
	s10 =	sand.u32 $0x7, s8  }
0x53: {  	p3 =	sne.s32 @!p2 s10, $0x0  }
0x54: {  	p2 =	por !p3, p2  }
0x55: {  	s2 =	sor.u32 @!p2 $0x100000, s9  }
0x56: {  	[smem:s2], [sflag:$0x0] =	smem.add.s32 @!p2 $0x80;
	s2 =	simm.s32 @!p2 $0x0  }
0x57: {  	s11 =	simm.s32 @!p2 $0x1;
	_ =	swait.done @!p2 [sflag:s2]  }
0x58: {  	[smem:$0x7FF] =	sst @!p2 s11  }
0x59: {  	_ =	sint @!p2 $0x2  }
0x5a: {  	_ =	swait.notdone @!p2 [sflag:s2]  }
0x5b: {  	s13 =	sshrl.u32 s8, $0x3;
	s2 =	rddreg [dreg:$0x1]  }
0x5c: {  	s2 =	sadd.s32 s2, s13  }
0x5d: {  	[tilespmem:s5], [sflag:$0x5] =	stream.linear.gather [hbm4b:s2+s5], $0x4E20, $0x38;
	[tilespmem:$0x1DF00] =	vst v63  }
0x5e: {  	s15 =	smulhi.u32 $0x66666667, s1;
	s14 =	sshra.s32 s1, $0x1F;
	_ =	swait.ge [sflag:s18], $0x4E20  }
0x5f: {  	s16 =	smul.u32 $0x66666667, s14;
	s14 =	sld [smem:$0x7FF]  }
0x60: {  	_ = 	snop  }
0x61: {  	p4 =	slt.s32 s1, $0x1;
	p2 =	seq.s32 s10, $0x0;
	s2 =	sadd.s32 s16, s15  }
0x62: {  	s31 =	sshrl.u32 s2, $0x1F;
	s2 =	sshra.s32 s2, $0x5;
	p3 =	sne.s32 @!p2 s14, $0x1  }
0x63: {  	s2 =	sadd.s32 s31, s2;
	[sflag:s18] =	ssyncset.done $0x0;
	p2 =	por !p3, p2  }
0x64: {  	s10 =	smul.u32 $0xFFFFFFB0, s2;
	[sflag:s18] =	ssyncadd.s32 $0xFFFFB1E0;
	s11 =	sor.u32 @!p2 $0x100000, s9  }
0x65: {  	s1 =	ssub.s32 $0x0, s1;
	[smem:s11], [sflag:$0x0] =	smem.add.s32 @!p2 $0x84;
	s11 =	simm.s32 @!p2 $0x0  }
0x66: {  	p6 =	sne.s32 s10, s1;
	s1 =	simm.s32 @!p2 $0x1;
	_ =	swait.done @!p2 [sflag:s11]  }
0x67: {  	[smem:$0x7FF] =	sst @!p2 s1  }
0x68: {  	_ =	sint @!p2 $0x2  }
0x69: {  	_ =	swait.notdone @!p2 [sflag:s11]  }
0x6a: {  	s14 =	simm.s32 $0x4E80;
	p3 =	por !p4, !p6;
	s11 =	rddreg [dreg:$0x2]  }
0x6b: {  	p3 =	por !p3, !p3;
	s1 =	simm.s32 $0x1;
	s10 =	sadd.s32 s11, s13  }
0x6c: {  	[tilespmem:s14], [sflag:$0x5] =	stream.linear.gather [hbm4b:s10+s5], $0x4E20, $0x38;
	[tilespmem:$0x1DF00] =	vst v63  }
0x6d: {  	s1 =	simm.s32 @!p3 $0x0;
	_ =	swait.ge [sflag:s18], $0x4E20  }
0x6e: {  	s10 =	ssub.s32 s2, s1;
	[sflag:s18] =	ssyncset.done $0x0  }
0x6f: {  	s1 =	ssub.s32 s21, s8;
	p2 =	slt.s32 s10, $0x1;
	[sflag:s18] =	ssyncadd.s32 $0xFFFFB1E0  }
0x70: {  	s2 =	simm.s32 @!p2 $0x50;
	s8 =	simm.s32 @!p2 $0x9F00;
	[bflag:$0x0] =	sbarrier.arrive $0xFFFF  }
0x71: {  	[tilespmem:s8], [sflag:$0x1] =	stream.indirect.gather @!p2 [hbm4b:s6+s2], $0x80, s1, s2, $0xb8;
	[tilespmem:$0x1DF00] =	vst v63  }
0x72: {  	s15 =	sadd.s32 $0x1, s10;
	p5 =	slt.s32 s10, $0x0;
	s2 =	sshll.u32 @!p2 s21, $0x4  }
0x73: {  	s11 =	simm.s32 @!p2 $0xEF00;
	s16 =	sand.u32 $0x1, s15;
	s2 =	sand.u32 @!p2 $0xFFFFFF0, s2  }
0x74: {  	p6 =	seq.s32 s16, $0x1;
	s8 =	simm.s32 @!p2 $0x0;
	s2 =	sadd.s32 @!p2 s7, s2  }
0x75: {  	[tilespmem:s11], [sflag:$0x3] =	stream.linear.gather @!p2 [hbm4b:s2+s8], $0x2800, $0x38;
	[tilespmem:$0x1DF00] =	vst v63  }
0x76: {  	s31 =	sshrl.u32 s15, $0x1F;
	p2 =	por !p5, !p6  }
0x77: {  	s2 =	sadd.s32 s31, s15;
	s8 =	simm.s32 $0x1;
	p2 =	por !p2, !p2  }
0x78: {  	s2 =	sshra.s32 s2, $0x1;
	s8 =	simm.s32 @!p2 $0x0  }
0x79: {  	s2 =	ssub.s32 s2, s8  }
0x7a: {  	p2 =	slt.s32 s2, $0x1  }
.Ltmp3:
0x7b: {  	_ = 	snop;
	(pc) =	sbr.rel @p2 .LBB2_12-.Ltmp3, $1  }
0x7c: {  	_ =	sdelay $0x3  }
.Ltmp4:
0x7d: {  	(pc) =	sbr.rel .LBB2_5-.Ltmp4, $3  }
0x7e: {  	_ =	sdelay $0x1  }
0x7f: {  	s8 =	sshll.u32 s21, $0x7;
	s11 =	sadd.s32 $0x4E80, s1  }
0x80: {  	s31 =	sand.u32 $0x380, s8;
	s8 =	simm.s32 $0x0;
	v2 =	vmov s11  }
.LBB2_11:
0x81: {  	s8 =	sadd.s32 $0x1, s8  }
0x82: {  	p2 =	sne.s32 s8, s2  }
.Ltmp5:
0x83: {  	_ = 	snop;
	(pc) =	sbr.rel @!p2 .LBB2_12-.Ltmp5, $1  }
0x84: {  	_ =	sdelay $0x3  }
.LBB2_5:
0x85: {  	s11 =	sshllo.u32 s8, $0x1  }
0x86: {  	p2 =	sge.s32 s11, s10  }
0x87: {  	s13 =	smul.u32 @!p2 $0x50, s11  }
0x88: {  	s15 =	simm.s32 @!p2 $0x50  }
0x89: {  	s16 =	simm.s32 @!p2 $0xC700;
	s14 =	sadd.s32 @!p2 s21, s13;
	s13 =	sadd.s32 @!p2 s13, s1  }
0x8a: {  	[tilespmem:s16], [sflag:$0x2] =	stream.indirect.gather @!p2 [hbm4b:s6+s15], $0x80, s13, s15, $0xb8;
	[tilespmem:$0x1DF00] =	vst v63  }
0x8b: {  	s13 =	sshll.u32 @!p2 s14, $0x7  }
0x8c: {  	s13 =	sand.u32 @!p2 $0x7FFFFC00, s13  }
0x8d: {  	s13 =	sor.u32 @!p2 s31, s13  }
0x8e: {  	s13 =	sshrl.u32 @!p2 s13, $0x3  }
0x8f: {  	s14 =	simm.s32 @!p2 $0x0;
	s15 =	simm.s32 @!p2 $0x11700;
	s13 =	sadd.s32 @!p2 s7, s13  }
0x90: {  	[tilespmem:s15], [sflag:$0x4] =	stream.linear.gather @!p2 [hbm4b:s13+s14], $0x2800, $0x38;
	[tilespmem:$0x1DF00] =	vst v63  }
0x91: {  	_ =	swait.ge [sflag:s20], $0x2800  }
0x92: {  	[sflag:s20] =	ssyncset.done $0x0  }
0x93: {  	[sflag:s20] =	ssyncadd.s32 $0xFFFFD800  }
0x94: {  	_ =	swait.ge [sflag:s22], $0x2800  }
0x95: {  	[sflag:s22] =	ssyncset.done $0x0  }
0x96: {  	s14 =	simm.s32 $0x0;
	[sflag:s22] =	ssyncadd.s32 $0xFFFFD800  }
0x97: {  	v10 =	vld [tilespmem:s14+$0xEF00]  }
0x98: {  	v14 =	vld [tilespmem:s14+$0xEF10]  }
0x99: {  	v8 =	vld [tilespmem:s14+$0xEF20]  }
0x9a: {  	v7 =	vld [tilespmem:s14+$0xEF30]  }
0x9b: {  	v6 =	vld [tilespmem:s14+$0xEF40]  }
0x9c: {  	v5 =	vld [tilespmem:s14+$0xEF50]  }
0x9d: {  	v4 =	vld [tilespmem:s14+$0xEF60]  }
0x9e: {  	v3 =	vld [tilespmem:s14+$0xEF70]  }
0x9f: {  	v15 =	vld [tilespmem:s14+$0x9F00]  }
0xa0: {  	v16 =	vld [tilespmem:s14+$0x9F10]  }
0xa1: {  	v13 =	vld [tilespmem:s14+$0x9F20]  }
0xa2: {  	v12 =	vld [tilespmem:s14+$0x9F30]  }
0xa3: {  	v11 =	vld [tilespmem:s14+$0x9F40]  }
0xa4: {  	v9 =	vld [tilespmem:s14+$0x9F50];
	v15 =	vmul.f32 v10, v15  }
0xa5: {  	s13 =	sshll.u32 s8, $0x1;
	s15 =	simm.s32 $0x200;
	v14 =	vmul.f32 v14, v16;
	v10 =	vld [tilespmem:s14+$0x9F60]  }
.LBB2_6:
0xa6: {  	s16 =	sshra.s32 s15, $0x2;
	p3 =	sne.s32 s15, $0x9E00;
	[tilespmem:s14+$0x9F00] =	vst v15;
	v8 =	vmul.f32 v8, v13;
	v13 =	vld [tilespmem:s14+$0x9F70]  }
0xa7: {  	v15 =	vld [tilespmem:s16+$0xEF00];
	[tilespmem:s14+$0x9F10] =	vst v14;
	v7 =	vmul.f32 v7, v12  }
0xa8: {  	v14 =	vld [tilespmem:s16+$0xEF10];
	[tilespmem:s14+$0x9F20] =	vst v8;
	v6 =	vmul.f32 v6, v11  }
0xa9: {  	v8 =	vld [tilespmem:s16+$0xEF20];
	[tilespmem:s14+$0x9F30] =	vst v7;
	v5 =	vmul.f32 v5, v9  }
0xaa: {  	v7 =	vld [tilespmem:s16+$0xEF30];
	[tilespmem:s14+$0x9F40] =	vst v6;
	v4 =	vmul.f32 v4, v10  }
0xab: {  	v6 =	vld [tilespmem:s16+$0xEF40];
	[tilespmem:s14+$0x9F50] =	vst v5;
	v3 =	vmul.f32 v3, v13  }
0xac: {  	v5 =	vld [tilespmem:s16+$0xEF50];
	[tilespmem:s14+$0x9F60] =	vst v4  }
0xad: {  	v4 =	vld [tilespmem:s16+$0xEF60];
	[tilespmem:s14+$0x9F70] =	vst v3;
	s14 =	smov.u32 s16  }
0xae: {  	v3 =	vld [tilespmem:s14+$0xEF70]  }
0xaf: {  	v9 =	vld [tilespmem:s14+$0x9F00]  }
0xb0: {  	v10 =	vld [tilespmem:s14+$0x9F10]  }
.Ltmp6:
0xb1: {  	v13 =	vld [tilespmem:s14+$0x9F20];
	(pc) =	sbr.rel @p3 .LBB2_6-.Ltmp6, $4  }
0xb2: {  	v12 =	vld [tilespmem:s14+$0x9F30]  }
0xb3: {  	v11 =	vld [tilespmem:s14+$0x9F40]  }
0xb4: {  	v15 =	vmul.f32 v15, v9;
	v9 =	vld [tilespmem:s14+$0x9F50]  }
0xb5: {  	s15 =	sadd.s32 $0x200, s15;
	v14 =	vmul.f32 v14, v10;
	v10 =	vld [tilespmem:s14+$0x9F60]  }
0xb6: {  	[tilespmem:s14+$0x9F00] =	vst v15;
	v8 =	vmul.f32 v8, v13;
	v63 =	vld [tilespmem:s14+$0x9F70]  }
0xb7: {  	[tilespmem:s14+$0x9F10] =	vst v14;
	v7 =	vmul.f32 v7, v12  }
0xb8: {  	[tilespmem:s14+$0x9F20] =	vst v8;
	v6 =	vmul.f32 v6, v11  }
0xb9: {  	[tilespmem:s14+$0x9F30] =	vst v7;
	v5 =	vmul.f32 v5, v9  }
0xba: {  	[tilespmem:s14+$0x9F40] =	vst v6;
	v4 =	vmul.f32 v4, v10  }
0xbb: {  	s15 =	smul.u32 $0x280, s8;
	[tilespmem:s14+$0x9F50] =	vst v5;
	v3 =	vmul.f32 v3, v63  }
0xbc: {  	[tilespmem:s14+$0x9F60] =	vst v4  }
0xbd: {  	[tilespmem:s14+$0x9F70] =	vst v3;
	s14 =	sshra.s32 s15, $0x2  }
0xbe: {  	v3 =	vld.idx.msk [tilespmem:v2+s14+$0x0 ss:$0x1], $0xffff;
	_ =	sdelay $0x4  }
0xbf: {  	vm0 =	vlt.s32 @p1 v3, $0x1388;
	v4 =	vadd.s32 @p1 $0xFFFFEC78, v3  }
0xc0: {  	v4 =	vsel @p1 vm0, $0x13B0, v4  }
0xc1: {  	[tilespmem:$0x9D80] =	vst @p1 v4  }
0xc2: {  	v4 =	vld.idx.msk @p1 [tilespmem:v2+s14+$0x10 ss:$0x1], $0xffff;
	_ =	sdelay $0x4  }
0xc3: {  	vm0 =	vlt.s32 @p1 v4, $0x1388;
	v4 =	vadd.s32 @p1 $0xFFFFEC78, v4  }
0xc4: {  	v4 =	vsel @p1 vm0, $0x13B0, v4  }
0xc5: {  	[tilespmem:$0x9D90] =	vst @p1 v4  }
0xc6: {  	v4 =	vld.idx.msk @p1 [tilespmem:v2+s14+$0x20 ss:$0x1], $0xffff;
	_ =	sdelay $0x4  }
0xc7: {  	vm0 =	vlt.s32 @p1 v4, $0x1388;
	v4 =	vadd.s32 @p1 $0xFFFFEC78, v4  }
0xc8: {  	v4 =	vsel @p1 vm0, $0x13B0, v4  }
0xc9: {  	[tilespmem:$0x9DA0] =	vst @p1 v4  }
0xca: {  	v4 =	vld.idx.msk @p1 [tilespmem:v2+s14+$0x30 ss:$0x1], $0xffff;
	_ =	sdelay $0x4  }
0xcb: {  	vm0 =	vlt.s32 @p1 v4, $0x1388;
	v4 =	vadd.s32 @p1 $0xFFFFEC78, v4  }
0xcc: {  	v4 =	vsel @p1 vm0, $0x13B0, v4  }
0xcd: {  	[tilespmem:$0x9DB0] =	vst @p1 v4  }
0xce: {  	v4 =	vld.idx.msk @p1 [tilespmem:v2+s14+$0x40 ss:$0x1], $0xffff;
	[tilespmem:$0x9D80] =	vst @!p1 v3  }
0xcf: {  	v3 =	vld.idx.msk @!p1 [tilespmem:v2+s14+$0x10 ss:$0x1], $0xffff;
	_ =	sdelay $0x4  }
0xd0: {  	[tilespmem:$0x9D90] =	vst @!p1 v3  }
0xd1: {  	v3 =	vld.idx.msk @!p1 [tilespmem:v2+s14+$0x20 ss:$0x1], $0xffff;
	_ =	sdelay $0x4  }
0xd2: {  	[tilespmem:$0x9DA0] =	vst @!p1 v3  }
0xd3: {  	v3 =	vld.idx.msk @!p1 [tilespmem:v2+s14+$0x30 ss:$0x1], $0xffff;
	_ =	sdelay $0x4  }
0xd4: {  	[tilespmem:$0x9DB0] =	vst @!p1 v3  }
0xd5: {  	v3 =	vld.idx.msk @!p1 [tilespmem:v2+s14+$0x40 ss:$0x1], $0xffff;
	_ =	sdelay $0x2  }
0xd6: {  	vm0 =	vlt.s32 @p1 v4, $0x1388;
	v4 =	vadd.s32 @p1 $0xFFFFEC78, v4  }
0xd7: {  	v4 =	vsel @p1 vm0, $0x13B0, v4  }
0xd8: {  	s13 =	sadd.s32 $0x2, s13;
	v3 =	vpsel p1, v4, v3  }
0xd9: {  	p3 =	sge.s32 s13, s10;
	[tilespmem:$0x9DC0] =	vst v3  }
0xda: {  	[spmem:s3] =	stream.indirect.scatter.add.f32 [tilespmem:s17], [sflag:$0x6], $0x80, s24, s23, $0xb8;
	[tilespmem:$0x1DF00] =	vst v63  }
0xdb: {  	s13 =	smul.u32 @!p3 $0x50, s13;
	_ =	swait.ge [sflag:s25], $0x2800  }
0xdc: {  	s16 =	simm.s32 @!p3 $0x9F00;
	s15 =	simm.s32 @!p3 $0x50;
	[sflag:s25] =	ssyncset.done $0x0  }
0xdd: {  	s14 =	sadd.s32 @!p3 s21, s13;
	s13 =	sadd.s32 @!p3 s13, s1;
	[sflag:s25] =	ssyncadd.s32 $0xFFFFD800  }
0xde: {  	[tilespmem:s16], [sflag:$0x1] =	stream.indirect.gather @!p3 [hbm4b:s6+s15], $0x80, s13, s15, $0xb8;
	[tilespmem:$0x1DF00] =	vst v63  }
0xdf: {  	s13 =	sshll.u32 @!p3 s14, $0x7  }
.Ltmp7:
0xe0: {  	s13 =	sand.u32 @!p3 $0x7FFFFC00, s13;
	(pc) =	sbr.rel @p2 .LBB2_11-.Ltmp7, $4  }
0xe1: {  	s13 =	sor.u32 @!p3 s31, s13  }
0xe2: {  	s13 =	sshrl.u32 @!p3 s13, $0x3  }
0xe3: {  	s14 =	simm.s32 @!p3 $0x0;
	s15 =	simm.s32 @!p3 $0xEF00;
	s13 =	sadd.s32 @!p3 s7, s13  }
0xe4: {  	[tilespmem:s15], [sflag:$0x3] =	stream.linear.gather @!p3 [hbm4b:s13+s14], $0x2800, $0x38;
	[tilespmem:$0x1DF00] =	vst v63  }
0xe5: {  	_ =	swait.ge [sflag:s26], $0x2800  }
0xe6: {  	[sflag:s26] =	ssyncset.done $0x0  }
0xe7: {  	[sflag:s26] =	ssyncadd.s32 $0xFFFFD800  }
0xe8: {  	_ =	swait.ge [sflag:s28], $0x2800  }
0xe9: {  	[sflag:s28] =	ssyncset.done $0x0  }
0xea: {  	s13 =	simm.s32 $0x0;
	[sflag:s28] =	ssyncadd.s32 $0xFFFFD800  }
0xeb: {  	v10 =	vld [tilespmem:s13+$0x11700]  }
0xec: {  	v14 =	vld [tilespmem:s13+$0x11710]  }
0xed: {  	v8 =	vld [tilespmem:s13+$0x11720]  }
0xee: {  	v7 =	vld [tilespmem:s13+$0x11730]  }
0xef: {  	v6 =	vld [tilespmem:s13+$0x11740]  }
0xf0: {  	v5 =	vld [tilespmem:s13+$0x11750]  }
0xf1: {  	v4 =	vld [tilespmem:s13+$0x11760]  }
0xf2: {  	v3 =	vld [tilespmem:s13+$0x11770]  }
0xf3: {  	v15 =	vld [tilespmem:s13+$0xC700]  }
0xf4: {  	v16 =	vld [tilespmem:s13+$0xC710]  }
0xf5: {  	v13 =	vld [tilespmem:s13+$0xC720]  }
0xf6: {  	v12 =	vld [tilespmem:s13+$0xC730]  }
0xf7: {  	v11 =	vld [tilespmem:s13+$0xC740]  }
0xf8: {  	v9 =	vld [tilespmem:s13+$0xC750];
	v15 =	vmul.f32 v10, v15  }
0xf9: {  	s14 =	simm.s32 $0x200;
	v14 =	vmul.f32 v14, v16;
	v10 =	vld [tilespmem:s13+$0xC760]  }
.LBB2_9:
0xfa: {  	s15 =	sshra.s32 s14, $0x2;
	p2 =	sne.s32 s14, $0x9E00;
	[tilespmem:s13+$0xC700] =	vst v15;
	v8 =	vmul.f32 v8, v13;
	v13 =	vld [tilespmem:s13+$0xC770]  }
0xfb: {  	v15 =	vld [tilespmem:s15+$0x11700];
	[tilespmem:s13+$0xC710] =	vst v14;
	v7 =	vmul.f32 v7, v12  }
0xfc: {  	v14 =	vld [tilespmem:s15+$0x11710];
	[tilespmem:s13+$0xC720] =	vst v8;
	v6 =	vmul.f32 v6, v11  }
0xfd: {  	v8 =	vld [tilespmem:s15+$0x11720];
	[tilespmem:s13+$0xC730] =	vst v7;
	v5 =	vmul.f32 v5, v9  }
0xfe: {  	v7 =	vld [tilespmem:s15+$0x11730];
	[tilespmem:s13+$0xC740] =	vst v6;
	v4 =	vmul.f32 v4, v10  }
0xff: {  	v6 =	vld [tilespmem:s15+$0x11740];
	[tilespmem:s13+$0xC750] =	vst v5;
	v3 =	vmul.f32 v3, v13  }
0x100: {  	v5 =	vld [tilespmem:s15+$0x11750];
	[tilespmem:s13+$0xC760] =	vst v4  }
0x101: {  	v4 =	vld [tilespmem:s15+$0x11760];
	[tilespmem:s13+$0xC770] =	vst v3;
	s13 =	smov.u32 s15  }
0x102: {  	v3 =	vld [tilespmem:s13+$0x11770]  }
0x103: {  	v9 =	vld [tilespmem:s13+$0xC700]  }
0x104: {  	v10 =	vld [tilespmem:s13+$0xC710]  }
.Ltmp8:
0x105: {  	v13 =	vld [tilespmem:s13+$0xC720];
	(pc) =	sbr.rel @p2 .LBB2_9-.Ltmp8, $4  }
0x106: {  	v12 =	vld [tilespmem:s13+$0xC730]  }
0x107: {  	v11 =	vld [tilespmem:s13+$0xC740]  }
0x108: {  	v15 =	vmul.f32 v15, v9;
	v9 =	vld [tilespmem:s13+$0xC750]  }
0x109: {  	s14 =	sadd.s32 $0x200, s14;
	v14 =	vmul.f32 v14, v10;
	v10 =	vld [tilespmem:s13+$0xC760]  }
0x10a: {  	[tilespmem:s13+$0xC700] =	vst v15;
	v8 =	vmul.f32 v8, v13;
	v63 =	vld [tilespmem:s13+$0xC770]  }
0x10b: {  	[tilespmem:s13+$0xC710] =	vst v14;
	v7 =	vmul.f32 v7, v12  }
0x10c: {  	[tilespmem:s13+$0xC720] =	vst v8;
	v6 =	vmul.f32 v6, v11  }
0x10d: {  	[tilespmem:s13+$0xC730] =	vst v7;
	v5 =	vmul.f32 v5, v9  }
0x10e: {  	[tilespmem:s13+$0xC740] =	vst v6;
	v4 =	vmul.f32 v4, v10  }
0x10f: {  	s11 =	smul.u32 $0x140, s11;
	[tilespmem:s13+$0xC750] =	vst v5;
	v3 =	vmul.f32 v3, v63  }
0x110: {  	[tilespmem:s13+$0xC760] =	vst v4  }
0x111: {  	s11 =	sshra.s32 s11, $0x2;
	[tilespmem:s13+$0xC770] =	vst v3  }
0x112: {  	v3 =	vld.idx.msk [tilespmem:v2+s11+$0x0 ss:$0x1], $0xffff;
	_ =	sdelay $0x4  }
0x113: {  	vm0 =	vlt.s32 @p1 v3, $0x1388;
	v4 =	vadd.s32 @p1 $0xFFFFEC78, v3  }
0x114: {  	v4 =	vsel @p1 vm0, $0x13B0, v4  }
0x115: {  	[tilespmem:$0x9E00] =	vst @p1 v4  }
0x116: {  	v4 =	vld.idx.msk @p1 [tilespmem:v2+s11+$0x10 ss:$0x1], $0xffff;
	_ =	sdelay $0x4  }
0x117: {  	vm0 =	vlt.s32 @p1 v4, $0x1388;
	v4 =	vadd.s32 @p1 $0xFFFFEC78, v4  }
0x118: {  	v4 =	vsel @p1 vm0, $0x13B0, v4  }
0x119: {  	[tilespmem:$0x9E10] =	vst @p1 v4  }
0x11a: {  	v4 =	vld.idx.msk @p1 [tilespmem:v2+s11+$0x20 ss:$0x1], $0xffff;
	_ =	sdelay $0x4  }
0x11b: {  	vm0 =	vlt.s32 @p1 v4, $0x1388;
	v4 =	vadd.s32 @p1 $0xFFFFEC78, v4  }
0x11c: {  	v4 =	vsel @p1 vm0, $0x13B0, v4  }
0x11d: {  	[tilespmem:$0x9E20] =	vst @p1 v4  }
0x11e: {  	v4 =	vld.idx.msk @p1 [tilespmem:v2+s11+$0x30 ss:$0x1], $0xffff;
	_ =	sdelay $0x4  }
0x11f: {  	vm0 =	vlt.s32 @p1 v4, $0x1388;
	v4 =	vadd.s32 @p1 $0xFFFFEC78, v4  }
0x120: {  	v4 =	vsel @p1 vm0, $0x13B0, v4  }
0x121: {  	[tilespmem:$0x9E30] =	vst @p1 v4  }
0x122: {  	v4 =	vld.idx.msk @p1 [tilespmem:v2+s11+$0x40 ss:$0x1], $0xffff;
	[tilespmem:$0x9E00] =	vst @!p1 v3  }
0x123: {  	v3 =	vld.idx.msk @!p1 [tilespmem:v2+s11+$0x10 ss:$0x1], $0xffff;
	_ =	sdelay $0x4  }
0x124: {  	[tilespmem:$0x9E10] =	vst @!p1 v3  }
0x125: {  	v3 =	vld.idx.msk @!p1 [tilespmem:v2+s11+$0x20 ss:$0x1], $0xffff;
	_ =	sdelay $0x4  }
0x126: {  	[tilespmem:$0x9E20] =	vst @!p1 v3  }
0x127: {  	v3 =	vld.idx.msk @!p1 [tilespmem:v2+s11+$0x30 ss:$0x1], $0xffff;
	_ =	sdelay $0x4  }
0x128: {  	[tilespmem:$0x9E30] =	vst @!p1 v3  }
0x129: {  	v3 =	vld.idx.msk @!p1 [tilespmem:v2+s11+$0x40 ss:$0x1], $0xffff;
	_ =	sdelay $0x2  }
0x12a: {  	vm0 =	vlt.s32 @p1 v4, $0x1388;
	v4 =	vadd.s32 @p1 $0xFFFFEC78, v4  }
0x12b: {  	v4 =	vsel @p1 vm0, $0x13B0, v4  }
0x12c: {  	v3 =	vpsel p1, v4, v3  }
.Ltmp9:
0x12d: {  	[tilespmem:$0x9E40] =	vst v3;
	(pc) =	sbr.rel .LBB2_11-.Ltmp9, $4  }
0x12e: {  	[spmem:s3] =	stream.indirect.scatter.add.f32 [tilespmem:s30], [sflag:$0x5], $0x80, s29, s23, $0xb8;
	[tilespmem:$0x1DF00] =	vst v63  }
0x12f: {  	_ =	swait.ge [sflag:s18], $0x2800  }
0x130: {  	[sflag:s18] =	ssyncset.done $0x0  }
0x131: {  	[sflag:s18] =	ssyncadd.s32 $0xFFFFD800  }
.LBB2_12:
.Ltmp10:
0x132: {  	(pc) =	sbr.rel @p1 .LBB2_16-.Ltmp10, $1  }
0x133: {  	_ =	sdelay $0x3  }
0x134: {  	s1 =	rddreg [dreg:$0x6]  }
0x135: {  	s1 =	sadd.s32 s1, s19  }
0x136: {  	p2 =	slt.s32 s1, $0x4E1B0;
	s2 =	smov.u32 s1  }
0x137: {  	s8 =	sld [smem:$0x7FF];
	s2 =	simm.s32 @!p2 $0x4E1B0  }
0x138: {  	s10 =	sand.u32 $0x7, s2  }
0x139: {  	p2 =	seq.s32 s10, $0x0  }
0x13a: {  	p3 =	sne.s32 @!p2 s8, $0x1  }
0x13b: {  	p3 =	por !p3, p2  }
0x13c: {  	s8 =	sor.u32 @!p3 $0x100000, s9  }
0x13d: {  	s10 =	simm.s32 @!p3 $0x0;
	[smem:s8], [sflag:$0x0] =	smem.add.s32 @!p3 $0x2D5  }
0x13e: {  	s8 =	simm.s32 @!p3 $0x1;
	_ =	swait.done @!p3 [sflag:s10]  }
0x13f: {  	[smem:$0x7FF] =	sst @!p3 s8  }
0x140: {  	_ =	sint @!p3 $0x2  }
0x141: {  	_ =	swait.notdone @!p3 [sflag:s10]  }
0x142: {  	s8 =	sshrl.u32 s2, $0x3;
	s10 =	rddreg [dreg:$0x1]  }
0x143: {  	s11 =	simm.s32 $0x0;
	s13 =	simm.s32 $0x9E80;
	s10 =	sadd.s32 s10, s8  }
0x144: {  	[tilespmem:s13], [sflag:$0x5] =	stream.linear.gather [hbm4b:s10+s11], $0x50, $0x38;
	[tilespmem:$0x1DF00] =	vst v63  }
0x145: {  	_ =	swait.ge [sflag:s18], $0x50  }
0x146: {  	s21 =	sshll.u32 s2, $0x4;
	[sflag:s18] =	ssyncset.done $0x0  }
0x147: {  	s10 =	sand.u32 $0xFFFFFF0, s21;
	[sflag:s18] =	ssyncadd.s32 $0xFFFFFFB0  }
0x148: {  	[tilespmem:s17], [sflag:$0x1] =	stream.indirect.gather [hbm4b:s6+s23], $0x80, s13, s23, $0xb8;
	[tilespmem:$0x1DF00] =	vst v63  }
0x149: {  	s31 =	simm.s32 $0xEF00;
	s10 =	sadd.s32 s7, s10  }
0x14a: {  	[tilespmem:s31], [sflag:$0x5] =	stream.linear.gather [hbm4b:s10+s11], $0x2800, $0x38;
	[tilespmem:$0x1DF00] =	vst v63  }
0x14b: {  	_ =	swait.ge [sflag:s18], $0x2800  }
0x14c: {  	[sflag:s18] =	ssyncset.done $0x0  }
0x14d: {  	[sflag:s18] =	ssyncadd.s32 $0xFFFFD800  }
0x14e: {  	_ =	swait.ge [sflag:s20], $0x2800  }
0x14f: {  	[sflag:s20] =	ssyncset.done $0x0  }
0x150: {  	s10 =	simm.s32 $0x0;
	[sflag:s20] =	ssyncadd.s32 $0xFFFFD800  }
0x151: {  	v9 =	vld [tilespmem:s10+$0xEF00]  }
0x152: {  	v13 =	vld [tilespmem:s10+$0xEF10]  }
0x153: {  	v7 =	vld [tilespmem:s10+$0xEF20]  }
0x154: {  	v6 =	vld [tilespmem:s10+$0xEF30]  }
0x155: {  	v5 =	vld [tilespmem:s10+$0xEF40]  }
0x156: {  	v4 =	vld [tilespmem:s10+$0xEF50]  }
0x157: {  	v3 =	vld [tilespmem:s10+$0xEF60]  }
0x158: {  	v2 =	vld [tilespmem:s10+$0xEF70]  }
0x159: {  	v14 =	vld [tilespmem:s10+$0x9F00]  }
0x15a: {  	v15 =	vld [tilespmem:s10+$0x9F10]  }
0x15b: {  	v12 =	vld [tilespmem:s10+$0x9F20]  }
0x15c: {  	v11 =	vld [tilespmem:s10+$0x9F30]  }
0x15d: {  	v10 =	vld [tilespmem:s10+$0x9F40]  }
0x15e: {  	v8 =	vld [tilespmem:s10+$0x9F50];
	v14 =	vmul.f32 v9, v14  }
0x15f: {  	s14 =	simm.s32 $0x9E80;
	s11 =	simm.s32 $0x200;
	v13 =	vmul.f32 v13, v15;
	v9 =	vld [tilespmem:s10+$0x9F60]  }
.LBB2_14:
0x160: {  	s13 =	sshra.s32 s11, $0x2;
	p3 =	sne.s32 s11, $0x9E00;
	[tilespmem:s10+$0x9F00] =	vst v14;
	v7 =	vmul.f32 v7, v12;
	v12 =	vld [tilespmem:s10+$0x9F70]  }
0x161: {  	v14 =	vld [tilespmem:s13+$0xEF00];
	[tilespmem:s10+$0x9F10] =	vst v13;
	v6 =	vmul.f32 v6, v11  }
0x162: {  	v13 =	vld [tilespmem:s13+$0xEF10];
	[tilespmem:s10+$0x9F20] =	vst v7;
	v5 =	vmul.f32 v5, v10  }
0x163: {  	v7 =	vld [tilespmem:s13+$0xEF20];
	[tilespmem:s10+$0x9F30] =	vst v6;
	v4 =	vmul.f32 v4, v8  }
0x164: {  	v6 =	vld [tilespmem:s13+$0xEF30];
	[tilespmem:s10+$0x9F40] =	vst v5;
	v3 =	vmul.f32 v3, v9  }
0x165: {  	v5 =	vld [tilespmem:s13+$0xEF40];
	[tilespmem:s10+$0x9F50] =	vst v4;
	v2 =	vmul.f32 v2, v12  }
0x166: {  	v4 =	vld [tilespmem:s13+$0xEF50];
	[tilespmem:s10+$0x9F60] =	vst v3  }
0x167: {  	v3 =	vld [tilespmem:s13+$0xEF60];
	[tilespmem:s10+$0x9F70] =	vst v2;
	s10 =	smov.u32 s13  }
0x168: {  	v2 =	vld [tilespmem:s10+$0xEF70]  }
0x169: {  	v8 =	vld [tilespmem:s10+$0x9F00]  }
0x16a: {  	v9 =	vld [tilespmem:s10+$0x9F10]  }
.Ltmp11:
0x16b: {  	v12 =	vld [tilespmem:s10+$0x9F20];
	(pc) =	sbr.rel @p3 .LBB2_14-.Ltmp11, $4  }
0x16c: {  	v11 =	vld [tilespmem:s10+$0x9F30]  }
0x16d: {  	v10 =	vld [tilespmem:s10+$0x9F40]  }
0x16e: {  	v14 =	vmul.f32 v14, v8;
	v8 =	vld [tilespmem:s10+$0x9F50]  }
0x16f: {  	s11 =	sadd.s32 $0x200, s11;
	v13 =	vmul.f32 v13, v9;
	v9 =	vld [tilespmem:s10+$0x9F60]  }
0x170: {  	[tilespmem:s10+$0x9F00] =	vst v14;
	v7 =	vmul.f32 v7, v12;
	v56 =	vld [tilespmem:s10+$0x9F70]  }
0x171: {  	s11 =	sld [smem:$0x7FF];
	[tilespmem:s10+$0x9F10] =	vst v13;
	v6 =	vmul.f32 v6, v11  }
0x172: {  	[tilespmem:s10+$0x9F20] =	vst v7;
	v5 =	vmul.f32 v5, v10  }
0x173: {  	[tilespmem:s10+$0x9F30] =	vst v6;
	v4 =	vmul.f32 v4, v8  }
0x174: {  	p3 =	sne.s32 @!p2 s11, $0x1;
	[tilespmem:s10+$0x9F40] =	vst v5;
	v3 =	vmul.f32 v3, v9  }
0x175: {  	p2 =	por !p3, p2;
	[tilespmem:s10+$0x9F50] =	vst v4;
	v2 =	vmul.f32 v2, v56  }
0x176: {  	s11 =	sor.u32 @!p2 $0x100000, s9;
	[tilespmem:s10+$0x9F60] =	vst v3  }
0x177: {  	[smem:s11], [sflag:$0x0] =	smem.add.s32 @!p2 $0x301;
	[tilespmem:s10+$0x9F70] =	vst v2;
	s10 =	simm.s32 @!p2 $0x0  }
0x178: {  	s11 =	simm.s32 @!p2 $0x1;
	_ =	swait.done @!p2 [sflag:s10]  }
0x179: {  	[smem:$0x7FF] =	sst @!p2 s11  }
0x17a: {  	_ =	sint @!p2 $0x2  }
0x17b: {  	_ =	swait.notdone @!p2 [sflag:s10]  }
0x17c: {  	s10 =	rddreg [dreg:$0x2]  }
0x17d: {  	s8 =	sadd.s32 s10, s8  }
0x17e: {  	[tilespmem:s14], [sflag:$0x5] =	stream.linear.gather [hbm4b:s8+s5], $0x50, $0x38;
	[tilespmem:$0x1DF00] =	vst v63  }
0x17f: {  	_ =	swait.ge [sflag:s18], $0x50  }
0x180: {  	[sflag:s18] =	ssyncset.done $0x0  }
0x181: {  	[sflag:s18] =	ssyncadd.s32 $0xFFFFFFB0  }
0x182: {  	v2 =	vld [tilespmem:$0x9E80]  }
0x183: {  	v3 =	vld [tilespmem:$0x9E90]  }
0x184: {  	v57 =	vld [tilespmem:$0x9EA0]  }
0x185: {  	v60 =	vld [tilespmem:$0x9EB0]  }
0x186: {  	v58 =	vadd.s32 s2, v1;
	s16 =	sadd.s32 $0x10, s2;
	s19 =	sadd.s32 $0x20, s2;
	v62 =	vld [tilespmem:$0x9EC0]  }
0x187: {  	s21 =	sadd.s32 $0x30, s2;
	vm0 =	vge.s32 v58, s1;
	v59 =	vadd.s32 s16, v1;
	v61 =	vadd.s32 s19, v1  }
0x188: {  	v63 =	vadd.s32 s21, v1;
	vm8 =	vge.s32 v59, s1;
	vm3 =	vge.s32 v61, s1  }
0x189: {  	vm11 =	vge.s32 v63, s1;
	vm1 =	vlt.s32 v2, $0x1388;
	vm2 =	vlt.s32 v3, $0x1388  }
0x18a: {  	vm4 =	vlt.s32 v57, $0x1388;
	vm12 =	vlt.s32 v60, $0x1388;
	vm0 =	vmand vm0, vm1  }
0x18b: {  	s31 =	sadd.s32 $0x40, s2;
	vm14 =	vlt.s32 v62, $0x1388;
	vm9 =	vmand vm8, vm2;
	v2 =	vnsel vm0, $0x13B0, v2  }
0x18c: {  	vm10 =	vmand vm3, vm4;
	v3 =	vnsel vm9, $0x13B0, v3;
	[tilespmem:$0x9D80] =	vst v2;
	v2 =	vadd.s32 s31, v1  }
0x18d: {  	v4 =	vnsel vm10, $0x13B0, v57;
	vm0 =	vmand vm11, vm12;
	[tilespmem:$0x9D90] =	vst v3;
	vm13 =	vge.s32 v2, s1  }
0x18e: {  	[tilespmem:$0x9DA0] =	vst v4;
	v2 =	vnsel vm0, $0x13B0, v60;
	vm15 =	vmand vm13, vm14  }
0x18f: {  	[tilespmem:$0x9DB0] =	vst v2;
	v2 =	vnsel vm15, $0x13B0, v62  }
.Ltmp12:
0x190: {  	[tilespmem:$0x9DC0] =	vst v2;
	(pc) =	sbr.rel .LBB2_16-.Ltmp12, $4  }
0x191: {  	[spmem:s3] =	stream.indirect.scatter.add.f32 [tilespmem:s17], [sflag:$0x5], $0x80, s24, s23, $0xb8;
	[tilespmem:$0x1DF00] =	vst v63  }
0x192: {  	_ =	swait.ge [sflag:s18], $0x2800  }
0x193: {  	[sflag:s18] =	ssyncset.done $0x0  }
0x194: {  	[sflag:s18] =	ssyncadd.s32 $0xFFFFD800  }
.LBB2_17:
0x195: {  	_ =	sfence.sel $0x180000  }
0x196: {  	[bflag:$0x0] =	sbarrier.arrive $0xFFFF  }
0x197: {  	_ =	strace $0x90000047  }
0x198: {  	[bflag:$0x2] =	sbarrier.arrive $0xFFFF  }
0x199: {  	p0 =	sne.s32 s4, $0x0;
	s0 =	rddreg [dreg:$0x4]  }
0x19a: {  	s0 =	sadd.s32 @!p0 $0x100000, s0  }
0x19b: {  	[sflag:s0] =	ssyncadd.tile.s32 @!p0 $0x1;
	_ =	shalt  }
.Lfunc_end2:
_tile_overlayer_lowered:
.L_overlay_start_2:
0x19c: {  	(tag) =	ssettag $0x2  }
0x19d: {  	s0 =	rddreg [dreg:$0x0];
	s2 =	stileid.u32  }
0x19e: {  	s1 =	rddreg [dreg:$0x1];
	p0 =	sne.s32 s2, $0x0  }
0x19f: {  	s3 =	rddreg [dreg:$0x2];
	[bflag:$0x3] =	sbarrier.arrive $0xFFFF;
	s2 =	simm.s32 @!p0 $0x1C05  }
0x1a0: {  	[timem:s3], [sflag:s2] =	dma.local @!p0 [hbm:s0], s1  }
0x1a1: {  	s0 =	simm.s32 @!p0 $0x5  }
0x1a2: {  	_ =	swait.ge @!p0 [sflag:s0], s1  }
0x1a3: {  	s1 =	ssub.s32 @!p0 $0x0, s1;
	[sflag:s0] =	ssyncset.done @!p0 $0x0  }
0x1a4: {  	[sflag:s0] =	ssyncadd.s32 @!p0 s1  }
0x1a5: {  	[bflag:$0x3] =	sbarrier.arrive $0xFFFF  }
0x1a6: {  	_ =	shalt  }

</sc_bundles>
